<compile_context>
chip_gen: v7x
topology: tpu7x:2x2x1
jax: 0.10.2.dev20260603
libtpu: 0.0.44.dev20260713+nightly
codegen_flags: <defaults>
</compile_context>

<pallas_src>
import functools

import jax
import jax.numpy as jnp
from jax import lax
from jax.experimental import pallas as pl
from jax.experimental.pallas import tpu as pltpu
from jax.experimental.pallas import tpu_sc as plsc

N = 10000
E = 320000
H = 128
G = 64
NC = 2
NS = 16
EPT = E // (NC * NS)
K = 104
CC = EPT // K
KT = EPT - CC * K
RPT = 640
RLAST = N - (NS - 1) * RPT
NPAD = 10240
DCOL = NPAD // NS

_SC_MESH = plsc.VectorSubcoreMesh(core_axis_name="c", subcore_axis_name="s",
                                  num_cores=NC, num_subcores=NS)


@functools.partial(
    pl.kernel,
    out_type=jax.ShapeDtypeStruct((NC, NPAD), jnp.float32),
    mesh=_SC_MESH,
    scratch_types=[
        pltpu.VMEM((EPT,), jnp.int32),
        pltpu.VMEM((NPAD,), jnp.float32),
        pltpu.VMEM((NS, DCOL), jnp.float32),
        pltpu.VMEM_SHARED((NS, NPAD), jnp.float32),
    ],
    compiler_params=pltpu.CompilerParams(needs_layout_passes=False),
)
def _deg_kernel(ei_hbm, deg_hbm, dst_v, cnt_v, tmp_v, stage_sh):
    c = lax.axis_index("c")
    s = lax.axis_index("s")
    w = c * NS + s
    pltpu.sync_copy(ei_hbm.at[1, w], dst_v)
    zero = jnp.zeros((16,), jnp.float32)

    def zbody(i, carry):
        cnt_v[pl.ds(i * 16, 16)] = zero
        return carry

    lax.fori_loop(0, NPAD // 16, zbody, 0)
    ones = jnp.full((16,), 1.0, jnp.float32)

    def cbody(t, carry):
        idx = dst_v[pl.ds(t * 16, 16)]
        plsc.addupdate_scatter(cnt_v, [idx], ones)
        return carry

    lax.fori_loop(0, EPT // 16, cbody, 0)
    pltpu.sync_copy(cnt_v, stage_sh.at[s])
    plsc.subcore_barrier()
    col0 = s * DCOL
    pltpu.sync_copy(stage_sh.at[:, pl.ds(col0, DCOL)], tmp_v)

    def rbody(k, carry):
        acc = tmp_v[0, pl.ds(k * 16, 16)]
        for r in range(1, NS):
            acc = acc + tmp_v[r, pl.ds(k * 16, 16)]
        cnt_v[pl.ds(k * 16, 16)] = acc
        return carry

    lax.fori_loop(0, DCOL // 16, rbody, 0)
    pltpu.sync_copy(cnt_v.at[pl.ds(0, DCOL)], deg_hbm.at[c, pl.ds(col0, DCOL)])


@functools.partial(
    pl.kernel,
    out_type=jax.ShapeDtypeStruct((NC, N, H), jnp.float32),
    mesh=_SC_MESH,
    scratch_types=[
        pltpu.VMEM((EPT,), jnp.int32),
        pltpu.VMEM((EPT,), jnp.int32),
        pltpu.VMEM((2, K, H), jnp.float32),
        pltpu.VMEM((KT, H), jnp.float32),
        pltpu.VMEM_SHARED((N, H), jnp.float32),
        pltpu.SemaphoreType.DMA((2,)),
    ],
    compiler_params=pltpu.CompilerParams(needs_layout_passes=False,
                                         use_tc_tiling_on_sc=False),
)
def _prop_kernel(g_hbm, z_hbm, ei_hbm, out_hbm,
                 src_v, dst_v, rows_v, tail_v, acc_sh, gsem):
    c = lax.axis_index("c")
    s = lax.axis_index("s")
    w = c * NS + s
    pltpu.sync_copy(ei_hbm.at[0, w], src_v)
    pltpu.sync_copy(ei_hbm.at[1, w], dst_v)
    base = s * RPT
    last = s == NS - 1

    @pl.when(jnp.logical_and(c == 0, ~last))
    def _():
        pltpu.sync_copy(g_hbm.at[pl.ds(base, RPT)], acc_sh.at[pl.ds(base, RPT)])

    @pl.when(jnp.logical_and(c == 0, last))
    def _():
        pltpu.sync_copy(g_hbm.at[pl.ds((NS - 1) * RPT, RLAST)],
                        acc_sh.at[pl.ds((NS - 1) * RPT, RLAST)])

    @pl.when(jnp.logical_and(c == 1, ~last))
    def _():
        pltpu.sync_copy(z_hbm.at[pl.ds(base, RPT)], acc_sh.at[pl.ds(base, RPT)])

    @pl.when(jnp.logical_and(c == 1, last))
    def _():
        pltpu.sync_copy(z_hbm.at[pl.ds((NS - 1) * RPT, RLAST)],
                        acc_sh.at[pl.ds((NS - 1) * RPT, RLAST)])

    plsc.subcore_barrier()

    def gath(j, b):
        pltpu.async_copy(g_hbm.at[src_v.at[pl.ds(j * K, K)]], rows_v.at[b],
                         gsem.at[b])

    def gwait(j, b):
        pltpu.make_async_copy(g_hbm.at[src_v.at[pl.ds(j * K, K)]],
                              rows_v.at[b], gsem.at[b]).wait()

    def scat(j, b):
        pltpu.sync_copy(rows_v.at[b], acc_sh.at[dst_v.at[pl.ds(j * K, K)]],
                        add=True)

    gath(0, 0)
    nbody = (CC - 1) // 2

    def body(i, carry):
        j = 2 * i
        gath(j + 1, 1)
        gwait(j, 0)
        scat(j, 0)
        gath(j + 2, 0)
        gwait(j + 1, 1)
        scat(j + 1, 1)
        return carry

    lax.fori_loop(0, nbody, body, 0)
    if CC - 2 * nbody == 2:
        gath(CC - 1, 1)
        gwait(CC - 2, 0)
        scat(CC - 2, 0)
        gwait(CC - 1, 1)
        scat(CC - 1, 1)
    else:
        gwait(CC - 1, 0)
        scat(CC - 1, 0)
    pltpu.sync_copy(g_hbm.at[src_v.at[pl.ds(CC * K, KT)]], tail_v)
    pltpu.sync_copy(tail_v, acc_sh.at[dst_v.at[pl.ds(CC * K, KT)]], add=True)
    plsc.subcore_barrier()

    @pl.when(s < NS - 1)
    def _():
        pltpu.sync_copy(acc_sh.at[pl.ds(base, RPT)],
                        out_hbm.at[c, pl.ds(base, RPT)])

    @pl.when(s == NS - 1)
    def _():
        pltpu.sync_copy(acc_sh.at[pl.ds((NS - 1) * RPT, RLAST)],
                        out_hbm.at[c, pl.ds((NS - 1) * RPT, RLAST)])


BN = 2000
NB = N // BN


def _pre_body(degp_ref, x_ref, w_ref, dinv_ref, g_ref):
    deg = degp_ref[0] + degp_ref[1] + 1.0
    dinv = lax.rsqrt(jnp.maximum(deg, 1.0))
    dinv_ref[...] = dinv
    g_ref[...] = dinv * jnp.dot(x_ref[...], w_ref[...],
                                preferred_element_type=jnp.float32)


def _mid_body(p_ref, dinv_ref, b_ref, w_ref, o_ref):
    dv = dinv_ref[...]
    a = jnp.maximum(dv * (p_ref[0] + p_ref[1]) + b_ref[...], 0.0)
    o_ref[...] = jnp.dot(dv * a, w_ref[...],
                         preferred_element_type=jnp.float32)


def _final_body(p_ref, dinv_ref, b_ref, batch_ref, wl_ref, bl_ref, o_ref,
                sums_ref, cnt_ref):
    i = pl.program_id(0)

    @pl.when(i == 0)
    def _():
        sums_ref[...] = jnp.zeros_like(sums_ref)
        cnt_ref[...] = jnp.zeros_like(cnt_ref)

    h = dinv_ref[...] * (p_ref[0] + p_ref[1]) + b_ref[...]
    seg = lax.broadcasted_iota(jnp.int32, (G, BN), 0)
    pmat = (seg == batch_ref[0]).astype(jnp.float32)
    sums_ref[...] += jnp.dot(pmat, h, preferred_element_type=jnp.float32)
    cnt_ref[...] += jnp.dot(pmat, jnp.ones((BN, 1), jnp.float32),
                            preferred_element_type=jnp.float32)

    @pl.when(i == NB - 1)
    def _():
        pooled = sums_ref[...] / jnp.maximum(cnt_ref[...], 1.0)
        o_ref[...] = pooled @ wl_ref[...] + bl_ref[...]


def _row_spec(cols):
    return pl.BlockSpec((BN, cols), lambda i: (i, 0))


def _fix_spec(rows, cols):
    return pl.BlockSpec((rows, cols), lambda i: (0, 0))


def kernel(x, edge_index, batch, W1, b1, W2, b2, W3, b3, Wlin, blin):
    f32 = jnp.float32
    ei3 = edge_index.reshape(2, NC * NS, EPT)
    batch5 = batch.reshape(NB, 1, BN)
    zeros = jnp.zeros((N, H), f32)

    degp = _deg_kernel(ei3)
    degp_col = degp.reshape(NC, NPAD, 1)

    dinv, g1 = pl.pallas_call(
        _pre_body,
        grid=(NB,),
        in_specs=[pl.BlockSpec((NC, BN, 1), lambda i: (0, i, 0)),
                  _row_spec(H), _fix_spec(H, H)],
        out_specs=(_row_spec(1), _row_spec(H)),
        out_shape=(jax.ShapeDtypeStruct((N, 1), f32),
                   jax.ShapeDtypeStruct((N, H), f32)),
    )(degp_col, x, W1)

    def mid(p, b, W):
        return pl.pallas_call(
            _mid_body,
            grid=(NB,),
            in_specs=[pl.BlockSpec((NC, BN, H), lambda i: (0, i, 0)),
                      _row_spec(1), _fix_spec(1, H), _fix_spec(H, H)],
            out_specs=_row_spec(H),
            out_shape=jax.ShapeDtypeStruct((N, H), f32),
        )(p, dinv, b.reshape(1, H), W)

    p1 = _prop_kernel(g1, zeros, ei3)
    g2 = mid(p1, b1, W2)
    p2 = _prop_kernel(g2, zeros, ei3)
    g3 = mid(p2, b2, W3)
    p3 = _prop_kernel(g3, zeros, ei3)

    C = Wlin.shape[1]
    out = pl.pallas_call(
        _final_body,
        grid=(NB,),
        in_specs=[pl.BlockSpec((NC, BN, H), lambda i: (0, i, 0)),
                  _row_spec(1), _fix_spec(1, H),
                  pl.BlockSpec((1, 1, BN), lambda i: (i, 0, 0)),
                  _fix_spec(H, C), _fix_spec(1, C)],
        out_specs=_fix_spec(G, C),
        out_shape=jax.ShapeDtypeStruct((G, C), f32),
        scratch_shapes=[pltpu.VMEM((G, H), f32), pltpu.VMEM((G, 1), f32)],
    )(p3, dinv, b3.reshape(1, H), batch5, Wlin, blin.reshape(1, C))
    return out

# --- scband reference (transcript-rebuilt; emitter-appended) ---
"""Pipeline reference for scband-gcn-59425167507914 (READ-ONLY COPY).

The authoritative reference and input builder live on the scoring server;
editing this copy changes nothing except your own understanding.
"""

import jax, jax.numpy as jnp
import numpy as np

N = 10000
E = 320000
F_IN = 128
H = 128
C = 10
G = 64


def _gcn_conv(x, src, dst, W, b, num_nodes):
    # add self loops
    loop = jnp.arange(num_nodes, dtype=src.dtype)
    s = jnp.concatenate([src, loop])
    d = jnp.concatenate([dst, loop])
    deg = jnp.zeros((num_nodes,), dtype=x.dtype).at[d].add(1.0)
    dinv = jax.lax.rsqrt(jnp.maximum(deg, 1.0))
    norm = dinv[s] * dinv[d]
    h = x @ W
    msg = h[s] * norm[:, None]
    out = jnp.zeros((num_nodes, h.shape[1]), dtype=x.dtype).at[d].add(msg)
    return out + b


def setup_inputs(seed: int = 0):
    key = jax.random.key(seed)
    ks = jax.random.split(key, 12)
    x = jax.random.normal(ks[0], (N, F_IN), dtype=jnp.float32)
    edge_index = jax.random.randint(ks[1], (2, E), 0, N, dtype=jnp.int32)
    batch = jnp.sort(jax.random.randint(ks[2], (N,), 0, G, dtype=jnp.int32))
    def glorot(k, fan_in, fan_out):
        return jax.random.normal(k, (fan_in, fan_out), dtype=jnp.float32) * (1.0 / np.sqrt(fan_in))
    W1 = glorot(ks[3], F_IN, H)
    b1 = jnp.zeros((H,), dtype=jnp.float32)
    W2 = glorot(ks[4], H, H)
    b2 = jnp.zeros((H,), dtype=jnp.float32)
    W3 = glorot(ks[5], H, H)
    b3 = jnp.zeros((H,), dtype=jnp.float32)
    Wlin = glorot(ks[6], H, C)
    blin = jnp.zeros((C,), dtype=jnp.float32)
    return {"x": x, "edge_index": edge_index, "batch": batch,
            "W1": W1, "b1": b1, "W2": W2, "b2": b2, "W3": W3, "b3": b3,
            "Wlin": Wlin, "blin": blin}


def reference(x, edge_index, batch, W1, b1, W2, b2, W3, b3, Wlin, blin):
    src, dst = edge_index[0], edge_index[1]
    h = _gcn_conv(x, src, dst, W1, b1, N)
    h = jax.nn.relu(h)
    h = _gcn_conv(h, src, dst, W2, b2, N)
    h = jax.nn.relu(h)
    h = _gcn_conv(h, src, dst, W3, b3, N)
    # global mean pool over graph ids
    sums = jax.ops.segment_sum(h, batch, num_segments=G)
    counts = jax.ops.segment_sum(jnp.ones((N,), dtype=h.dtype), batch, num_segments=G)
    pooled = sums / jnp.maximum(counts, 1.0)[:, None]
    # dropout is identity in eval mode (deterministic reference)
    out = pooled @ Wlin + blin
    return out

if __name__ == "__main__":
    import jax
    _d = setup_inputs()
    print(jax.jit(kernel)(*tuple(_d.values())))

</pallas_src>

<mosaic_0001>
#map = affine_map<(d0, d1) -> (0, 0, 0)>
#map1 = affine_map<(d0, d1) -> (0, 0)>
module attributes {stable_mosaic.version = 14 : i64} {
  func.func @_deg_kernel(%arg0: i32, %arg1: i32, %arg2: memref<2x32x10000xi32, #tpu.memory_space<hbm>>, %arg3: memref<2x10240xf32, #tpu.memory_space<hbm>>, %arg4: memref<10000xi32, #tpu.memory_space<vmem>>, %arg5: memref<10240xf32, #tpu.memory_space<vmem>>, %arg6: memref<16x640xf32, #tpu.memory_space<vmem>>, %arg7: memref<16x10240xf32, #tpu.memory_space<vmem_shared>>) attributes {dimension_semantics = [#tpu.dimension_semantics<core_parallel>, #tpu.dimension_semantics<subcore_parallel>], iteration_bounds = array<i64: 2, 16>, scalar_prefetch = 0 : i64, scratch_operands = 4 : i64, tpu.core_type = #tpu.core_type<sc_vector_subcore>, window_params = [{transform_indices = #map}, {transform_indices = #map1}]} {
    %mul3A = arith.constant 16 : i32
    %mul3A_0 = arith.muli %arg0, %mul3A : i32
    %add3A = arith.addi %mul3A_0, %arg1 : i32
    %run_scoped3A = arith.constant 1 : i32
    "tpu.region"() ({
      %run_scoped3A_23 = tpu.sem_alloc : memref<!tpu.dma_semaphore, #tpu.memory_space<semaphore_mem>>
      %dma_start3A = arith.constant 0 : i32
      %dma_start3A_24 = tpu.memref_slice %arg2[%run_scoped3A, %add3A, %dma_start3A] : memref<2x32x10000xi32, #tpu.memory_space<hbm>> -> memref<1x1x10000xi32, #tpu.memory_space<hbm>>
      %dma_start3A_25 = tpu.memref_squeeze %dma_start3A_24 : memref<1x1x10000xi32, #tpu.memory_space<hbm>> -> memref<10000xi32, #tpu.memory_space<hbm>>
      %dma_start3A_26 = arith.constant 0 : i32
      %dma_start3A_27 = tpu.memref_slice %arg2[%run_scoped3A, %add3A, %dma_start3A_26] : memref<2x32x10000xi32, #tpu.memory_space<hbm>> -> memref<1x1x10000xi32, #tpu.memory_space<hbm>>
      %dma_start3A_28 = tpu.memref_squeeze %dma_start3A_27 : memref<1x1x10000xi32, #tpu.memory_space<hbm>> -> memref<10000xi32, #tpu.memory_space<hbm>>
      tpu.enqueue_dma source(%dma_start3A_28 : memref<10000xi32, #tpu.memory_space<hbm>>) target(%arg4 : memref<10000xi32, #tpu.memory_space<vmem>>) target_semaphore(%run_scoped3A_23 : memref<!tpu.dma_semaphore, #tpu.memory_space<semaphore_mem>>)
      %dma_wait3A = arith.constant 0 : i32
      %dma_wait3A_29 = tpu.memref_slice %arg2[%run_scoped3A, %add3A, %dma_wait3A] : memref<2x32x10000xi32, #tpu.memory_space<hbm>> -> memref<1x1x10000xi32, #tpu.memory_space<hbm>>
      %dma_wait3A_30 = tpu.memref_squeeze %dma_wait3A_29 : memref<1x1x10000xi32, #tpu.memory_space<hbm>> -> memref<10000xi32, #tpu.memory_space<hbm>>
      %dma_wait3A_31 = arith.constant 0 : i32
      %dma_wait3A_32 = tpu.memref_slice %arg2[%run_scoped3A, %add3A, %dma_wait3A_31] : memref<2x32x10000xi32, #tpu.memory_space<hbm>> -> memref<1x1x10000xi32, #tpu.memory_space<hbm>>
      %dma_wait3A_33 = tpu.memref_squeeze %dma_wait3A_32 : memref<1x1x10000xi32, #tpu.memory_space<hbm>> -> memref<10000xi32, #tpu.memory_space<hbm>>
      tpu.wait_dma2 semaphore(%run_scoped3A_23 : memref<!tpu.dma_semaphore, #tpu.memory_space<semaphore_mem>>) src(%dma_wait3A_33 : memref<10000xi32, #tpu.memory_space<hbm>>) dst(%arg4 : memref<10000xi32, #tpu.memory_space<vmem>>)
      tpu.yield
    }) : () -> ()
    %broadcast_in_dim3A = arith.constant 0.000000e+00 : f32
    %broadcast_in_dim3A_1 = vector.broadcast %broadcast_in_dim3A : f32 to vector<16xf32>
    %scan3A = arith.constant 0 : i32
    %scan3A_2 = arith.constant 0 : i32
    %scan3A_3 = arith.constant 640 : i32
    %scan3A_4 = arith.addi %scan3A_2, %scan3A_3 : i32
    %scan3A_5 = arith.constant 1 : i32
    scf.for %scan3A_23 = %scan3A_2 to %scan3A_4 step %scan3A_5  : i32 {
      %mul3A_24 = arith.constant 16 : i32
      %mul3A_25 = arith.muli %scan3A_23, %mul3A_24 : i32
      %swap3A = arith.index_cast %mul3A_25 : i32 to index
      %swap3A_26 = tpu.vector_load %arg5[%swap3A] {strides = array<i32>} : memref<10240xf32, #tpu.memory_space<vmem>>, vector<16xf32>,
      tpu.vector_store %arg5[%swap3A], %broadcast_in_dim3A_1 {strides = array<i32>} : memref<10240xf32, #tpu.memory_space<vmem>>, vector<16xf32>,
    }
    %scan3A_6 = arith.constant 640 : i32
    %broadcast_in_dim3A_7 = arith.constant 1.000000e+00 : f32
    %broadcast_in_dim3A_8 = vector.broadcast %broadcast_in_dim3A_7 : f32 to vector<16xf32>
    %scan3A_9 = arith.constant 0 : i32
    %scan3A_10 = arith.constant 0 : i32
    %scan3A_11 = arith.constant 625 : i32
    %scan3A_12 = arith.addi %scan3A_10, %scan3A_11 : i32
    %scan3A_13 = arith.constant 1 : i32
    scf.for %scan3A_23 = %scan3A_10 to %scan3A_12 step %scan3A_13  : i32 {
      %mul3A_24 = arith.constant 16 : i32
      %mul3A_25 = arith.muli %scan3A_23, %mul3A_24 : i32
      %get3A = arith.index_cast %mul3A_25 : i32 to index
      %get3A_26 = tpu.vector_load %arg4[%get3A] {strides = array<i32>} : memref<10000xi32, #tpu.memory_space<vmem>>, vector<16xi32>,
      tpu.vector_store_idx %arg5[%get3A_26], %broadcast_in_dim3A_8 {add = true} : memref<10240xf32, #tpu.memory_space<vmem>>[vector<16xi32>], vector<16xf32>,
    }
    %scan3A_14 = arith.constant 625 : i32
    "tpu.region"() ({
      %run_scoped3A_23 = tpu.sem_alloc : memref<!tpu.dma_semaphore, #tpu.memory_space<semaphore_mem>>
      %dma_start3A = arith.constant 0 : i32
      %dma_start3A_24 = tpu.memref_slice %arg7[%arg1, %dma_start3A] : memref<16x10240xf32, #tpu.memory_space<vmem_shared>> -> memref<1x10240xf32, #tpu.memory_space<vmem_shared>>
      %dma_start3A_25 = tpu.memref_squeeze %dma_start3A_24 : memref<1x10240xf32, #tpu.memory_space<vmem_shared>> -> memref<10240xf32, #tpu.memory_space<vmem_shared>>
      %dma_start3A_26 = arith.constant 0 : i32
      %dma_start3A_27 = tpu.memref_slice %arg7[%arg1, %dma_start3A_26] : memref<16x10240xf32, #tpu.memory_space<vmem_shared>> -> memref<1x10240xf32, #tpu.memory_space<vmem_shared>>
      %dma_start3A_28 = tpu.memref_squeeze %dma_start3A_27 : memref<1x10240xf32, #tpu.memory_space<vmem_shared>> -> memref<10240xf32, #tpu.memory_space<vmem_shared>>
      tpu.enqueue_dma source(%arg5 : memref<10240xf32, #tpu.memory_space<vmem>>) target(%dma_start3A_28 : memref<10240xf32, #tpu.memory_space<vmem_shared>>) target_semaphore(%run_scoped3A_23 : memref<!tpu.dma_semaphore, #tpu.memory_space<semaphore_mem>>)
      %dma_wait3A = arith.constant 0 : i32
      %dma_wait3A_29 = tpu.memref_slice %arg7[%arg1, %dma_wait3A] : memref<16x10240xf32, #tpu.memory_space<vmem_shared>> -> memref<1x10240xf32, #tpu.memory_space<vmem_shared>>
      %dma_wait3A_30 = tpu.memref_squeeze %dma_wait3A_29 : memref<1x10240xf32, #tpu.memory_space<vmem_shared>> -> memref<10240xf32, #tpu.memory_space<vmem_shared>>
      %dma_wait3A_31 = arith.constant 0 : i32
      %dma_wait3A_32 = tpu.memref_slice %arg7[%arg1, %dma_wait3A_31] : memref<16x10240xf32, #tpu.memory_space<vmem_shared>> -> memref<1x10240xf32, #tpu.memory_space<vmem_shared>>
      %dma_wait3A_33 = tpu.memref_squeeze %dma_wait3A_32 : memref<1x10240xf32, #tpu.memory_space<vmem_shared>> -> memref<10240xf32, #tpu.memory_space<vmem_shared>>
      tpu.wait_dma2 semaphore(%run_scoped3A_23 : memref<!tpu.dma_semaphore, #tpu.memory_space<semaphore_mem>>) src(%arg5 : memref<10240xf32, #tpu.memory_space<vmem>>) dst(%dma_wait3A_33 : memref<10240xf32, #tpu.memory_space<vmem_shared>>)
      tpu.yield
    }) : () -> ()
    %barrier3A = arith.constant 0 : index
    tpu.barrier barrier_id(%barrier3A)
    %mul3A_15 = arith.constant 640 : i32
    %mul3A_16 = arith.muli %arg1, %mul3A_15 : i32
    "tpu.region"() ({
      %run_scoped3A_23 = tpu.sem_alloc : memref<!tpu.dma_semaphore, #tpu.memory_space<semaphore_mem>>
      %dma_start3A = arith.constant 0 : i32
      %dma_start3A_24 = tpu.memref_slice %arg7[%dma_start3A, %mul3A_16] : memref<16x10240xf32, #tpu.memory_space<vmem_shared>> -> memref<16x640xf32, #tpu.memory_space<vmem_shared>>
      %dma_start3A_25 = arith.constant 0 : i32
      %dma_start3A_26 = tpu.memref_slice %arg7[%dma_start3A_25, %mul3A_16] : memref<16x10240xf32, #tpu.memory_space<vmem_shared>> -> memref<16x640xf32, #tpu.memory_space<vmem_shared>>
      tpu.enqueue_dma source(%dma_start3A_26 : memref<16x640xf32, #tpu.memory_space<vmem_shared>>) target(%arg6 : memref<16x640xf32, #tpu.memory_space<vmem>>) target_semaphore(%run_scoped3A_23 : memref<!tpu.dma_semaphore, #tpu.memory_space<semaphore_mem>>)
      %dma_wait3A = arith.constant 0 : i32
      %dma_wait3A_27 = tpu.memref_slice %arg7[%dma_wait3A, %mul3A_16] : memref<16x10240xf32, #tpu.memory_space<vmem_shared>> -> memref<16x640xf32, #tpu.memory_space<vmem_shared>>
      %dma_wait3A_28 = arith.constant 0 : i32
      %dma_wait3A_29 = tpu.memref_slice %arg7[%dma_wait3A_28, %mul3A_16] : memref<16x10240xf32, #tpu.memory_space<vmem_shared>> -> memref<16x640xf32, #tpu.memory_space<vmem_shared>>
      tpu.wait_dma2 semaphore(%run_scoped3A_23 : memref<!tpu.dma_semaphore, #tpu.memory_space<semaphore_mem>>) src(%dma_wait3A_29 : memref<16x640xf32, #tpu.memory_space<vmem_shared>>) dst(%arg6 : memref<16x640xf32, #tpu.memory_space<vmem>>)
      tpu.yield
    }) : () -> ()
    %scan3A_17 = arith.constant 0 : i32
    %scan3A_18 = arith.constant 0 : i32
    %scan3A_19 = arith.constant 40 : i32
    %scan3A_20 = arith.addi %scan3A_18, %scan3A_19 : i32
    %scan3A_21 = arith.constant 1 : i32
    scf.for %scan3A_23 = %scan3A_18 to %scan3A_20 step %scan3A_21  : i32 {
      %mul3A_24 = arith.constant 16 : i32
      %mul3A_25 = arith.muli %scan3A_23, %mul3A_24 : i32
      %get3A = arith.constant 0 : i32
      %get3A_26 = arith.index_cast %get3A : i32 to index
      %get3A_27 = arith.index_cast %mul3A_25 : i32 to index
      %get3A_28 = tpu.vector_load %arg6[%get3A_26, %get3A_27] {strides = array<i32>} : memref<16x640xf32, #tpu.memory_space<vmem>>, vector<16xf32>,
      %mul3A_29 = arith.constant 16 : i32
      %mul3A_30 = arith.muli %scan3A_23, %mul3A_29 : i32
      %get3A_31 = arith.constant 1 : i32
      %get3A_32 = arith.index_cast %get3A_31 : i32 to index
      %get3A_33 = arith.index_cast %mul3A_30 : i32 to index
      %get3A_34 = tpu.vector_load %arg6[%get3A_32, %get3A_33] {strides = array<i32>} : memref<16x640xf32, #tpu.memory_space<vmem>>, vector<16xf32>,
      %add3A_35 = arith.addf %get3A_28, %get3A_34 : vector<16xf32>
      %mul3A_36 = arith.constant 16 : i32
      %mul3A_37 = arith.muli %scan3A_23, %mul3A_36 : i32
      %get3A_38 = arith.constant 2 : i32
      %get3A_39 = arith.index_cast %get3A_38 : i32 to index
      %get3A_40 = arith.index_cast %mul3A_37 : i32 to index
      %get3A_41 = tpu.vector_load %arg6[%get3A_39, %get3A_40] {strides = array<i32>} : memref<16x640xf32, #tpu.memory_space<vmem>>, vector<16xf32>,
      %add3A_42 = arith.addf %add3A_35, %get3A_41 : vector<16xf32>
      %mul3A_43 = arith.constant 16 : i32
      %mul3A_44 = arith.muli %scan3A_23, %mul3A_43 : i32
      %get3A_45 = arith.constant 3 : i32
      %get3A_46 = arith.index_cast %get3A_45 : i32 to index
      %get3A_47 = arith.index_cast %mul3A_44 : i32 to index
      %get3A_48 = tpu.vector_load %arg6[%get3A_46, %get3A_47] {strides = array<i32>} : memref<16x640xf32, #tpu.memory_space<vmem>>, vector<16xf32>,
      %add3A_49 = arith.addf %add3A_42, %get3A_48 : vector<16xf32>
      %mul3A_50 = arith.constant 16 : i32
      %mul3A_51 = arith.muli %scan3A_23, %mul3A_50 : i32
      %get3A_52 = arith.constant 4 : i32
      %get3A_53 = arith.index_cast %get3A_52 : i32 to index
      %get3A_54 = arith.index_cast %mul3A_51 : i32 to index
      %get3A_55 = tpu.vector_load %arg6[%get3A_53, %get3A_54] {strides = array<i32>} : memref<16x640xf32, #tpu.memory_space<vmem>>, vector<16xf32>,
      %add3A_56 = arith.addf %add3A_49, %get3A_55 : vector<16xf32>
      %mul3A_57 = arith.constant 16 : i32
      %mul3A_58 = arith.muli %scan3A_23, %mul3A_57 : i32
      %get3A_59 = arith.constant 5 : i32
      %get3A_60 = arith.index_cast %get3A_59 : i32 to index
      %get3A_61 = arith.index_cast %mul3A_58 : i32 to index
      %get3A_62 = tpu.vector_load %arg6[%get3A_60, %get3A_61] {strides = array<i32>} : memref<16x640xf32, #tpu.memory_space<vmem>>, vector<16xf32>,
      %add3A_63 = arith.addf %add3A_56, %get3A_62 : vector<16xf32>
      %mul3A_64 = arith.constant 16 : i32
      %mul3A_65 = arith.muli %scan3A_23, %mul3A_64 : i32
      %get3A_66 = arith.constant 6 : i32
      %get3A_67 = arith.index_cast %get3A_66 : i32 to index
      %get3A_68 = arith.index_cast %mul3A_65 : i32 to index
      %get3A_69 = tpu.vector_load %arg6[%get3A_67, %get3A_68] {strides = array<i32>} : memref<16x640xf32, #tpu.memory_space<vmem>>, vector<16xf32>,
      %add3A_70 = arith.addf %add3A_63, %get3A_69 : vector<16xf32>
      %mul3A_71 = arith.constant 16 : i32
      %mul3A_72 = arith.muli %scan3A_23, %mul3A_71 : i32
      %get3A_73 = arith.constant 7 : i32
      %get3A_74 = arith.index_cast %get3A_73 : i32 to index
      %get3A_75 = arith.index_cast %mul3A_72 : i32 to index
      %get3A_76 = tpu.vector_load %arg6[%get3A_74, %get3A_75] {strides = array<i32>} : memref<16x640xf32, #tpu.memory_space<vmem>>, vector<16xf32>,
      %add3A_77 = arith.addf %add3A_70, %get3A_76 : vector<16xf32>
      %mul3A_78 = arith.constant 16 : i32
      %mul3A_79 = arith.muli %scan3A_23, %mul3A_78 : i32
      %get3A_80 = arith.constant 8 : i32
      %get3A_81 = arith.index_cast %get3A_80 : i32 to index
      %get3A_82 = arith.index_cast %mul3A_79 : i32 to index
      %get3A_83 = tpu.vector_load %arg6[%get3A_81, %get3A_82] {strides = array<i32>} : memref<16x640xf32, #tpu.memory_space<vmem>>, vector<16xf32>,
      %add3A_84 = arith.addf %add3A_77, %get3A_83 : vector<16xf32>
      %mul3A_85 = arith.constant 16 : i32
      %mul3A_86 = arith.muli %scan3A_23, %mul3A_85 : i32
      %get3A_87 = arith.constant 9 : i32
      %get3A_88 = arith.index_cast %get3A_87 : i32 to index
      %get3A_89 = arith.index_cast %mul3A_86 : i32 to index
      %get3A_90 = tpu.vector_load %arg6[%get3A_88, %get3A_89] {strides = array<i32>} : memref<16x640xf32, #tpu.memory_space<vmem>>, vector<16xf32>,
      %add3A_91 = arith.addf %add3A_84, %get3A_90 : vector<16xf32>
      %mul3A_92 = arith.constant 16 : i32
      %mul3A_93 = arith.muli %scan3A_23, %mul3A_92 : i32
      %get3A_94 = arith.constant 10 : i32
      %get3A_95 = arith.index_cast %get3A_94 : i32 to index
      %get3A_96 = arith.index_cast %mul3A_93 : i32 to index
      %get3A_97 = tpu.vector_load %arg6[%get3A_95, %get3A_96] {strides = array<i32>} : memref<16x640xf32, #tpu.memory_space<vmem>>, vector<16xf32>,
      %add3A_98 = arith.addf %add3A_91, %get3A_97 : vector<16xf32>
      %mul3A_99 = arith.constant 16 : i32
      %mul3A_100 = arith.muli %scan3A_23, %mul3A_99 : i32
      %get3A_101 = arith.constant 11 : i32
      %get3A_102 = arith.index_cast %get3A_101 : i32 to index
      %get3A_103 = arith.index_cast %mul3A_100 : i32 to index
      %get3A_104 = tpu.vector_load %arg6[%get3A_102, %get3A_103] {strides = array<i32>} : memref<16x640xf32, #tpu.memory_space<vmem>>, vector<16xf32>,
      %add3A_105 = arith.addf %add3A_98, %get3A_104 : vector<16xf32>
      %mul3A_106 = arith.constant 16 : i32
      %mul3A_107 = arith.muli %scan3A_23, %mul3A_106 : i32
      %get3A_108 = arith.constant 12 : i32
      %get3A_109 = arith.index_cast %get3A_108 : i32 to index
      %get3A_110 = arith.index_cast %mul3A_107 : i32 to index
      %get3A_111 = tpu.vector_load %arg6[%get3A_109, %get3A_110] {strides = array<i32>} : memref<16x640xf32, #tpu.memory_space<vmem>>, vector<16xf32>,
      %add3A_112 = arith.addf %add3A_105, %get3A_111 : vector<16xf32>
      %mul3A_113 = arith.constant 16 : i32
      %mul3A_114 = arith.muli %scan3A_23, %mul3A_113 : i32
      %get3A_115 = arith.constant 13 : i32
      %get3A_116 = arith.index_cast %get3A_115 : i32 to index
      %get3A_117 = arith.index_cast %mul3A_114 : i32 to index
      %get3A_118 = tpu.vector_load %arg6[%get3A_116, %get3A_117] {strides = array<i32>} : memref<16x640xf32, #tpu.memory_space<vmem>>, vector<16xf32>,
      %add3A_119 = arith.addf %add3A_112, %get3A_118 : vector<16xf32>
      %mul3A_120 = arith.constant 16 : i32
      %mul3A_121 = arith.muli %scan3A_23, %mul3A_120 : i32
      %get3A_122 = arith.constant 14 : i32
      %get3A_123 = arith.index_cast %get3A_122 : i32 to index
      %get3A_124 = arith.index_cast %mul3A_121 : i32 to index
      %get3A_125 = tpu.vector_load %arg6[%get3A_123, %get3A_124] {strides = array<i32>} : memref<16x640xf32, #tpu.memory_space<vmem>>, vector<16xf32>,
      %add3A_126 = arith.addf %add3A_119, %get3A_125 : vector<16xf32>
      %mul3A_127 = arith.constant 16 : i32
      %mul3A_128 = arith.muli %scan3A_23, %mul3A_127 : i32
      %get3A_129 = arith.constant 15 : i32
      %get3A_130 = arith.index_cast %get3A_129 : i32 to index
      %get3A_131 = arith.index_cast %mul3A_128 : i32 to index
      %get3A_132 = tpu.vector_load %arg6[%get3A_130, %get3A_131] {strides = array<i32>} : memref<16x640xf32, #tpu.memory_space<vmem>>, vector<16xf32>,
      %add3A_133 = arith.addf %add3A_126, %get3A_132 : vector<16xf32>
      %mul3A_134 = arith.constant 16 : i32
      %mul3A_135 = arith.muli %scan3A_23, %mul3A_134 : i32
      %swap3A = arith.index_cast %mul3A_135 : i32 to index
      %swap3A_136 = tpu.vector_load %arg5[%swap3A] {strides = array<i32>} : memref<10240xf32, #tpu.memory_space<vmem>>, vector<16xf32>,
      tpu.vector_store %arg5[%swap3A], %add3A_133 {strides = array<i32>} : memref<10240xf32, #tpu.memory_space<vmem>>, vector<16xf32>,
    }
    %scan3A_22 = arith.constant 40 : i32
    "tpu.region"() ({
      %run_scoped3A_23 = tpu.sem_alloc : memref<!tpu.dma_semaphore, #tpu.memory_space<semaphore_mem>>
      %dma_start3A = arith.constant 0 : i32
      %dma_start3A_24 = tpu.memref_slice %arg5[%dma_start3A] : memref<10240xf32, #tpu.memory_space<vmem>> -> memref<640xf32, #tpu.memory_space<vmem>>
      %dma_start3A_25 = tpu.memref_slice %arg3[%arg0, %mul3A_16] : memref<2x10240xf32, #tpu.memory_space<hbm>> -> memref<1x640xf32, #tpu.memory_space<hbm>>
      %dma_start3A_26 = tpu.memref_squeeze %dma_start3A_25 : memref<1x640xf32, #tpu.memory_space<hbm>> -> memref<640xf32, #tpu.memory_space<hbm>>
      %dma_start3A_27 = tpu.memref_slice %arg3[%arg0, %mul3A_16] : memref<2x10240xf32, #tpu.memory_space<hbm>> -> memref<1x640xf32, #tpu.memory_space<hbm>>
      %dma_start3A_28 = tpu.memref_squeeze %dma_start3A_27 : memref<1x640xf32, #tpu.memory_space<hbm>> -> memref<640xf32, #tpu.memory_space<hbm>>
      %dma_start3A_29 = arith.constant 0 : i32
      %dma_start3A_30 = tpu.memref_slice %arg5[%dma_start3A_29] : memref<10240xf32, #tpu.memory_space<vmem>> -> memref<640xf32, #tpu.memory_space<vmem>>
      tpu.enqueue_dma source(%dma_start3A_30 : memref<640xf32, #tpu.memory_space<vmem>>) target(%dma_start3A_28 : memref<640xf32, #tpu.memory_space<hbm>>) target_semaphore(%run_scoped3A_23 : memref<!tpu.dma_semaphore, #tpu.memory_space<semaphore_mem>>)
      %dma_wait3A = arith.constant 0 : i32
      %dma_wait3A_31 = tpu.memref_slice %arg5[%dma_wait3A] : memref<10240xf32, #tpu.memory_space<vmem>> -> memref<640xf32, #tpu.memory_space<vmem>>
      %dma_wait3A_32 = tpu.memref_slice %arg3[%arg0, %mul3A_16] : memref<2x10240xf32, #tpu.memory_space<hbm>> -> memref<1x640xf32, #tpu.memory_space<hbm>>
      %dma_wait3A_33 = tpu.memref_squeeze %dma_wait3A_32 : memref<1x640xf32, #tpu.memory_space<hbm>> -> memref<640xf32, #tpu.memory_space<hbm>>
      %dma_wait3A_34 = tpu.memref_slice %arg3[%arg0, %mul3A_16] : memref<2x10240xf32, #tpu.memory_space<hbm>> -> memref<1x640xf32, #tpu.memory_space<hbm>>
      %dma_wait3A_35 = tpu.memref_squeeze %dma_wait3A_34 : memref<1x640xf32, #tpu.memory_space<hbm>> -> memref<640xf32, #tpu.memory_space<hbm>>
      %dma_wait3A_36 = arith.constant 0 : i32
      %dma_wait3A_37 = tpu.memref_slice %arg5[%dma_wait3A_36] : memref<10240xf32, #tpu.memory_space<vmem>> -> memref<640xf32, #tpu.memory_space<vmem>>
      tpu.wait_dma2 semaphore(%run_scoped3A_23 : memref<!tpu.dma_semaphore, #tpu.memory_space<semaphore_mem>>) src(%dma_wait3A_37 : memref<640xf32, #tpu.memory_space<vmem>>) dst(%dma_wait3A_35 : memref<640xf32, #tpu.memory_space<hbm>>)
      tpu.yield
    }) : () -> ()
    return
  }
}

#map = affine_map<(d0, d1) -> (0, 0)>
#map1 = affine_map<(d0, d1) -> (0, 0, 0)>
module attributes {stable_mosaic.version = 14 : i64} {
  func.func @_prop_kernel(%arg0: i32, %arg1: i32, %arg2: memref<10000x128xf32, #tpu.memory_space<hbm>>, %arg3: memref<10000x128xf32, #tpu.memory_space<hbm>>, %arg4: memref<2x32x10000xi32, #tpu.memory_space<hbm>>, %arg5: memref<2x10000x128xf32, #tpu.memory_space<hbm>>, %arg6: memref<10000xi32, #tpu.memory_space<vmem>>, %arg7: memref<10000xi32, #tpu.memory_space<vmem>>, %arg8: memref<2x104x128xf32, #tpu.memory_space<vmem>>, %arg9: memref<16x128xf32, #tpu.memory_space<vmem>>, %arg10: memref<10000x128xf32, #tpu.memory_space<vmem_shared>>, %arg11: memref<2x!tpu.dma_semaphore, #tpu.memory_space<semaphore_mem>>) attributes {dimension_semantics = [#tpu.dimension_semantics<core_parallel>, #tpu.dimension_semantics<subcore_parallel>], iteration_bounds = array<i64: 2, 16>, scalar_prefetch = 0 : i64, scratch_operands = 6 : i64, tpu.core_type = #tpu.core_type<sc_vector_subcore>, window_params = [{transform_indices = #map}, {transform_indices = #map}, {transform_indices = #map1}, {transform_indices = #map1}]} {
    %mul3A = arith.constant 16 : i32
    %mul3A_0 = arith.muli %arg0, %mul3A : i32
    %add3A = arith.addi %mul3A_0, %arg1 : i32
    %run_scoped3A = arith.constant 0 : i32
    "tpu.region"() ({
      %run_scoped3A_96 = tpu.sem_alloc : memref<!tpu.dma_semaphore, #tpu.memory_space<semaphore_mem>>
      %dma_start3A_97 = arith.constant 0 : i32
      %dma_start3A_98 = tpu.memref_slice %arg4[%run_scoped3A, %add3A, %dma_start3A_97] : memref<2x32x10000xi32, #tpu.memory_space<hbm>> -> memref<1x1x10000xi32, #tpu.memory_space<hbm>>
      %dma_start3A_99 = tpu.memref_squeeze %dma_start3A_98 : memref<1x1x10000xi32, #tpu.memory_space<hbm>> -> memref<10000xi32, #tpu.memory_space<hbm>>
      %dma_start3A_100 = arith.constant 0 : i32
      %dma_start3A_101 = tpu.memref_slice %arg4[%run_scoped3A, %add3A, %dma_start3A_100] : memref<2x32x10000xi32, #tpu.memory_space<hbm>> -> memref<1x1x10000xi32, #tpu.memory_space<hbm>>
      %dma_start3A_102 = tpu.memref_squeeze %dma_start3A_101 : memref<1x1x10000xi32, #tpu.memory_space<hbm>> -> memref<10000xi32, #tpu.memory_space<hbm>>
      tpu.enqueue_dma source(%dma_start3A_102 : memref<10000xi32, #tpu.memory_space<hbm>>) target(%arg6 : memref<10000xi32, #tpu.memory_space<vmem>>) target_semaphore(%run_scoped3A_96 : memref<!tpu.dma_semaphore, #tpu.memory_space<semaphore_mem>>)
      %dma_wait3A_103 = arith.constant 0 : i32
      %dma_wait3A_104 = tpu.memref_slice %arg4[%run_scoped3A, %add3A, %dma_wait3A_103] : memref<2x32x10000xi32, #tpu.memory_space<hbm>> -> memref<1x1x10000xi32, #tpu.memory_space<hbm>>
      %dma_wait3A_105 = tpu.memref_squeeze %dma_wait3A_104 : memref<1x1x10000xi32, #tpu.memory_space<hbm>> -> memref<10000xi32, #tpu.memory_space<hbm>>
      %dma_wait3A_106 = arith.constant 0 : i32
      %dma_wait3A_107 = tpu.memref_slice %arg4[%run_scoped3A, %add3A, %dma_wait3A_106] : memref<2x32x10000xi32, #tpu.memory_space<hbm>> -> memref<1x1x10000xi32, #tpu.memory_space<hbm>>
      %dma_wait3A_108 = tpu.memref_squeeze %dma_wait3A_107 : memref<1x1x10000xi32, #tpu.memory_space<hbm>> -> memref<10000xi32, #tpu.memory_space<hbm>>
      tpu.wait_dma2 semaphore(%run_scoped3A_96 : memref<!tpu.dma_semaphore, #tpu.memory_space<semaphore_mem>>) src(%dma_wait3A_108 : memref<10000xi32, #tpu.memory_space<hbm>>) dst(%arg6 : memref<10000xi32, #tpu.memory_space<vmem>>)
      tpu.yield
    }) : () -> ()
    %run_scoped3A_1 = arith.constant 1 : i32
    "tpu.region"() ({
      %run_scoped3A_96 = tpu.sem_alloc : memref<!tpu.dma_semaphore, #tpu.memory_space<semaphore_mem>>
      %dma_start3A_97 = arith.constant 0 : i32
      %dma_start3A_98 = tpu.memref_slice %arg4[%run_scoped3A_1, %add3A, %dma_start3A_97] : memref<2x32x10000xi32, #tpu.memory_space<hbm>> -> memref<1x1x10000xi32, #tpu.memory_space<hbm>>
      %dma_start3A_99 = tpu.memref_squeeze %dma_start3A_98 : memref<1x1x10000xi32, #tpu.memory_space<hbm>> -> memref<10000xi32, #tpu.memory_space<hbm>>
      %dma_start3A_100 = arith.constant 0 : i32
      %dma_start3A_101 = tpu.memref_slice %arg4[%run_scoped3A_1, %add3A, %dma_start3A_100] : memref<2x32x10000xi32, #tpu.memory_space<hbm>> -> memref<1x1x10000xi32, #tpu.memory_space<hbm>>
      %dma_start3A_102 = tpu.memref_squeeze %dma_start3A_101 : memref<1x1x10000xi32, #tpu.memory_space<hbm>> -> memref<10000xi32, #tpu.memory_space<hbm>>
      tpu.enqueue_dma source(%dma_start3A_102 : memref<10000xi32, #tpu.memory_space<hbm>>) target(%arg7 : memref<10000xi32, #tpu.memory_space<vmem>>) target_semaphore(%run_scoped3A_96 : memref<!tpu.dma_semaphore, #tpu.memory_space<semaphore_mem>>)
      %dma_wait3A_103 = arith.constant 0 : i32
      %dma_wait3A_104 = tpu.memref_slice %arg4[%run_scoped3A_1, %add3A, %dma_wait3A_103] : memref<2x32x10000xi32, #tpu.memory_space<hbm>> -> memref<1x1x10000xi32, #tpu.memory_space<hbm>>
      %dma_wait3A_105 = tpu.memref_squeeze %dma_wait3A_104 : memref<1x1x10000xi32, #tpu.memory_space<hbm>> -> memref<10000xi32, #tpu.memory_space<hbm>>
      %dma_wait3A_106 = arith.constant 0 : i32
      %dma_wait3A_107 = tpu.memref_slice %arg4[%run_scoped3A_1, %add3A, %dma_wait3A_106] : memref<2x32x10000xi32, #tpu.memory_space<hbm>> -> memref<1x1x10000xi32, #tpu.memory_space<hbm>>
      %dma_wait3A_108 = tpu.memref_squeeze %dma_wait3A_107 : memref<1x1x10000xi32, #tpu.memory_space<hbm>> -> memref<10000xi32, #tpu.memory_space<hbm>>
      tpu.wait_dma2 semaphore(%run_scoped3A_96 : memref<!tpu.dma_semaphore, #tpu.memory_space<semaphore_mem>>) src(%dma_wait3A_108 : memref<10000xi32, #tpu.memory_space<hbm>>) dst(%arg7 : memref<10000xi32, #tpu.memory_space<vmem>>)
      tpu.yield
    }) : () -> ()
    %mul3A_2 = arith.constant 640 : i32
    %mul3A_3 = arith.muli %arg1, %mul3A_2 : i32
    %eq3A = arith.constant 15 : i32
    %eq3A_4 = arith.cmpi eq, %arg1, %eq3A : i32
    %eq3A_5 = arith.constant 0 : i32
    %eq3A_6 = arith.cmpi eq, %arg0, %eq3A_5 : i32
    %not3A = arith.constant true
    %not3A_7 = arith.xori %eq3A_4, %not3A : i1
    %and3A = arith.andi %eq3A_6, %not3A_7 : i1
    %convert_element_type3A = arith.extui %and3A : i1 to i32
    %cond3A = arith.constant 0 : i32
    %cond3A_8 = arith.cmpi ne, %convert_element_type3A, %cond3A : i32
    scf.if %cond3A_8 {
      "tpu.region"() ({
        %run_scoped3A_96 = tpu.sem_alloc : memref<!tpu.dma_semaphore, #tpu.memory_space<semaphore_mem>>
        %dma_start3A_97 = arith.constant 0 : i32
        %dma_start3A_98 = tpu.memref_slice %arg10[%mul3A_3, %dma_start3A_97] : memref<10000x128xf32, #tpu.memory_space<vmem_shared>> -> memref<640x128xf32, #tpu.memory_space<vmem_shared>>
        %dma_start3A_99 = arith.constant 0 : i32
        %dma_start3A_100 = tpu.memref_slice %arg2[%mul3A_3, %dma_start3A_99] : memref<10000x128xf32, #tpu.memory_space<hbm>> -> memref<640x128xf32, #tpu.memory_space<hbm>>
        tpu.enqueue_dma source(%dma_start3A_100 : memref<640x128xf32, #tpu.memory_space<hbm>>) target(%dma_start3A_98 : memref<640x128xf32, #tpu.memory_space<vmem_shared>>) target_semaphore(%run_scoped3A_96 : memref<!tpu.dma_semaphore, #tpu.memory_space<semaphore_mem>>)
        %dma_wait3A_101 = arith.constant 0 : i32
        %dma_wait3A_102 = tpu.memref_slice %arg10[%mul3A_3, %dma_wait3A_101] : memref<10000x128xf32, #tpu.memory_space<vmem_shared>> -> memref<640x128xf32, #tpu.memory_space<vmem_shared>>
        %dma_wait3A_103 = arith.constant 0 : i32
        %dma_wait3A_104 = tpu.memref_slice %arg2[%mul3A_3, %dma_wait3A_103] : memref<10000x128xf32, #tpu.memory_space<hbm>> -> memref<640x128xf32, #tpu.memory_space<hbm>>
        tpu.wait_dma2 semaphore(%run_scoped3A_96 : memref<!tpu.dma_semaphore, #tpu.memory_space<semaphore_mem>>) src(%dma_wait3A_104 : memref<640x128xf32, #tpu.memory_space<hbm>>) dst(%dma_wait3A_102 : memref<640x128xf32, #tpu.memory_space<vmem_shared>>)
        tpu.yield
      }) : () -> ()
    } else {
    }
    %eq3A_9 = arith.constant 0 : i32
    %eq3A_10 = arith.cmpi eq, %arg0, %eq3A_9 : i32
    %and3A_11 = arith.andi %eq3A_10, %eq3A_4 : i1
    %convert_element_type3A_12 = arith.extui %and3A_11 : i1 to i32
    %cond3A_13 = arith.constant 0 : i32
    %cond3A_14 = arith.cmpi ne, %convert_element_type3A_12, %cond3A_13 : i32
    scf.if %cond3A_14 {
      "tpu.region"() ({
        %run_scoped3A_96 = tpu.sem_alloc : memref<!tpu.dma_semaphore, #tpu.memory_space<semaphore_mem>>
        %dma_start3A_97 = arith.constant 9600 : i32
        %dma_start3A_98 = arith.constant 0 : i32
        %dma_start3A_99 = tpu.memref_slice %arg10[%dma_start3A_97, %dma_start3A_98] : memref<10000x128xf32, #tpu.memory_space<vmem_shared>> -> memref<400x128xf32, #tpu.memory_space<vmem_shared>>
        %dma_start3A_100 = arith.constant 9600 : i32
        %dma_start3A_101 = arith.constant 0 : i32
        %dma_start3A_102 = tpu.memref_slice %arg2[%dma_start3A_100, %dma_start3A_101] : memref<10000x128xf32, #tpu.memory_space<hbm>> -> memref<400x128xf32, #tpu.memory_space<hbm>>
        tpu.enqueue_dma source(%dma_start3A_102 : memref<400x128xf32, #tpu.memory_space<hbm>>) target(%dma_start3A_99 : memref<400x128xf32, #tpu.memory_space<vmem_shared>>) target_semaphore(%run_scoped3A_96 : memref<!tpu.dma_semaphore, #tpu.memory_space<semaphore_mem>>)
        %dma_wait3A_103 = arith.constant 9600 : i32
        %dma_wait3A_104 = arith.constant 0 : i32
        %dma_wait3A_105 = tpu.memref_slice %arg10[%dma_wait3A_103, %dma_wait3A_104] : memref<10000x128xf32, #tpu.memory_space<vmem_shared>> -> memref<400x128xf32, #tpu.memory_space<vmem_shared>>
        %dma_wait3A_106 = arith.constant 9600 : i32
        %dma_wait3A_107 = arith.constant 0 : i32
        %dma_wait3A_108 = tpu.memref_slice %arg2[%dma_wait3A_106, %dma_wait3A_107] : memref<10000x128xf32, #tpu.memory_space<hbm>> -> memref<400x128xf32, #tpu.memory_space<hbm>>
        tpu.wait_dma2 semaphore(%run_scoped3A_96 : memref<!tpu.dma_semaphore, #tpu.memory_space<semaphore_mem>>) src(%dma_wait3A_108 : memref<400x128xf32, #tpu.memory_space<hbm>>) dst(%dma_wait3A_105 : memref<400x128xf32, #tpu.memory_space<vmem_shared>>)
        tpu.yield
      }) : () -> ()
    } else {
    }
    %eq3A_15 = arith.constant 1 : i32
    %eq3A_16 = arith.cmpi eq, %arg0, %eq3A_15 : i32
    %not3A_17 = arith.constant true
    %not3A_18 = arith.xori %eq3A_4, %not3A_17 : i1
    %and3A_19 = arith.andi %eq3A_16, %not3A_18 : i1
    %convert_element_type3A_20 = arith.extui %and3A_19 : i1 to i32
    %cond3A_21 = arith.constant 0 : i32
    %cond3A_22 = arith.cmpi ne, %convert_element_type3A_20, %cond3A_21 : i32
    scf.if %cond3A_22 {
      "tpu.region"() ({
        %run_scoped3A_96 = tpu.sem_alloc : memref<!tpu.dma_semaphore, #tpu.memory_space<semaphore_mem>>
        %dma_start3A_97 = arith.constant 0 : i32
        %dma_start3A_98 = tpu.memref_slice %arg10[%mul3A_3, %dma_start3A_97] : memref<10000x128xf32, #tpu.memory_space<vmem_shared>> -> memref<640x128xf32, #tpu.memory_space<vmem_shared>>
        %dma_start3A_99 = arith.constant 0 : i32
        %dma_start3A_100 = tpu.memref_slice %arg3[%mul3A_3, %dma_start3A_99] : memref<10000x128xf32, #tpu.memory_space<hbm>> -> memref<640x128xf32, #tpu.memory_space<hbm>>
        tpu.enqueue_dma source(%dma_start3A_100 : memref<640x128xf32, #tpu.memory_space<hbm>>) target(%dma_start3A_98 : memref<640x128xf32, #tpu.memory_space<vmem_shared>>) target_semaphore(%run_scoped3A_96 : memref<!tpu.dma_semaphore, #tpu.memory_space<semaphore_mem>>)
        %dma_wait3A_101 = arith.constant 0 : i32
        %dma_wait3A_102 = tpu.memref_slice %arg10[%mul3A_3, %dma_wait3A_101] : memref<10000x128xf32, #tpu.memory_space<vmem_shared>> -> memref<640x128xf32, #tpu.memory_space<vmem_shared>>
        %dma_wait3A_103 = arith.constant 0 : i32
        %dma_wait3A_104 = tpu.memref_slice %arg3[%mul3A_3, %dma_wait3A_103] : memref<10000x128xf32, #tpu.memory_space<hbm>> -> memref<640x128xf32, #tpu.memory_space<hbm>>
        tpu.wait_dma2 semaphore(%run_scoped3A_96 : memref<!tpu.dma_semaphore, #tpu.memory_space<semaphore_mem>>) src(%dma_wait3A_104 : memref<640x128xf32, #tpu.memory_space<hbm>>) dst(%dma_wait3A_102 : memref<640x128xf32, #tpu.memory_space<vmem_shared>>)
        tpu.yield
      }) : () -> ()
    } else {
    }
    %eq3A_23 = arith.constant 1 : i32
    %eq3A_24 = arith.cmpi eq, %arg0, %eq3A_23 : i32
    %and3A_25 = arith.andi %eq3A_24, %eq3A_4 : i1
    %convert_element_type3A_26 = arith.extui %and3A_25 : i1 to i32
    %cond3A_27 = arith.constant 0 : i32
    %cond3A_28 = arith.cmpi ne, %convert_element_type3A_26, %cond3A_27 : i32
    scf.if %cond3A_28 {
      "tpu.region"() ({
        %run_scoped3A_96 = tpu.sem_alloc : memref<!tpu.dma_semaphore, #tpu.memory_space<semaphore_mem>>
        %dma_start3A_97 = arith.constant 9600 : i32
        %dma_start3A_98 = arith.constant 0 : i32
        %dma_start3A_99 = tpu.memref_slice %arg10[%dma_start3A_97, %dma_start3A_98] : memref<10000x128xf32, #tpu.memory_space<vmem_shared>> -> memref<400x128xf32, #tpu.memory_space<vmem_shared>>
        %dma_start3A_100 = arith.constant 9600 : i32
        %dma_start3A_101 = arith.constant 0 : i32
        %dma_start3A_102 = tpu.memref_slice %arg3[%dma_start3A_100, %dma_start3A_101] : memref<10000x128xf32, #tpu.memory_space<hbm>> -> memref<400x128xf32, #tpu.memory_space<hbm>>
        tpu.enqueue_dma source(%dma_start3A_102 : memref<400x128xf32, #tpu.memory_space<hbm>>) target(%dma_start3A_99 : memref<400x128xf32, #tpu.memory_space<vmem_shared>>) target_semaphore(%run_scoped3A_96 : memref<!tpu.dma_semaphore, #tpu.memory_space<semaphore_mem>>)
        %dma_wait3A_103 = arith.constant 9600 : i32
        %dma_wait3A_104 = arith.constant 0 : i32
        %dma_wait3A_105 = tpu.memref_slice %arg10[%dma_wait3A_103, %dma_wait3A_104] : memref<10000x128xf32, #tpu.memory_space<vmem_shared>> -> memref<400x128xf32, #tpu.memory_space<vmem_shared>>
        %dma_wait3A_106 = arith.constant 9600 : i32
        %dma_wait3A_107 = arith.constant 0 : i32
        %dma_wait3A_108 = tpu.memref_slice %arg3[%dma_wait3A_106, %dma_wait3A_107] : memref<10000x128xf32, #tpu.memory_space<hbm>> -> memref<400x128xf32, #tpu.memory_space<hbm>>
        tpu.wait_dma2 semaphore(%run_scoped3A_96 : memref<!tpu.dma_semaphore, #tpu.memory_space<semaphore_mem>>) src(%dma_wait3A_108 : memref<400x128xf32, #tpu.memory_space<hbm>>) dst(%dma_wait3A_105 : memref<400x128xf32, #tpu.memory_space<vmem_shared>>)
        tpu.yield
      }) : () -> ()
    } else {
    }
    %barrier3A = arith.constant 0 : index
    tpu.barrier barrier_id(%barrier3A)
    %dma_start3A = arith.constant 0 : i32
    %dma_start3A_29 = arith.constant 0 : i32
    %dma_start3A_30 = arith.constant 0 : i32
    %dma_start3A_31 = arith.constant 0 : i32
    %dma_start3A_32 = tpu.memref_slice %arg8[%dma_start3A, %dma_start3A_30, %dma_start3A_31] : memref<2x104x128xf32, #tpu.memory_space<vmem>> -> memref<1x104x128xf32, #tpu.memory_space<vmem>>
    %dma_start3A_33 = tpu.memref_squeeze %dma_start3A_32 : memref<1x104x128xf32, #tpu.memory_space<vmem>> -> memref<104x128xf32, #tpu.memory_space<vmem>>
    %dma_start3A_34 = arith.constant 0 : i32
    %dma_start3A_35 = tpu.memref_slice %arg6[%dma_start3A_34] : memref<10000xi32, #tpu.memory_space<vmem>> -> memref<104xi32, #tpu.memory_space<vmem>>
    %dma_start3A_36 = arith.constant 0 : i32
    %dma_start3A_37 = arith.constant 0 : i32
    %dma_start3A_38 = tpu.memref_slice %arg2[%dma_start3A_36, %dma_start3A_37] : memref<10000x128xf32, #tpu.memory_space<hbm>> -> memref<10000x128xf32, #tpu.memory_space<hbm>>
    %dma_start3A_39 = tpu.memref_slice %arg11[%dma_start3A_29] : memref<2x!tpu.dma_semaphore, #tpu.memory_space<semaphore_mem>> -> memref<1x!tpu.dma_semaphore, #tpu.memory_space<semaphore_mem>>
    %dma_start3A_40 = tpu.memref_squeeze %dma_start3A_39 : memref<1x!tpu.dma_semaphore, #tpu.memory_space<semaphore_mem>> -> memref<!tpu.dma_semaphore, #tpu.memory_space<semaphore_mem>>
    tpu.enqueue_indirect_dma source(%dma_start3A_38 : memref<10000x128xf32, #tpu.memory_space<hbm>>) target(%dma_start3A_33 : memref<104x128xf32, #tpu.memory_space<vmem>>) offsets(%dma_start3A_35 : memref<104xi32, #tpu.memory_space<vmem>>) semaphore(%dma_start3A_40 : memref<!tpu.dma_semaphore, #tpu.memory_space<semaphore_mem>>)
    %scan3A = arith.constant 0 : i32
    %scan3A_41 = arith.constant 0 : i32
    %scan3A_42 = arith.constant 47 : i32
    %scan3A_43 = arith.addi %scan3A_41, %scan3A_42 : i32
    %scan3A_44 = arith.constant 1 : i32
    scf.for %scan3A_96 = %scan3A_41 to %scan3A_43 step %scan3A_44  : i32 {
      %mul3A_97 = arith.constant 2 : i32
      %mul3A_98 = arith.muli %mul3A_97, %scan3A_96 : i32
      %add3A_99 = arith.constant 1 : i32
      %add3A_100 = arith.addi %mul3A_98, %add3A_99 : i32
      %mul3A_101 = arith.constant 104 : i32
      %mul3A_102 = arith.muli %add3A_100, %mul3A_101 : i32
      %dma_start3A_103 = arith.constant 1 : i32
      %dma_start3A_104 = arith.constant 1 : i32
      %dma_start3A_105 = arith.constant 0 : i32
      %dma_start3A_106 = arith.constant 0 : i32
      %dma_start3A_107 = tpu.memref_slice %arg8[%dma_start3A_103, %dma_start3A_105, %dma_start3A_106] : memref<2x104x128xf32, #tpu.memory_space<vmem>> -> memref<1x104x128xf32, #tpu.memory_space<vmem>>
      %dma_start3A_108 = tpu.memref_squeeze %dma_start3A_107 : memref<1x104x128xf32, #tpu.memory_space<vmem>> -> memref<104x128xf32, #tpu.memory_space<vmem>>
      %dma_start3A_109 = tpu.memref_slice %arg6[%mul3A_102] : memref<10000xi32, #tpu.memory_space<vmem>> -> memref<104xi32, #tpu.memory_space<vmem>>
      %dma_start3A_110 = arith.constant 0 : i32
      %dma_start3A_111 = arith.constant 0 : i32
      %dma_start3A_112 = tpu.memref_slice %arg2[%dma_start3A_110, %dma_start3A_111] : memref<10000x128xf32, #tpu.memory_space<hbm>> -> memref<10000x128xf32, #tpu.memory_space<hbm>>
      %dma_start3A_113 = tpu.memref_slice %arg11[%dma_start3A_104] : memref<2x!tpu.dma_semaphore, #tpu.memory_space<semaphore_mem>> -> memref<1x!tpu.dma_semaphore, #tpu.memory_space<semaphore_mem>>
      %dma_start3A_114 = tpu.memref_squeeze %dma_start3A_113 : memref<1x!tpu.dma_semaphore, #tpu.memory_space<semaphore_mem>> -> memref<!tpu.dma_semaphore, #tpu.memory_space<semaphore_mem>>
      tpu.enqueue_indirect_dma source(%dma_start3A_112 : memref<10000x128xf32, #tpu.memory_space<hbm>>) target(%dma_start3A_108 : memref<104x128xf32, #tpu.memory_space<vmem>>) offsets(%dma_start3A_109 : memref<104xi32, #tpu.memory_space<vmem>>) semaphore(%dma_start3A_114 : memref<!tpu.dma_semaphore, #tpu.memory_space<semaphore_mem>>)
      %mul3A_115 = arith.constant 104 : i32
      %mul3A_116 = arith.muli %mul3A_98, %mul3A_115 : i32
      %dma_wait3A_117 = arith.constant 0 : i32
      %dma_wait3A_118 = arith.constant 0 : i32
      %dma_wait3A_119 = arith.constant 0 : i32
      %dma_wait3A_120 = arith.constant 0 : i32
      %dma_wait3A_121 = tpu.memref_slice %arg8[%dma_wait3A_117, %dma_wait3A_119, %dma_wait3A_120] : memref<2x104x128xf32, #tpu.memory_space<vmem>> -> memref<1x104x128xf32, #tpu.memory_space<vmem>>
      %dma_wait3A_122 = tpu.memref_squeeze %dma_wait3A_121 : memref<1x104x128xf32, #tpu.memory_space<vmem>> -> memref<104x128xf32, #tpu.memory_space<vmem>>
      %dma_wait3A_123 = tpu.memref_slice %arg6[%mul3A_116] : memref<10000xi32, #tpu.memory_space<vmem>> -> memref<104xi32, #tpu.memory_space<vmem>>
      %dma_wait3A_124 = arith.constant 0 : i32
      %dma_wait3A_125 = arith.constant 0 : i32
      %dma_wait3A_126 = tpu.memref_slice %arg2[%dma_wait3A_124, %dma_wait3A_125] : memref<10000x128xf32, #tpu.memory_space<hbm>> -> memref<10000x128xf32, #tpu.memory_space<hbm>>
      %dma_wait3A_127 = tpu.memref_slice %arg11[%dma_wait3A_118] : memref<2x!tpu.dma_semaphore, #tpu.memory_space<semaphore_mem>> -> memref<1x!tpu.dma_semaphore, #tpu.memory_space<semaphore_mem>>
      %dma_wait3A_128 = tpu.memref_squeeze %dma_wait3A_127 : memref<1x!tpu.dma_semaphore, #tpu.memory_space<semaphore_mem>> -> memref<!tpu.dma_semaphore, #tpu.memory_space<semaphore_mem>>
      tpu.wait_indirect_dma semaphore(%dma_wait3A_128 : memref<!tpu.dma_semaphore, #tpu.memory_space<semaphore_mem>>) src(%dma_wait3A_126 : memref<10000x128xf32, #tpu.memory_space<hbm>>) dst(%dma_wait3A_122 : memref<104x128xf32, #tpu.memory_space<vmem>>)
      %mul3A_129 = arith.constant 104 : i32
      %mul3A_130 = arith.muli %mul3A_98, %mul3A_129 : i32
      %run_scoped3A_131 = arith.constant 0 : i32
      "tpu.region"() ({
        %run_scoped3A_169 = tpu.sem_alloc : memref<!tpu.dma_semaphore, #tpu.memory_space<semaphore_mem>>
        %dma_start3A_170 = arith.constant 0 : i32
        %dma_start3A_171 = arith.constant 0 : i32
        %dma_start3A_172 = tpu.memref_slice %arg8[%run_scoped3A_131, %dma_start3A_170, %dma_start3A_171] : memref<2x104x128xf32, #tpu.memory_space<vmem>> -> memref<1x104x128xf32, #tpu.memory_space<vmem>>
        %dma_start3A_173 = tpu.memref_squeeze %dma_start3A_172 : memref<1x104x128xf32, #tpu.memory_space<vmem>> -> memref<104x128xf32, #tpu.memory_space<vmem>>
        %dma_start3A_174 = tpu.memref_slice %arg7[%mul3A_130] : memref<10000xi32, #tpu.memory_space<vmem>> -> memref<104xi32, #tpu.memory_space<vmem>>
        %dma_start3A_175 = arith.constant 0 : i32
        %dma_start3A_176 = arith.constant 0 : i32
        %dma_start3A_177 = tpu.memref_slice %arg10[%dma_start3A_175, %dma_start3A_176] : memref<10000x128xf32, #tpu.memory_space<vmem_shared>> -> memref<10000x128xf32, #tpu.memory_space<vmem_shared>>
        tpu.enqueue_indirect_dma source(%dma_start3A_173 : memref<104x128xf32, #tpu.memory_space<vmem>>) target(%dma_start3A_177 : memref<10000x128xf32, #tpu.memory_space<vmem_shared>>) offsets(%dma_start3A_174 : memref<104xi32, #tpu.memory_space<vmem>>) semaphore(%run_scoped3A_169 : memref<!tpu.dma_semaphore, #tpu.memory_space<semaphore_mem>>) {add = true}
        %dma_wait3A_178 = arith.constant 0 : i32
        %dma_wait3A_179 = arith.constant 0 : i32
        %dma_wait3A_180 = tpu.memref_slice %arg8[%run_scoped3A_131, %dma_wait3A_178, %dma_wait3A_179] : memref<2x104x128xf32, #tpu.memory_space<vmem>> -> memref<1x104x128xf32, #tpu.memory_space<vmem>>
        %dma_wait3A_181 = tpu.memref_squeeze %dma_wait3A_180 : memref<1x104x128xf32, #tpu.memory_space<vmem>> -> memref<104x128xf32, #tpu.memory_space<vmem>>
        %dma_wait3A_182 = tpu.memref_slice %arg7[%mul3A_130] : memref<10000xi32, #tpu.memory_space<vmem>> -> memref<104xi32, #tpu.memory_space<vmem>>
        %dma_wait3A_183 = arith.constant 0 : i32
        %dma_wait3A_184 = arith.constant 0 : i32
        %dma_wait3A_185 = tpu.memref_slice %arg10[%dma_wait3A_183, %dma_wait3A_184] : memref<10000x128xf32, #tpu.memory_space<vmem_shared>> -> memref<10000x128xf32, #tpu.memory_space<vmem_shared>>
        tpu.wait_indirect_dma semaphore(%run_scoped3A_169 : memref<!tpu.dma_semaphore, #tpu.memory_space<semaphore_mem>>) src(%dma_wait3A_181 : memref<104x128xf32, #tpu.memory_space<vmem>>) dst(%dma_wait3A_185 : memref<10000x128xf32, #tpu.memory_space<vmem_shared>>)
        tpu.yield
      }) : () -> ()
      %add3A_132 = arith.constant 2 : i32
      %add3A_133 = arith.addi %mul3A_98, %add3A_132 : i32
      %mul3A_134 = arith.constant 104 : i32
      %mul3A_135 = arith.muli %add3A_133, %mul3A_134 : i32
      %dma_start3A_136 = arith.constant 0 : i32
      %dma_start3A_137 = arith.constant 0 : i32
      %dma_start3A_138 = arith.constant 0 : i32
      %dma_start3A_139 = arith.constant 0 : i32
      %dma_start3A_140 = tpu.memref_slice %arg8[%dma_start3A_136, %dma_start3A_138, %dma_start3A_139] : memref<2x104x128xf32, #tpu.memory_space<vmem>> -> memref<1x104x128xf32, #tpu.memory_space<vmem>>
      %dma_start3A_141 = tpu.memref_squeeze %dma_start3A_140 : memref<1x104x128xf32, #tpu.memory_space<vmem>> -> memref<104x128xf32, #tpu.memory_space<vmem>>
      %dma_start3A_142 = tpu.memref_slice %arg6[%mul3A_135] : memref<10000xi32, #tpu.memory_space<vmem>> -> memref<104xi32, #tpu.memory_space<vmem>>
      %dma_start3A_143 = arith.constant 0 : i32
      %dma_start3A_144 = arith.constant 0 : i32
      %dma_start3A_145 = tpu.memref_slice %arg2[%dma_start3A_143, %dma_start3A_144] : memref<10000x128xf32, #tpu.memory_space<hbm>> -> memref<10000x128xf32, #tpu.memory_space<hbm>>
      %dma_start3A_146 = tpu.memref_slice %arg11[%dma_start3A_137] : memref<2x!tpu.dma_semaphore, #tpu.memory_space<semaphore_mem>> -> memref<1x!tpu.dma_semaphore, #tpu.memory_space<semaphore_mem>>
      %dma_start3A_147 = tpu.memref_squeeze %dma_start3A_146 : memref<1x!tpu.dma_semaphore, #tpu.memory_space<semaphore_mem>> -> memref<!tpu.dma_semaphore, #tpu.memory_space<semaphore_mem>>
      tpu.enqueue_indirect_dma source(%dma_start3A_145 : memref<10000x128xf32, #tpu.memory_space<hbm>>) target(%dma_start3A_141 : memref<104x128xf32, #tpu.memory_space<vmem>>) offsets(%dma_start3A_142 : memref<104xi32, #tpu.memory_space<vmem>>) semaphore(%dma_start3A_147 : memref<!tpu.dma_semaphore, #tpu.memory_space<semaphore_mem>>)
      %add3A_148 = arith.constant 1 : i32
      %add3A_149 = arith.addi %mul3A_98, %add3A_148 : i32
      %mul3A_150 = arith.constant 104 : i32
      %mul3A_151 = arith.muli %add3A_149, %mul3A_150 : i32
      %dma_wait3A_152 = arith.constant 1 : i32
      %dma_wait3A_153 = arith.constant 1 : i32
      %dma_wait3A_154 = arith.constant 0 : i32
      %dma_wait3A_155 = arith.constant 0 : i32
      %dma_wait3A_156 = tpu.memref_slice %arg8[%dma_wait3A_152, %dma_wait3A_154, %dma_wait3A_155] : memref<2x104x128xf32, #tpu.memory_space<vmem>> -> memref<1x104x128xf32, #tpu.memory_space<vmem>>
      %dma_wait3A_157 = tpu.memref_squeeze %dma_wait3A_156 : memref<1x104x128xf32, #tpu.memory_space<vmem>> -> memref<104x128xf32, #tpu.memory_space<vmem>>
      %dma_wait3A_158 = tpu.memref_slice %arg6[%mul3A_151] : memref<10000xi32, #tpu.memory_space<vmem>> -> memref<104xi32, #tpu.memory_space<vmem>>
      %dma_wait3A_159 = arith.constant 0 : i32
      %dma_wait3A_160 = arith.constant 0 : i32
      %dma_wait3A_161 = tpu.memref_slice %arg2[%dma_wait3A_159, %dma_wait3A_160] : memref<10000x128xf32, #tpu.memory_space<hbm>> -> memref<10000x128xf32, #tpu.memory_space<hbm>>
      %dma_wait3A_162 = tpu.memref_slice %arg11[%dma_wait3A_153] : memref<2x!tpu.dma_semaphore, #tpu.memory_space<semaphore_mem>> -> memref<1x!tpu.dma_semaphore, #tpu.memory_space<semaphore_mem>>
      %dma_wait3A_163 = tpu.memref_squeeze %dma_wait3A_162 : memref<1x!tpu.dma_semaphore, #tpu.memory_space<semaphore_mem>> -> memref<!tpu.dma_semaphore, #tpu.memory_space<semaphore_mem>>
      tpu.wait_indirect_dma semaphore(%dma_wait3A_163 : memref<!tpu.dma_semaphore, #tpu.memory_space<semaphore_mem>>) src(%dma_wait3A_161 : memref<10000x128xf32, #tpu.memory_space<hbm>>) dst(%dma_wait3A_157 : memref<104x128xf32, #tpu.memory_space<vmem>>)
      %add3A_164 = arith.constant 1 : i32
      %add3A_165 = arith.addi %mul3A_98, %add3A_164 : i32
      %mul3A_166 = arith.constant 104 : i32
      %mul3A_167 = arith.muli %add3A_165, %mul3A_166 : i32
      %run_scoped3A_168 = arith.constant 1 : i32
      "tpu.region"() ({
        %run_scoped3A_169 = tpu.sem_alloc : memref<!tpu.dma_semaphore, #tpu.memory_space<semaphore_mem>>
        %dma_start3A_170 = arith.constant 0 : i32
        %dma_start3A_171 = arith.constant 0 : i32
        %dma_start3A_172 = tpu.memref_slice %arg8[%run_scoped3A_168, %dma_start3A_170, %dma_start3A_171] : memref<2x104x128xf32, #tpu.memory_space<vmem>> -> memref<1x104x128xf32, #tpu.memory_space<vmem>>
        %dma_start3A_173 = tpu.memref_squeeze %dma_start3A_172 : memref<1x104x128xf32, #tpu.memory_space<vmem>> -> memref<104x128xf32, #tpu.memory_space<vmem>>
        %dma_start3A_174 = tpu.memref_slice %arg7[%mul3A_167] : memref<10000xi32, #tpu.memory_space<vmem>> -> memref<104xi32, #tpu.memory_space<vmem>>
        %dma_start3A_175 = arith.constant 0 : i32
        %dma_start3A_176 = arith.constant 0 : i32
        %dma_start3A_177 = tpu.memref_slice %arg10[%dma_start3A_175, %dma_start3A_176] : memref<10000x128xf32, #tpu.memory_space<vmem_shared>> -> memref<10000x128xf32, #tpu.memory_space<vmem_shared>>
        tpu.enqueue_indirect_dma source(%dma_start3A_173 : memref<104x128xf32, #tpu.memory_space<vmem>>) target(%dma_start3A_177 : memref<10000x128xf32, #tpu.memory_space<vmem_shared>>) offsets(%dma_start3A_174 : memref<104xi32, #tpu.memory_space<vmem>>) semaphore(%run_scoped3A_169 : memref<!tpu.dma_semaphore, #tpu.memory_space<semaphore_mem>>) {add = true}
        %dma_wait3A_178 = arith.constant 0 : i32
        %dma_wait3A_179 = arith.constant 0 : i32
        %dma_wait3A_180 = tpu.memref_slice %arg8[%run_scoped3A_168, %dma_wait3A_178, %dma_wait3A_179] : memref<2x104x128xf32, #tpu.memory_space<vmem>> -> memref<1x104x128xf32, #tpu.memory_space<vmem>>
        %dma_wait3A_181 = tpu.memref_squeeze %dma_wait3A_180 : memref<1x104x128xf32, #tpu.memory_space<vmem>> -> memref<104x128xf32, #tpu.memory_space<vmem>>
        %dma_wait3A_182 = tpu.memref_slice %arg7[%mul3A_167] : memref<10000xi32, #tpu.memory_space<vmem>> -> memref<104xi32, #tpu.memory_space<vmem>>
        %dma_wait3A_183 = arith.constant 0 : i32
        %dma_wait3A_184 = arith.constant 0 : i32
        %dma_wait3A_185 = tpu.memref_slice %arg10[%dma_wait3A_183, %dma_wait3A_184] : memref<10000x128xf32, #tpu.memory_space<vmem_shared>> -> memref<10000x128xf32, #tpu.memory_space<vmem_shared>>
        tpu.wait_indirect_dma semaphore(%run_scoped3A_169 : memref<!tpu.dma_semaphore, #tpu.memory_space<semaphore_mem>>) src(%dma_wait3A_181 : memref<104x128xf32, #tpu.memory_space<vmem>>) dst(%dma_wait3A_185 : memref<10000x128xf32, #tpu.memory_space<vmem_shared>>)
        tpu.yield
      }) : () -> ()
    }
    %scan3A_45 = arith.constant 47 : i32
    %dma_start3A_46 = arith.constant 1 : i32
    %dma_start3A_47 = arith.constant 1 : i32
    %dma_start3A_48 = arith.constant 0 : i32
    %dma_start3A_49 = arith.constant 0 : i32
    %dma_start3A_50 = tpu.memref_slice %arg8[%dma_start3A_46, %dma_start3A_48, %dma_start3A_49] : memref<2x104x128xf32, #tpu.memory_space<vmem>> -> memref<1x104x128xf32, #tpu.memory_space<vmem>>
    %dma_start3A_51 = tpu.memref_squeeze %dma_start3A_50 : memref<1x104x128xf32, #tpu.memory_space<vmem>> -> memref<104x128xf32, #tpu.memory_space<vmem>>
    %dma_start3A_52 = arith.constant 9880 : i32
    %dma_start3A_53 = tpu.memref_slice %arg6[%dma_start3A_52] : memref<10000xi32, #tpu.memory_space<vmem>> -> memref<104xi32, #tpu.memory_space<vmem>>
    %dma_start3A_54 = arith.constant 0 : i32
    %dma_start3A_55 = arith.constant 0 : i32
    %dma_start3A_56 = tpu.memref_slice %arg2[%dma_start3A_54, %dma_start3A_55] : memref<10000x128xf32, #tpu.memory_space<hbm>> -> memref<10000x128xf32, #tpu.memory_space<hbm>>
    %dma_start3A_57 = tpu.memref_slice %arg11[%dma_start3A_47] : memref<2x!tpu.dma_semaphore, #tpu.memory_space<semaphore_mem>> -> memref<1x!tpu.dma_semaphore, #tpu.memory_space<semaphore_mem>>
    %dma_start3A_58 = tpu.memref_squeeze %dma_start3A_57 : memref<1x!tpu.dma_semaphore, #tpu.memory_space<semaphore_mem>> -> memref<!tpu.dma_semaphore, #tpu.memory_space<semaphore_mem>>
    tpu.enqueue_indirect_dma source(%dma_start3A_56 : memref<10000x128xf32, #tpu.memory_space<hbm>>) target(%dma_start3A_51 : memref<104x128xf32, #tpu.memory_space<vmem>>) offsets(%dma_start3A_53 : memref<104xi32, #tpu.memory_space<vmem>>) semaphore(%dma_start3A_58 : memref<!tpu.dma_semaphore, #tpu.memory_space<semaphore_mem>>)
    %dma_wait3A = arith.constant 0 : i32
    %dma_wait3A_59 = arith.constant 0 : i32
    %dma_wait3A_60 = arith.constant 0 : i32
    %dma_wait3A_61 = arith.constant 0 : i32
    %dma_wait3A_62 = tpu.memref_slice %arg8[%dma_wait3A, %dma_wait3A_60, %dma_wait3A_61] : memref<2x104x128xf32, #tpu.memory_space<vmem>> -> memref<1x104x128xf32, #tpu.memory_space<vmem>>
    %dma_wait3A_63 = tpu.memref_squeeze %dma_wait3A_62 : memref<1x104x128xf32, #tpu.memory_space<vmem>> -> memref<104x128xf32, #tpu.memory_space<vmem>>
    %dma_wait3A_64 = arith.constant 9776 : i32
    %dma_wait3A_65 = tpu.memref_slice %arg6[%dma_wait3A_64] : memref<10000xi32, #tpu.memory_space<vmem>> -> memref<104xi32, #tpu.memory_space<vmem>>
    %dma_wait3A_66 = arith.constant 0 : i32
    %dma_wait3A_67 = arith.constant 0 : i32
    %dma_wait3A_68 = tpu.memref_slice %arg2[%dma_wait3A_66, %dma_wait3A_67] : memref<10000x128xf32, #tpu.memory_space<hbm>> -> memref<10000x128xf32, #tpu.memory_space<hbm>>
    %dma_wait3A_69 = tpu.memref_slice %arg11[%dma_wait3A_59] : memref<2x!tpu.dma_semaphore, #tpu.memory_space<semaphore_mem>> -> memref<1x!tpu.dma_semaphore, #tpu.memory_space<semaphore_mem>>
    %dma_wait3A_70 = tpu.memref_squeeze %dma_wait3A_69 : memref<1x!tpu.dma_semaphore, #tpu.memory_space<semaphore_mem>> -> memref<!tpu.dma_semaphore, #tpu.memory_space<semaphore_mem>>
    tpu.wait_indirect_dma semaphore(%dma_wait3A_70 : memref<!tpu.dma_semaphore, #tpu.memory_space<semaphore_mem>>) src(%dma_wait3A_68 : memref<10000x128xf32, #tpu.memory_space<hbm>>) dst(%dma_wait3A_63 : memref<104x128xf32, #tpu.memory_space<vmem>>)
    %run_scoped3A_71 = arith.constant 0 : i32
    "tpu.region"() ({
      %run_scoped3A_96 = tpu.sem_alloc : memref<!tpu.dma_semaphore, #tpu.memory_space<semaphore_mem>>
      %dma_start3A_97 = arith.constant 0 : i32
      %dma_start3A_98 = arith.constant 0 : i32
      %dma_start3A_99 = tpu.memref_slice %arg8[%run_scoped3A_71, %dma_start3A_97, %dma_start3A_98] : memref<2x104x128xf32, #tpu.memory_space<vmem>> -> memref<1x104x128xf32, #tpu.memory_space<vmem>>
      %dma_start3A_100 = tpu.memref_squeeze %dma_start3A_99 : memref<1x104x128xf32, #tpu.memory_space<vmem>> -> memref<104x128xf32, #tpu.memory_space<vmem>>
      %dma_start3A_101 = arith.constant 9776 : i32
      %dma_start3A_102 = tpu.memref_slice %arg7[%dma_start3A_101] : memref<10000xi32, #tpu.memory_space<vmem>> -> memref<104xi32, #tpu.memory_space<vmem>>
      %dma_start3A_103 = arith.constant 0 : i32
      %dma_start3A_104 = arith.constant 0 : i32
      %dma_start3A_105 = tpu.memref_slice %arg10[%dma_start3A_103, %dma_start3A_104] : memref<10000x128xf32, #tpu.memory_space<vmem_shared>> -> memref<10000x128xf32, #tpu.memory_space<vmem_shared>>
      tpu.enqueue_indirect_dma source(%dma_start3A_100 : memref<104x128xf32, #tpu.memory_space<vmem>>) target(%dma_start3A_105 : memref<10000x128xf32, #tpu.memory_space<vmem_shared>>) offsets(%dma_start3A_102 : memref<104xi32, #tpu.memory_space<vmem>>) semaphore(%run_scoped3A_96 : memref<!tpu.dma_semaphore, #tpu.memory_space<semaphore_mem>>) {add = true}
      %dma_wait3A_106 = arith.constant 0 : i32
      %dma_wait3A_107 = arith.constant 0 : i32
      %dma_wait3A_108 = tpu.memref_slice %arg8[%run_scoped3A_71, %dma_wait3A_106, %dma_wait3A_107] : memref<2x104x128xf32, #tpu.memory_space<vmem>> -> memref<1x104x128xf32, #tpu.memory_space<vmem>>
      %dma_wait3A_109 = tpu.memref_squeeze %dma_wait3A_108 : memref<1x104x128xf32, #tpu.memory_space<vmem>> -> memref<104x128xf32, #tpu.memory_space<vmem>>
      %dma_wait3A_110 = arith.constant 9776 : i32
      %dma_wait3A_111 = tpu.memref_slice %arg7[%dma_wait3A_110] : memref<10000xi32, #tpu.memory_space<vmem>> -> memref<104xi32, #tpu.memory_space<vmem>>
      %dma_wait3A_112 = arith.constant 0 : i32
      %dma_wait3A_113 = arith.constant 0 : i32
      %dma_wait3A_114 = tpu.memref_slice %arg10[%dma_wait3A_112, %dma_wait3A_113] : memref<10000x128xf32, #tpu.memory_space<vmem_shared>> -> memref<10000x128xf32, #tpu.memory_space<vmem_shared>>
      tpu.wait_indirect_dma semaphore(%run_scoped3A_96 : memref<!tpu.dma_semaphore, #tpu.memory_space<semaphore_mem>>) src(%dma_wait3A_109 : memref<104x128xf32, #tpu.memory_space<vmem>>) dst(%dma_wait3A_114 : memref<10000x128xf32, #tpu.memory_space<vmem_shared>>)
      tpu.yield
    }) : () -> ()
    %dma_wait3A_72 = arith.constant 1 : i32
    %dma_wait3A_73 = arith.constant 1 : i32
    %dma_wait3A_74 = arith.constant 0 : i32
    %dma_wait3A_75 = arith.constant 0 : i32
    %dma_wait3A_76 = tpu.memref_slice %arg8[%dma_wait3A_72, %dma_wait3A_74, %dma_wait3A_75] : memref<2x104x128xf32, #tpu.memory_space<vmem>> -> memref<1x104x128xf32, #tpu.memory_space<vmem>>
    %dma_wait3A_77 = tpu.memref_squeeze %dma_wait3A_76 : memref<1x104x128xf32, #tpu.memory_space<vmem>> -> memref<104x128xf32, #tpu.memory_space<vmem>>
    %dma_wait3A_78 = arith.constant 9880 : i32
    %dma_wait3A_79 = tpu.memref_slice %arg6[%dma_wait3A_78] : memref<10000xi32, #tpu.memory_space<vmem>> -> memref<104xi32, #tpu.memory_space<vmem>>
    %dma_wait3A_80 = arith.constant 0 : i32
    %dma_wait3A_81 = arith.constant 0 : i32
    %dma_wait3A_82 = tpu.memref_slice %arg2[%dma_wait3A_80, %dma_wait3A_81] : memref<10000x128xf32, #tpu.memory_space<hbm>> -> memref<10000x128xf32, #tpu.memory_space<hbm>>
    %dma_wait3A_83 = tpu.memref_slice %arg11[%dma_wait3A_73] : memref<2x!tpu.dma_semaphore, #tpu.memory_space<semaphore_mem>> -> memref<1x!tpu.dma_semaphore, #tpu.memory_space<semaphore_mem>>
    %dma_wait3A_84 = tpu.memref_squeeze %dma_wait3A_83 : memref<1x!tpu.dma_semaphore, #tpu.memory_space<semaphore_mem>> -> memref<!tpu.dma_semaphore, #tpu.memory_space<semaphore_mem>>
    tpu.wait_indirect_dma semaphore(%dma_wait3A_84 : memref<!tpu.dma_semaphore, #tpu.memory_space<semaphore_mem>>) src(%dma_wait3A_82 : memref<10000x128xf32, #tpu.memory_space<hbm>>) dst(%dma_wait3A_77 : memref<104x128xf32, #tpu.memory_space<vmem>>)
    %run_scoped3A_85 = arith.constant 1 : i32
    "tpu.region"() ({
      %run_scoped3A_96 = tpu.sem_alloc : memref<!tpu.dma_semaphore, #tpu.memory_space<semaphore_mem>>
      %dma_start3A_97 = arith.constant 0 : i32
      %dma_start3A_98 = arith.constant 0 : i32
      %dma_start3A_99 = tpu.memref_slice %arg8[%run_scoped3A_85, %dma_start3A_97, %dma_start3A_98] : memref<2x104x128xf32, #tpu.memory_space<vmem>> -> memref<1x104x128xf32, #tpu.memory_space<vmem>>
      %dma_start3A_100 = tpu.memref_squeeze %dma_start3A_99 : memref<1x104x128xf32, #tpu.memory_space<vmem>> -> memref<104x128xf32, #tpu.memory_space<vmem>>
      %dma_start3A_101 = arith.constant 9880 : i32
      %dma_start3A_102 = tpu.memref_slice %arg7[%dma_start3A_101] : memref<10000xi32, #tpu.memory_space<vmem>> -> memref<104xi32, #tpu.memory_space<vmem>>
      %dma_start3A_103 = arith.constant 0 : i32
      %dma_start3A_104 = arith.constant 0 : i32
      %dma_start3A_105 = tpu.memref_slice %arg10[%dma_start3A_103, %dma_start3A_104] : memref<10000x128xf32, #tpu.memory_space<vmem_shared>> -> memref<10000x128xf32, #tpu.memory_space<vmem_shared>>
      tpu.enqueue_indirect_dma source(%dma_start3A_100 : memref<104x128xf32, #tpu.memory_space<vmem>>) target(%dma_start3A_105 : memref<10000x128xf32, #tpu.memory_space<vmem_shared>>) offsets(%dma_start3A_102 : memref<104xi32, #tpu.memory_space<vmem>>) semaphore(%run_scoped3A_96 : memref<!tpu.dma_semaphore, #tpu.memory_space<semaphore_mem>>) {add = true}
      %dma_wait3A_106 = arith.constant 0 : i32
      %dma_wait3A_107 = arith.constant 0 : i32
      %dma_wait3A_108 = tpu.memref_slice %arg8[%run_scoped3A_85, %dma_wait3A_106, %dma_wait3A_107] : memref<2x104x128xf32, #tpu.memory_space<vmem>> -> memref<1x104x128xf32, #tpu.memory_space<vmem>>
      %dma_wait3A_109 = tpu.memref_squeeze %dma_wait3A_108 : memref<1x104x128xf32, #tpu.memory_space<vmem>> -> memref<104x128xf32, #tpu.memory_space<vmem>>
      %dma_wait3A_110 = arith.constant 9880 : i32
      %dma_wait3A_111 = tpu.memref_slice %arg7[%dma_wait3A_110] : memref<10000xi32, #tpu.memory_space<vmem>> -> memref<104xi32, #tpu.memory_space<vmem>>
      %dma_wait3A_112 = arith.constant 0 : i32
      %dma_wait3A_113 = arith.constant 0 : i32
      %dma_wait3A_114 = tpu.memref_slice %arg10[%dma_wait3A_112, %dma_wait3A_113] : memref<10000x128xf32, #tpu.memory_space<vmem_shared>> -> memref<10000x128xf32, #tpu.memory_space<vmem_shared>>
      tpu.wait_indirect_dma semaphore(%run_scoped3A_96 : memref<!tpu.dma_semaphore, #tpu.memory_space<semaphore_mem>>) src(%dma_wait3A_109 : memref<104x128xf32, #tpu.memory_space<vmem>>) dst(%dma_wait3A_114 : memref<10000x128xf32, #tpu.memory_space<vmem_shared>>)
      tpu.yield
    }) : () -> ()
    "tpu.region"() ({
      %run_scoped3A_96 = tpu.sem_alloc : memref<!tpu.dma_semaphore, #tpu.memory_space<semaphore_mem>>
      %dma_start3A_97 = arith.constant 9984 : i32
      %dma_start3A_98 = tpu.memref_slice %arg6[%dma_start3A_97] : memref<10000xi32, #tpu.memory_space<vmem>> -> memref<16xi32, #tpu.memory_space<vmem>>
      %dma_start3A_99 = arith.constant 0 : i32
      %dma_start3A_100 = arith.constant 0 : i32
      %dma_start3A_101 = tpu.memref_slice %arg2[%dma_start3A_99, %dma_start3A_100] : memref<10000x128xf32, #tpu.memory_space<hbm>> -> memref<10000x128xf32, #tpu.memory_space<hbm>>
      tpu.enqueue_indirect_dma source(%dma_start3A_101 : memref<10000x128xf32, #tpu.memory_space<hbm>>) target(%arg9 : memref<16x128xf32, #tpu.memory_space<vmem>>) offsets(%dma_start3A_98 : memref<16xi32, #tpu.memory_space<vmem>>) semaphore(%run_scoped3A_96 : memref<!tpu.dma_semaphore, #tpu.memory_space<semaphore_mem>>)
      %dma_wait3A_102 = arith.constant 9984 : i32
      %dma_wait3A_103 = tpu.memref_slice %arg6[%dma_wait3A_102] : memref<10000xi32, #tpu.memory_space<vmem>> -> memref<16xi32, #tpu.memory_space<vmem>>
      %dma_wait3A_104 = arith.constant 0 : i32
      %dma_wait3A_105 = arith.constant 0 : i32
      %dma_wait3A_106 = tpu.memref_slice %arg2[%dma_wait3A_104, %dma_wait3A_105] : memref<10000x128xf32, #tpu.memory_space<hbm>> -> memref<10000x128xf32, #tpu.memory_space<hbm>>
      tpu.wait_indirect_dma semaphore(%run_scoped3A_96 : memref<!tpu.dma_semaphore, #tpu.memory_space<semaphore_mem>>) src(%dma_wait3A_106 : memref<10000x128xf32, #tpu.memory_space<hbm>>) dst(%arg9 : memref<16x128xf32, #tpu.memory_space<vmem>>)
      tpu.yield
    }) : () -> ()
    "tpu.region"() ({
      %run_scoped3A_96 = tpu.sem_alloc : memref<!tpu.dma_semaphore, #tpu.memory_space<semaphore_mem>>
      %dma_start3A_97 = arith.constant 9984 : i32
      %dma_start3A_98 = tpu.memref_slice %arg7[%dma_start3A_97] : memref<10000xi32, #tpu.memory_space<vmem>> -> memref<16xi32, #tpu.memory_space<vmem>>
      %dma_start3A_99 = arith.constant 0 : i32
      %dma_start3A_100 = arith.constant 0 : i32
      %dma_start3A_101 = tpu.memref_slice %arg10[%dma_start3A_99, %dma_start3A_100] : memref<10000x128xf32, #tpu.memory_space<vmem_shared>> -> memref<10000x128xf32, #tpu.memory_space<vmem_shared>>
      tpu.enqueue_indirect_dma source(%arg9 : memref<16x128xf32, #tpu.memory_space<vmem>>) target(%dma_start3A_101 : memref<10000x128xf32, #tpu.memory_space<vmem_shared>>) offsets(%dma_start3A_98 : memref<16xi32, #tpu.memory_space<vmem>>) semaphore(%run_scoped3A_96 : memref<!tpu.dma_semaphore, #tpu.memory_space<semaphore_mem>>) {add = true}
      %dma_wait3A_102 = arith.constant 9984 : i32
      %dma_wait3A_103 = tpu.memref_slice %arg7[%dma_wait3A_102] : memref<10000xi32, #tpu.memory_space<vmem>> -> memref<16xi32, #tpu.memory_space<vmem>>
      %dma_wait3A_104 = arith.constant 0 : i32
      %dma_wait3A_105 = arith.constant 0 : i32
      %dma_wait3A_106 = tpu.memref_slice %arg10[%dma_wait3A_104, %dma_wait3A_105] : memref<10000x128xf32, #tpu.memory_space<vmem_shared>> -> memref<10000x128xf32, #tpu.memory_space<vmem_shared>>
      tpu.wait_indirect_dma semaphore(%run_scoped3A_96 : memref<!tpu.dma_semaphore, #tpu.memory_space<semaphore_mem>>) src(%arg9 : memref<16x128xf32, #tpu.memory_space<vmem>>) dst(%dma_wait3A_106 : memref<10000x128xf32, #tpu.memory_space<vmem_shared>>)
      tpu.yield
    }) : () -> ()
    %barrier3A_86 = arith.constant 0 : index
    tpu.barrier barrier_id(%barrier3A_86)
    %lt3A = arith.constant 15 : i32
    %lt3A_87 = arith.cmpi slt, %arg1, %lt3A : i32
    %convert_element_type3A_88 = arith.extui %lt3A_87 : i1 to i32
    %cond3A_89 = arith.constant 0 : i32
    %cond3A_90 = arith.cmpi ne, %convert_element_type3A_88, %cond3A_89 : i32
    scf.if %cond3A_90 {
      "tpu.region"() ({
        %run_scoped3A_96 = tpu.sem_alloc : memref<!tpu.dma_semaphore, #tpu.memory_space<semaphore_mem>>
        %dma_start3A_97 = arith.constant 0 : i32
        %dma_start3A_98 = tpu.memref_slice %arg5[%arg0, %mul3A_3, %dma_start3A_97] : memref<2x10000x128xf32, #tpu.memory_space<hbm>> -> memref<1x640x128xf32, #tpu.memory_space<hbm>>
        %dma_start3A_99 = tpu.memref_squeeze %dma_start3A_98 : memref<1x640x128xf32, #tpu.memory_space<hbm>> -> memref<640x128xf32, #tpu.memory_space<hbm>>
        %dma_start3A_100 = arith.constant 0 : i32
        %dma_start3A_101 = tpu.memref_slice %arg10[%mul3A_3, %dma_start3A_100] : memref<10000x128xf32, #tpu.memory_space<vmem_shared>> -> memref<640x128xf32, #tpu.memory_space<vmem_shared>>
        tpu.enqueue_dma source(%dma_start3A_101 : memref<640x128xf32, #tpu.memory_space<vmem_shared>>) target(%dma_start3A_99 : memref<640x128xf32, #tpu.memory_space<hbm>>) target_semaphore(%run_scoped3A_96 : memref<!tpu.dma_semaphore, #tpu.memory_space<semaphore_mem>>)
        %dma_wait3A_102 = arith.constant 0 : i32
        %dma_wait3A_103 = tpu.memref_slice %arg5[%arg0, %mul3A_3, %dma_wait3A_102] : memref<2x10000x128xf32, #tpu.memory_space<hbm>> -> memref<1x640x128xf32, #tpu.memory_space<hbm>>
        %dma_wait3A_104 = tpu.memref_squeeze %dma_wait3A_103 : memref<1x640x128xf32, #tpu.memory_space<hbm>> -> memref<640x128xf32, #tpu.memory_space<hbm>>
        %dma_wait3A_105 = arith.constant 0 : i32
        %dma_wait3A_106 = tpu.memref_slice %arg10[%mul3A_3, %dma_wait3A_105] : memref<10000x128xf32, #tpu.memory_space<vmem_shared>> -> memref<640x128xf32, #tpu.memory_space<vmem_shared>>
        tpu.wait_dma2 semaphore(%run_scoped3A_96 : memref<!tpu.dma_semaphore, #tpu.memory_space<semaphore_mem>>) src(%dma_wait3A_106 : memref<640x128xf32, #tpu.memory_space<vmem_shared>>) dst(%dma_wait3A_104 : memref<640x128xf32, #tpu.memory_space<hbm>>)
        tpu.yield
      }) : () -> ()
    } else {
    }
    %eq3A_91 = arith.constant 15 : i32
    %eq3A_92 = arith.cmpi eq, %arg1, %eq3A_91 : i32
    %convert_element_type3A_93 = arith.extui %eq3A_92 : i1 to i32
    %cond3A_94 = arith.constant 0 : i32
    %cond3A_95 = arith.cmpi ne, %convert_element_type3A_93, %cond3A_94 : i32
    scf.if %cond3A_95 {
      "tpu.region"() ({
        %run_scoped3A_96 = tpu.sem_alloc : memref<!tpu.dma_semaphore, #tpu.memory_space<semaphore_mem>>
        %dma_start3A_97 = arith.constant 9600 : i32
        %dma_start3A_98 = arith.constant 0 : i32
        %dma_start3A_99 = tpu.memref_slice %arg5[%arg0, %dma_start3A_97, %dma_start3A_98] : memref<2x10000x128xf32, #tpu.memory_space<hbm>> -> memref<1x400x128xf32, #tpu.memory_space<hbm>>
        %dma_start3A_100 = tpu.memref_squeeze %dma_start3A_99 : memref<1x400x128xf32, #tpu.memory_space<hbm>> -> memref<400x128xf32, #tpu.memory_space<hbm>>
        %dma_start3A_101 = arith.constant 9600 : i32
        %dma_start3A_102 = arith.constant 0 : i32
        %dma_start3A_103 = tpu.memref_slice %arg10[%dma_start3A_101, %dma_start3A_102] : memref<10000x128xf32, #tpu.memory_space<vmem_shared>> -> memref<400x128xf32, #tpu.memory_space<vmem_shared>>
        tpu.enqueue_dma source(%dma_start3A_103 : memref<400x128xf32, #tpu.memory_space<vmem_shared>>) target(%dma_start3A_100 : memref<400x128xf32, #tpu.memory_space<hbm>>) target_semaphore(%run_scoped3A_96 : memref<!tpu.dma_semaphore, #tpu.memory_space<semaphore_mem>>)
        %dma_wait3A_104 = arith.constant 9600 : i32
        %dma_wait3A_105 = arith.constant 0 : i32
        %dma_wait3A_106 = tpu.memref_slice %arg5[%arg0, %dma_wait3A_104, %dma_wait3A_105] : memref<2x10000x128xf32, #tpu.memory_space<hbm>> -> memref<1x400x128xf32, #tpu.memory_space<hbm>>
        %dma_wait3A_107 = tpu.memref_squeeze %dma_wait3A_106 : memref<1x400x128xf32, #tpu.memory_space<hbm>> -> memref<400x128xf32, #tpu.memory_space<hbm>>
        %dma_wait3A_108 = arith.constant 9600 : i32
        %dma_wait3A_109 = arith.constant 0 : i32
        %dma_wait3A_110 = tpu.memref_slice %arg10[%dma_wait3A_108, %dma_wait3A_109] : memref<10000x128xf32, #tpu.memory_space<vmem_shared>> -> memref<400x128xf32, #tpu.memory_space<vmem_shared>>
        tpu.wait_dma2 semaphore(%run_scoped3A_96 : memref<!tpu.dma_semaphore, #tpu.memory_space<semaphore_mem>>) src(%dma_wait3A_110 : memref<400x128xf32, #tpu.memory_space<vmem_shared>>) dst(%dma_wait3A_107 : memref<400x128xf32, #tpu.memory_space<hbm>>)
        tpu.yield
      }) : () -> ()
    } else {
    }
    return
  }
}

#map = affine_map<(d0, d1) -> (0, 0)>
#map1 = affine_map<(d0, d1) -> (0, 0, 0)>
module attributes {stable_mosaic.version = 14 : i64} {
  func.func @_prop_kernel(%arg0: i32, %arg1: i32, %arg2: memref<10000x128xf32, #tpu.memory_space<hbm>>, %arg3: memref<10000x128xf32, #tpu.memory_space<hbm>>, %arg4: memref<2x32x10000xi32, #tpu.memory_space<hbm>>, %arg5: memref<2x10000x128xf32, #tpu.memory_space<hbm>>, %arg6: memref<10000xi32, #tpu.memory_space<vmem>>, %arg7: memref<10000xi32, #tpu.memory_space<vmem>>, %arg8: memref<2x104x128xf32, #tpu.memory_space<vmem>>, %arg9: memref<16x128xf32, #tpu.memory_space<vmem>>, %arg10: memref<10000x128xf32, #tpu.memory_space<vmem_shared>>, %arg11: memref<2x!tpu.dma_semaphore, #tpu.memory_space<semaphore_mem>>) attributes {dimension_semantics = [#tpu.dimension_semantics<core_parallel>, #tpu.dimension_semantics<subcore_parallel>], iteration_bounds = array<i64: 2, 16>, scalar_prefetch = 0 : i64, scratch_operands = 6 : i64, tpu.core_type = #tpu.core_type<sc_vector_subcore>, window_params = [{transform_indices = #map}, {transform_indices = #map}, {transform_indices = #map1}, {transform_indices = #map1}]} {
    %mul3A = arith.constant 16 : i32
    %mul3A_0 = arith.muli %arg0, %mul3A : i32
    %add3A = arith.addi %mul3A_0, %arg1 : i32
    %run_scoped3A = arith.constant 0 : i32
    "tpu.region"() ({
      %run_scoped3A_96 = tpu.sem_alloc : memref<!tpu.dma_semaphore, #tpu.memory_space<semaphore_mem>>
      %dma_start3A_97 = arith.constant 0 : i32
      %dma_start3A_98 = tpu.memref_slice %arg4[%run_scoped3A, %add3A, %dma_start3A_97] : memref<2x32x10000xi32, #tpu.memory_space<hbm>> -> memref<1x1x10000xi32, #tpu.memory_space<hbm>>
      %dma_start3A_99 = tpu.memref_squeeze %dma_start3A_98 : memref<1x1x10000xi32, #tpu.memory_space<hbm>> -> memref<10000xi32, #tpu.memory_space<hbm>>
      %dma_start3A_100 = arith.constant 0 : i32
      %dma_start3A_101 = tpu.memref_slice %arg4[%run_scoped3A, %add3A, %dma_start3A_100] : memref<2x32x10000xi32, #tpu.memory_space<hbm>> -> memref<1x1x10000xi32, #tpu.memory_space<hbm>>
      %dma_start3A_102 = tpu.memref_squeeze %dma_start3A_101 : memref<1x1x10000xi32, #tpu.memory_space<hbm>> -> memref<10000xi32, #tpu.memory_space<hbm>>
      tpu.enqueue_dma source(%dma_start3A_102 : memref<10000xi32, #tpu.memory_space<hbm>>) target(%arg6 : memref<10000xi32, #tpu.memory_space<vmem>>) target_semaphore(%run_scoped3A_96 : memref<!tpu.dma_semaphore, #tpu.memory_space<semaphore_mem>>)
      %dma_wait3A_103 = arith.constant 0 : i32
      %dma_wait3A_104 = tpu.memref_slice %arg4[%run_scoped3A, %add3A, %dma_wait3A_103] : memref<2x32x10000xi32, #tpu.memory_space<hbm>> -> memref<1x1x10000xi32, #tpu.memory_space<hbm>>
      %dma_wait3A_105 = tpu.memref_squeeze %dma_wait3A_104 : memref<1x1x10000xi32, #tpu.memory_space<hbm>> -> memref<10000xi32, #tpu.memory_space<hbm>>
      %dma_wait3A_106 = arith.constant 0 : i32
      %dma_wait3A_107 = tpu.memref_slice %arg4[%run_scoped3A, %add3A, %dma_wait3A_106] : memref<2x32x10000xi32, #tpu.memory_space<hbm>> -> memref<1x1x10000xi32, #tpu.memory_space<hbm>>
      %dma_wait3A_108 = tpu.memref_squeeze %dma_wait3A_107 : memref<1x1x10000xi32, #tpu.memory_space<hbm>> -> memref<10000xi32, #tpu.memory_space<hbm>>
      tpu.wait_dma2 semaphore(%run_scoped3A_96 : memref<!tpu.dma_semaphore, #tpu.memory_space<semaphore_mem>>) src(%dma_wait3A_108 : memref<10000xi32, #tpu.memory_space<hbm>>) dst(%arg6 : memref<10000xi32, #tpu.memory_space<vmem>>)
      tpu.yield
    }) : () -> ()
    %run_scoped3A_1 = arith.constant 1 : i32
    "tpu.region"() ({
      %run_scoped3A_96 = tpu.sem_alloc : memref<!tpu.dma_semaphore, #tpu.memory_space<semaphore_mem>>
      %dma_start3A_97 = arith.constant 0 : i32
      %dma_start3A_98 = tpu.memref_slice %arg4[%run_scoped3A_1, %add3A, %dma_start3A_97] : memref<2x32x10000xi32, #tpu.memory_space<hbm>> -> memref<1x1x10000xi32, #tpu.memory_space<hbm>>
      %dma_start3A_99 = tpu.memref_squeeze %dma_start3A_98 : memref<1x1x10000xi32, #tpu.memory_space<hbm>> -> memref<10000xi32, #tpu.memory_space<hbm>>
      %dma_start3A_100 = arith.constant 0 : i32
      %dma_start3A_101 = tpu.memref_slice %arg4[%run_scoped3A_1, %add3A, %dma_start3A_100] : memref<2x32x10000xi32, #tpu.memory_space<hbm>> -> memref<1x1x10000xi32, #tpu.memory_space<hbm>>
      %dma_start3A_102 = tpu.memref_squeeze %dma_start3A_101 : memref<1x1x10000xi32, #tpu.memory_space<hbm>> -> memref<10000xi32, #tpu.memory_space<hbm>>
      tpu.enqueue_dma source(%dma_start3A_102 : memref<10000xi32, #tpu.memory_space<hbm>>) target(%arg7 : memref<10000xi32, #tpu.memory_space<vmem>>) target_semaphore(%run_scoped3A_96 : memref<!tpu.dma_semaphore, #tpu.memory_space<semaphore_mem>>)
      %dma_wait3A_103 = arith.constant 0 : i32
      %dma_wait3A_104 = tpu.memref_slice %arg4[%run_scoped3A_1, %add3A, %dma_wait3A_103] : memref<2x32x10000xi32, #tpu.memory_space<hbm>> -> memref<1x1x10000xi32, #tpu.memory_space<hbm>>
      %dma_wait3A_105 = tpu.memref_squeeze %dma_wait3A_104 : memref<1x1x10000xi32, #tpu.memory_space<hbm>> -> memref<10000xi32, #tpu.memory_space<hbm>>
      %dma_wait3A_106 = arith.constant 0 : i32
      %dma_wait3A_107 = tpu.memref_slice %arg4[%run_scoped3A_1, %add3A, %dma_wait3A_106] : memref<2x32x10000xi32, #tpu.memory_space<hbm>> -> memref<1x1x10000xi32, #tpu.memory_space<hbm>>
      %dma_wait3A_108 = tpu.memref_squeeze %dma_wait3A_107 : memref<1x1x10000xi32, #tpu.memory_space<hbm>> -> memref<10000xi32, #tpu.memory_space<hbm>>
      tpu.wait_dma2 semaphore(%run_scoped3A_96 : memref<!tpu.dma_semaphore, #tpu.memory_space<semaphore_mem>>) src(%dma_wait3A_108 : memref<10000xi32, #tpu.memory_space<hbm>>) dst(%arg7 : memref<10000xi32, #tpu.memory_space<vmem>>)
      tpu.yield
    }) : () -> ()
    %mul3A_2 = arith.constant 640 : i32
    %mul3A_3 = arith.muli %arg1, %mul3A_2 : i32
    %eq3A = arith.constant 15 : i32
    %eq3A_4 = arith.cmpi eq, %arg1, %eq3A : i32
    %eq3A_5 = arith.constant 0 : i32
    %eq3A_6 = arith.cmpi eq, %arg0, %eq3A_5 : i32
    %not3A = arith.constant true
    %not3A_7 = arith.xori %eq3A_4, %not3A : i1
    %and3A = arith.andi %eq3A_6, %not3A_7 : i1
    %convert_element_type3A = arith.extui %and3A : i1 to i32
    %cond3A = arith.constant 0 : i32
    %cond3A_8 = arith.cmpi ne, %convert_element_type3A, %cond3A : i32
    scf.if %cond3A_8 {
      "tpu.region"() ({
        %run_scoped3A_96 = tpu.sem_alloc : memref<!tpu.dma_semaphore, #tpu.memory_space<semaphore_mem>>
        %dma_start3A_97 = arith.constant 0 : i32
        %dma_start3A_98 = tpu.memref_slice %arg10[%mul3A_3, %dma_start3A_97] : memref<10000x128xf32, #tpu.memory_space<vmem_shared>> -> memref<640x128xf32, #tpu.memory_space<vmem_shared>>
        %dma_start3A_99 = arith.constant 0 : i32
        %dma_start3A_100 = tpu.memref_slice %arg2[%mul3A_3, %dma_start3A_99] : memref<10000x128xf32, #tpu.memory_space<hbm>> -> memref<640x128xf32, #tpu.memory_space<hbm>>
        tpu.enqueue_dma source(%dma_start3A_100 : memref<640x128xf32, #tpu.memory_space<hbm>>) target(%dma_start3A_98 : memref<640x128xf32, #tpu.memory_space<vmem_shared>>) target_semaphore(%run_scoped3A_96 : memref<!tpu.dma_semaphore, #tpu.memory_space<semaphore_mem>>)
        %dma_wait3A_101 = arith.constant 0 : i32
        %dma_wait3A_102 = tpu.memref_slice %arg10[%mul3A_3, %dma_wait3A_101] : memref<10000x128xf32, #tpu.memory_space<vmem_shared>> -> memref<640x128xf32, #tpu.memory_space<vmem_shared>>
        %dma_wait3A_103 = arith.constant 0 : i32
        %dma_wait3A_104 = tpu.memref_slice %arg2[%mul3A_3, %dma_wait3A_103] : memref<10000x128xf32, #tpu.memory_space<hbm>> -> memref<640x128xf32, #tpu.memory_space<hbm>>
        tpu.wait_dma2 semaphore(%run_scoped3A_96 : memref<!tpu.dma_semaphore, #tpu.memory_space<semaphore_mem>>) src(%dma_wait3A_104 : memref<640x128xf32, #tpu.memory_space<hbm>>) dst(%dma_wait3A_102 : memref<640x128xf32, #tpu.memory_space<vmem_shared>>)
        tpu.yield
      }) : () -> ()
    } else {
    }
    %eq3A_9 = arith.constant 0 : i32
    %eq3A_10 = arith.cmpi eq, %arg0, %eq3A_9 : i32
    %and3A_11 = arith.andi %eq3A_10, %eq3A_4 : i1
    %convert_element_type3A_12 = arith.extui %and3A_11 : i1 to i32
    %cond3A_13 = arith.constant 0 : i32
    %cond3A_14 = arith.cmpi ne, %convert_element_type3A_12, %cond3A_13 : i32
    scf.if %cond3A_14 {
      "tpu.region"() ({
        %run_scoped3A_96 = tpu.sem_alloc : memref<!tpu.dma_semaphore, #tpu.memory_space<semaphore_mem>>
        %dma_start3A_97 = arith.constant 9600 : i32
        %dma_start3A_98 = arith.constant 0 : i32
        %dma_start3A_99 = tpu.memref_slice %arg10[%dma_start3A_97, %dma_start3A_98] : memref<10000x128xf32, #tpu.memory_space<vmem_shared>> -> memref<400x128xf32, #tpu.memory_space<vmem_shared>>
        %dma_start3A_100 = arith.constant 9600 : i32
        %dma_start3A_101 = arith.constant 0 : i32
        %dma_start3A_102 = tpu.memref_slice %arg2[%dma_start3A_100, %dma_start3A_101] : memref<10000x128xf32, #tpu.memory_space<hbm>> -> memref<400x128xf32, #tpu.memory_space<hbm>>
        tpu.enqueue_dma source(%dma_start3A_102 : memref<400x128xf32, #tpu.memory_space<hbm>>) target(%dma_start3A_99 : memref<400x128xf32, #tpu.memory_space<vmem_shared>>) target_semaphore(%run_scoped3A_96 : memref<!tpu.dma_semaphore, #tpu.memory_space<semaphore_mem>>)
        %dma_wait3A_103 = arith.constant 9600 : i32
        %dma_wait3A_104 = arith.constant 0 : i32
        %dma_wait3A_105 = tpu.memref_slice %arg10[%dma_wait3A_103, %dma_wait3A_104] : memref<10000x128xf32, #tpu.memory_space<vmem_shared>> -> memref<400x128xf32, #tpu.memory_space<vmem_shared>>
        %dma_wait3A_106 = arith.constant 9600 : i32
        %dma_wait3A_107 = arith.constant 0 : i32
        %dma_wait3A_108 = tpu.memref_slice %arg2[%dma_wait3A_106, %dma_wait3A_107] : memref<10000x128xf32, #tpu.memory_space<hbm>> -> memref<400x128xf32, #tpu.memory_space<hbm>>
        tpu.wait_dma2 semaphore(%run_scoped3A_96 : memref<!tpu.dma_semaphore, #tpu.memory_space<semaphore_mem>>) src(%dma_wait3A_108 : memref<400x128xf32, #tpu.memory_space<hbm>>) dst(%dma_wait3A_105 : memref<400x128xf32, #tpu.memory_space<vmem_shared>>)
        tpu.yield
      }) : () -> ()
    } else {
    }
    %eq3A_15 = arith.constant 1 : i32
    %eq3A_16 = arith.cmpi eq, %arg0, %eq3A_15 : i32
    %not3A_17 = arith.constant true
    %not3A_18 = arith.xori %eq3A_4, %not3A_17 : i1
    %and3A_19 = arith.andi %eq3A_16, %not3A_18 : i1
    %convert_element_type3A_20 = arith.extui %and3A_19 : i1 to i32
    %cond3A_21 = arith.constant 0 : i32
    %cond3A_22 = arith.cmpi ne, %convert_element_type3A_20, %cond3A_21 : i32
    scf.if %cond3A_22 {
      "tpu.region"() ({
        %run_scoped3A_96 = tpu.sem_alloc : memref<!tpu.dma_semaphore, #tpu.memory_space<semaphore_mem>>
        %dma_start3A_97 = arith.constant 0 : i32
        %dma_start3A_98 = tpu.memref_slice %arg10[%mul3A_3, %dma_start3A_97] : memref<10000x128xf32, #tpu.memory_space<vmem_shared>> -> memref<640x128xf32, #tpu.memory_space<vmem_shared>>
        %dma_start3A_99 = arith.constant 0 : i32
        %dma_start3A_100 = tpu.memref_slice %arg3[%mul3A_3, %dma_start3A_99] : memref<10000x128xf32, #tpu.memory_space<hbm>> -> memref<640x128xf32, #tpu.memory_space<hbm>>
        tpu.enqueue_dma source(%dma_start3A_100 : memref<640x128xf32, #tpu.memory_space<hbm>>) target(%dma_start3A_98 : memref<640x128xf32, #tpu.memory_space<vmem_shared>>) target_semaphore(%run_scoped3A_96 : memref<!tpu.dma_semaphore, #tpu.memory_space<semaphore_mem>>)
        %dma_wait3A_101 = arith.constant 0 : i32
        %dma_wait3A_102 = tpu.memref_slice %arg10[%mul3A_3, %dma_wait3A_101] : memref<10000x128xf32, #tpu.memory_space<vmem_shared>> -> memref<640x128xf32, #tpu.memory_space<vmem_shared>>
        %dma_wait3A_103 = arith.constant 0 : i32
        %dma_wait3A_104 = tpu.memref_slice %arg3[%mul3A_3, %dma_wait3A_103] : memref<10000x128xf32, #tpu.memory_space<hbm>> -> memref<640x128xf32, #tpu.memory_space<hbm>>
        tpu.wait_dma2 semaphore(%run_scoped3A_96 : memref<!tpu.dma_semaphore, #tpu.memory_space<semaphore_mem>>) src(%dma_wait3A_104 : memref<640x128xf32, #tpu.memory_space<hbm>>) dst(%dma_wait3A_102 : memref<640x128xf32, #tpu.memory_space<vmem_shared>>)
        tpu.yield
      }) : () -> ()
    } else {
    }
    %eq3A_23 = arith.constant 1 : i32
    %eq3A_24 = arith.cmpi eq, %arg0, %eq3A_23 : i32
    %and3A_25 = arith.andi %eq3A_24, %eq3A_4 : i1
    %convert_element_type3A_26 = arith.extui %and3A_25 : i1 to i32
    %cond3A_27 = arith.constant 0 : i32
    %cond3A_28 = arith.cmpi ne, %convert_element_type3A_26, %cond3A_27 : i32
    scf.if %cond3A_28 {
      "tpu.region"() ({
        %run_scoped3A_96 = tpu.sem_alloc : memref<!tpu.dma_semaphore, #tpu.memory_space<semaphore_mem>>
        %dma_start3A_97 = arith.constant 9600 : i32
        %dma_start3A_98 = arith.constant 0 : i32
        %dma_start3A_99 = tpu.memref_slice %arg10[%dma_start3A_97, %dma_start3A_98] : memref<10000x128xf32, #tpu.memory_space<vmem_shared>> -> memref<400x128xf32, #tpu.memory_space<vmem_shared>>
        %dma_start3A_100 = arith.constant 9600 : i32
        %dma_start3A_101 = arith.constant 0 : i32
        %dma_start3A_102 = tpu.memref_slice %arg3[%dma_start3A_100, %dma_start3A_101] : memref<10000x128xf32, #tpu.memory_space<hbm>> -> memref<400x128xf32, #tpu.memory_space<hbm>>
        tpu.enqueue_dma source(%dma_start3A_102 : memref<400x128xf32, #tpu.memory_space<hbm>>) target(%dma_start3A_99 : memref<400x128xf32, #tpu.memory_space<vmem_shared>>) target_semaphore(%run_scoped3A_96 : memref<!tpu.dma_semaphore, #tpu.memory_space<semaphore_mem>>)
        %dma_wait3A_103 = arith.constant 9600 : i32
        %dma_wait3A_104 = arith.constant 0 : i32
        %dma_wait3A_105 = tpu.memref_slice %arg10[%dma_wait3A_103, %dma_wait3A_104] : memref<10000x128xf32, #tpu.memory_space<vmem_shared>> -> memref<400x128xf32, #tpu.memory_space<vmem_shared>>
        %dma_wait3A_106 = arith.constant 9600 : i32
        %dma_wait3A_107 = arith.constant 0 : i32
        %dma_wait3A_108 = tpu.memref_slice %arg3[%dma_wait3A_106, %dma_wait3A_107] : memref<10000x128xf32, #tpu.memory_space<hbm>> -> memref<400x128xf32, #tpu.memory_space<hbm>>
        tpu.wait_dma2 semaphore(%run_scoped3A_96 : memref<!tpu.dma_semaphore, #tpu.memory_space<semaphore_mem>>) src(%dma_wait3A_108 : memref<400x128xf32, #tpu.memory_space<hbm>>) dst(%dma_wait3A_105 : memref<400x128xf32, #tpu.memory_space<vmem_shared>>)
        tpu.yield
      }) : () -> ()
    } else {
    }
    %barrier3A = arith.constant 0 : index
    tpu.barrier barrier_id(%barrier3A)
    %dma_start3A = arith.constant 0 : i32
    %dma_start3A_29 = arith.constant 0 : i32
    %dma_start3A_30 = arith.constant 0 : i32
    %dma_start3A_31 = arith.constant 0 : i32
    %dma_start3A_32 = tpu.memref_slice %arg8[%dma_start3A, %dma_start3A_30, %dma_start3A_31] : memref<2x104x128xf32, #tpu.memory_space<vmem>> -> memref<1x104x128xf32, #tpu.memory_space<vmem>>
    %dma_start3A_33 = tpu.memref_squeeze %dma_start3A_32 : memref<1x104x128xf32, #tpu.memory_space<vmem>> -> memref<104x128xf32, #tpu.memory_space<vmem>>
    %dma_start3A_34 = arith.constant 0 : i32
    %dma_start3A_35 = tpu.memref_slice %arg6[%dma_start3A_34] : memref<10000xi32, #tpu.memory_space<vmem>> -> memref<104xi32, #tpu.memory_space<vmem>>
    %dma_start3A_36 = arith.constant 0 : i32
    %dma_start3A_37 = arith.constant 0 : i32
    %dma_start3A_38 = tpu.memref_slice %arg2[%dma_start3A_36, %dma_start3A_37] : memref<10000x128xf32, #tpu.memory_space<hbm>> -> memref<10000x128xf32, #tpu.memory_space<hbm>>
    %dma_start3A_39 = tpu.memref_slice %arg11[%dma_start3A_29] : memref<2x!tpu.dma_semaphore, #tpu.memory_space<semaphore_mem>> -> memref<1x!tpu.dma_semaphore, #tpu.memory_space<semaphore_mem>>
    %dma_start3A_40 = tpu.memref_squeeze %dma_start3A_39 : memref<1x!tpu.dma_semaphore, #tpu.memory_space<semaphore_mem>> -> memref<!tpu.dma_semaphore, #tpu.memory_space<semaphore_mem>>
    tpu.enqueue_indirect_dma source(%dma_start3A_38 : memref<10000x128xf32, #tpu.memory_space<hbm>>) target(%dma_start3A_33 : memref<104x128xf32, #tpu.memory_space<vmem>>) offsets(%dma_start3A_35 : memref<104xi32, #tpu.memory_space<vmem>>) semaphore(%dma_start3A_40 : memref<!tpu.dma_semaphore, #tpu.memory_space<semaphore_mem>>)
    %scan3A = arith.constant 0 : i32
    %scan3A_41 = arith.constant 0 : i32
    %scan3A_42 = arith.constant 47 : i32
    %scan3A_43 = arith.addi %scan3A_41, %scan3A_42 : i32
    %scan3A_44 = arith.constant 1 : i32
    scf.for %scan3A_96 = %scan3A_41 to %scan3A_43 step %scan3A_44  : i32 {
      %mul3A_97 = arith.constant 2 : i32
      %mul3A_98 = arith.muli %mul3A_97, %scan3A_96 : i32
      %add3A_99 = arith.constant 1 : i32
      %add3A_100 = arith.addi %mul3A_98, %add3A_99 : i32
      %mul3A_101 = arith.constant 104 : i32
      %mul3A_102 = arith.muli %add3A_100, %mul3A_101 : i32
      %dma_start3A_103 = arith.constant 1 : i32
      %dma_start3A_104 = arith.constant 1 : i32
      %dma_start3A_105 = arith.constant 0 : i32
      %dma_start3A_106 = arith.constant 0 : i32
      %dma_start3A_107 = tpu.memref_slice %arg8[%dma_start3A_103, %dma_start3A_105, %dma_start3A_106] : memref<2x104x128xf32, #tpu.memory_space<vmem>> -> memref<1x104x128xf32, #tpu.memory_space<vmem>>
      %dma_start3A_108 = tpu.memref_squeeze %dma_start3A_107 : memref<1x104x128xf32, #tpu.memory_space<vmem>> -> memref<104x128xf32, #tpu.memory_space<vmem>>
      %dma_start3A_109 = tpu.memref_slice %arg6[%mul3A_102] : memref<10000xi32, #tpu.memory_space<vmem>> -> memref<104xi32, #tpu.memory_space<vmem>>
      %dma_start3A_110 = arith.constant 0 : i32
      %dma_start3A_111 = arith.constant 0 : i32
      %dma_start3A_112 = tpu.memref_slice %arg2[%dma_start3A_110, %dma_start3A_111] : memref<10000x128xf32, #tpu.memory_space<hbm>> -> memref<10000x128xf32, #tpu.memory_space<hbm>>
      %dma_start3A_113 = tpu.memref_slice %arg11[%dma_start3A_104] : memref<2x!tpu.dma_semaphore, #tpu.memory_space<semaphore_mem>> -> memref<1x!tpu.dma_semaphore, #tpu.memory_space<semaphore_mem>>
      %dma_start3A_114 = tpu.memref_squeeze %dma_start3A_113 : memref<1x!tpu.dma_semaphore, #tpu.memory_space<semaphore_mem>> -> memref<!tpu.dma_semaphore, #tpu.memory_space<semaphore_mem>>
      tpu.enqueue_indirect_dma source(%dma_start3A_112 : memref<10000x128xf32, #tpu.memory_space<hbm>>) target(%dma_start3A_108 : memref<104x128xf32, #tpu.memory_space<vmem>>) offsets(%dma_start3A_109 : memref<104xi32, #tpu.memory_space<vmem>>) semaphore(%dma_start3A_114 : memref<!tpu.dma_semaphore, #tpu.memory_space<semaphore_mem>>)
      %mul3A_115 = arith.constant 104 : i32
      %mul3A_116 = arith.muli %mul3A_98, %mul3A_115 : i32
      %dma_wait3A_117 = arith.constant 0 : i32
      %dma_wait3A_118 = arith.constant 0 : i32
      %dma_wait3A_119 = arith.constant 0 : i32
      %dma_wait3A_120 = arith.constant 0 : i32
      %dma_wait3A_121 = tpu.memref_slice %arg8[%dma_wait3A_117, %dma_wait3A_119, %dma_wait3A_120] : memref<2x104x128xf32, #tpu.memory_space<vmem>> -> memref<1x104x128xf32, #tpu.memory_space<vmem>>
      %dma_wait3A_122 = tpu.memref_squeeze %dma_wait3A_121 : memref<1x104x128xf32, #tpu.memory_space<vmem>> -> memref<104x128xf32, #tpu.memory_space<vmem>>
      %dma_wait3A_123 = tpu.memref_slice %arg6[%mul3A_116] : memref<10000xi32, #tpu.memory_space<vmem>> -> memref<104xi32, #tpu.memory_space<vmem>>
      %dma_wait3A_124 = arith.constant 0 : i32
      %dma_wait3A_125 = arith.constant 0 : i32
      %dma_wait3A_126 = tpu.memref_slice %arg2[%dma_wait3A_124, %dma_wait3A_125] : memref<10000x128xf32, #tpu.memory_space<hbm>> -> memref<10000x128xf32, #tpu.memory_space<hbm>>
      %dma_wait3A_127 = tpu.memref_slice %arg11[%dma_wait3A_118] : memref<2x!tpu.dma_semaphore, #tpu.memory_space<semaphore_mem>> -> memref<1x!tpu.dma_semaphore, #tpu.memory_space<semaphore_mem>>
      %dma_wait3A_128 = tpu.memref_squeeze %dma_wait3A_127 : memref<1x!tpu.dma_semaphore, #tpu.memory_space<semaphore_mem>> -> memref<!tpu.dma_semaphore, #tpu.memory_space<semaphore_mem>>
      tpu.wait_indirect_dma semaphore(%dma_wait3A_128 : memref<!tpu.dma_semaphore, #tpu.memory_space<semaphore_mem>>) src(%dma_wait3A_126 : memref<10000x128xf32, #tpu.memory_space<hbm>>) dst(%dma_wait3A_122 : memref<104x128xf32, #tpu.memory_space<vmem>>)
      %mul3A_129 = arith.constant 104 : i32
      %mul3A_130 = arith.muli %mul3A_98, %mul3A_129 : i32
      %run_scoped3A_131 = arith.constant 0 : i32
      "tpu.region"() ({
        %run_scoped3A_169 = tpu.sem_alloc : memref<!tpu.dma_semaphore, #tpu.memory_space<semaphore_mem>>
        %dma_start3A_170 = arith.constant 0 : i32
        %dma_start3A_171 = arith.constant 0 : i32
        %dma_start3A_172 = tpu.memref_slice %arg8[%run_scoped3A_131, %dma_start3A_170, %dma_start3A_171] : memref<2x104x128xf32, #tpu.memory_space<vmem>> -> memref<1x104x128xf32, #tpu.memory_space<vmem>>
        %dma_start3A_173 = tpu.memref_squeeze %dma_start3A_172 : memref<1x104x128xf32, #tpu.memory_space<vmem>> -> memref<104x128xf32, #tpu.memory_space<vmem>>
        %dma_start3A_174 = tpu.memref_slice %arg7[%mul3A_130] : memref<10000xi32, #tpu.memory_space<vmem>> -> memref<104xi32, #tpu.memory_space<vmem>>
        %dma_start3A_175 = arith.constant 0 : i32
        %dma_start3A_176 = arith.constant 0 : i32
        %dma_start3A_177 = tpu.memref_slice %arg10[%dma_start3A_175, %dma_start3A_176] : memref<10000x128xf32, #tpu.memory_space<vmem_shared>> -> memref<10000x128xf32, #tpu.memory_space<vmem_shared>>
        tpu.enqueue_indirect_dma source(%dma_start3A_173 : memref<104x128xf32, #tpu.memory_space<vmem>>) target(%dma_start3A_177 : memref<10000x128xf32, #tpu.memory_space<vmem_shared>>) offsets(%dma_start3A_174 : memref<104xi32, #tpu.memory_space<vmem>>) semaphore(%run_scoped3A_169 : memref<!tpu.dma_semaphore, #tpu.memory_space<semaphore_mem>>) {add = true}
        %dma_wait3A_178 = arith.constant 0 : i32
        %dma_wait3A_179 = arith.constant 0 : i32
        %dma_wait3A_180 = tpu.memref_slice %arg8[%run_scoped3A_131, %dma_wait3A_178, %dma_wait3A_179] : memref<2x104x128xf32, #tpu.memory_space<vmem>> -> memref<1x104x128xf32, #tpu.memory_space<vmem>>
        %dma_wait3A_181 = tpu.memref_squeeze %dma_wait3A_180 : memref<1x104x128xf32, #tpu.memory_space<vmem>> -> memref<104x128xf32, #tpu.memory_space<vmem>>
        %dma_wait3A_182 = tpu.memref_slice %arg7[%mul3A_130] : memref<10000xi32, #tpu.memory_space<vmem>> -> memref<104xi32, #tpu.memory_space<vmem>>
        %dma_wait3A_183 = arith.constant 0 : i32
        %dma_wait3A_184 = arith.constant 0 : i32
        %dma_wait3A_185 = tpu.memref_slice %arg10[%dma_wait3A_183, %dma_wait3A_184] : memref<10000x128xf32, #tpu.memory_space<vmem_shared>> -> memref<10000x128xf32, #tpu.memory_space<vmem_shared>>
        tpu.wait_indirect_dma semaphore(%run_scoped3A_169 : memref<!tpu.dma_semaphore, #tpu.memory_space<semaphore_mem>>) src(%dma_wait3A_181 : memref<104x128xf32, #tpu.memory_space<vmem>>) dst(%dma_wait3A_185 : memref<10000x128xf32, #tpu.memory_space<vmem_shared>>)
        tpu.yield
      }) : () -> ()
      %add3A_132 = arith.constant 2 : i32
      %add3A_133 = arith.addi %mul3A_98, %add3A_132 : i32
      %mul3A_134 = arith.constant 104 : i32
      %mul3A_135 = arith.muli %add3A_133, %mul3A_134 : i32
      %dma_start3A_136 = arith.constant 0 : i32
      %dma_start3A_137 = arith.constant 0 : i32
      %dma_start3A_138 = arith.constant 0 : i32
      %dma_start3A_139 = arith.constant 0 : i32
      %dma_start3A_140 = tpu.memref_slice %arg8[%dma_start3A_136, %dma_start3A_138, %dma_start3A_139] : memref<2x104x128xf32, #tpu.memory_space<vmem>> -> memref<1x104x128xf32, #tpu.memory_space<vmem>>
      %dma_start3A_141 = tpu.memref_squeeze %dma_start3A_140 : memref<1x104x128xf32, #tpu.memory_space<vmem>> -> memref<104x128xf32, #tpu.memory_space<vmem>>
      %dma_start3A_142 = tpu.memref_slice %arg6[%mul3A_135] : memref<10000xi32, #tpu.memory_space<vmem>> -> memref<104xi32, #tpu.memory_space<vmem>>
      %dma_start3A_143 = arith.constant 0 : i32
      %dma_start3A_144 = arith.constant 0 : i32
      %dma_start3A_145 = tpu.memref_slice %arg2[%dma_start3A_143, %dma_start3A_144] : memref<10000x128xf32, #tpu.memory_space<hbm>> -> memref<10000x128xf32, #tpu.memory_space<hbm>>
      %dma_start3A_146 = tpu.memref_slice %arg11[%dma_start3A_137] : memref<2x!tpu.dma_semaphore, #tpu.memory_space<semaphore_mem>> -> memref<1x!tpu.dma_semaphore, #tpu.memory_space<semaphore_mem>>
      %dma_start3A_147 = tpu.memref_squeeze %dma_start3A_146 : memref<1x!tpu.dma_semaphore, #tpu.memory_space<semaphore_mem>> -> memref<!tpu.dma_semaphore, #tpu.memory_space<semaphore_mem>>
      tpu.enqueue_indirect_dma source(%dma_start3A_145 : memref<10000x128xf32, #tpu.memory_space<hbm>>) target(%dma_start3A_141 : memref<104x128xf32, #tpu.memory_space<vmem>>) offsets(%dma_start3A_142 : memref<104xi32, #tpu.memory_space<vmem>>) semaphore(%dma_start3A_147 : memref<!tpu.dma_semaphore, #tpu.memory_space<semaphore_mem>>)
      %add3A_148 = arith.constant 1 : i32
      %add3A_149 = arith.addi %mul3A_98, %add3A_148 : i32
      %mul3A_150 = arith.constant 104 : i32
      %mul3A_151 = arith.muli %add3A_149, %mul3A_150 : i32
      %dma_wait3A_152 = arith.constant 1 : i32
      %dma_wait3A_153 = arith.constant 1 : i32
      %dma_wait3A_154 = arith.constant 0 : i32
      %dma_wait3A_155 = arith.constant 0 : i32
      %dma_wait3A_156 = tpu.memref_slice %arg8[%dma_wait3A_152, %dma_wait3A_154, %dma_wait3A_155] : memref<2x104x128xf32, #tpu.memory_space<vmem>> -> memref<1x104x128xf32, #tpu.memory_space<vmem>>
      %dma_wait3A_157 = tpu.memref_squeeze %dma_wait3A_156 : memref<1x104x128xf32, #tpu.memory_space<vmem>> -> memref<104x128xf32, #tpu.memory_space<vmem>>
      %dma_wait3A_158 = tpu.memref_slice %arg6[%mul3A_151] : memref<10000xi32, #tpu.memory_space<vmem>> -> memref<104xi32, #tpu.memory_space<vmem>>
      %dma_wait3A_159 = arith.constant 0 : i32
      %dma_wait3A_160 = arith.constant 0 : i32
      %dma_wait3A_161 = tpu.memref_slice %arg2[%dma_wait3A_159, %dma_wait3A_160] : memref<10000x128xf32, #tpu.memory_space<hbm>> -> memref<10000x128xf32, #tpu.memory_space<hbm>>
      %dma_wait3A_162 = tpu.memref_slice %arg11[%dma_wait3A_153] : memref<2x!tpu.dma_semaphore, #tpu.memory_space<semaphore_mem>> -> memref<1x!tpu.dma_semaphore, #tpu.memory_space<semaphore_mem>>
      %dma_wait3A_163 = tpu.memref_squeeze %dma_wait3A_162 : memref<1x!tpu.dma_semaphore, #tpu.memory_space<semaphore_mem>> -> memref<!tpu.dma_semaphore, #tpu.memory_space<semaphore_mem>>
      tpu.wait_indirect_dma semaphore(%dma_wait3A_163 : memref<!tpu.dma_semaphore, #tpu.memory_space<semaphore_mem>>) src(%dma_wait3A_161 : memref<10000x128xf32, #tpu.memory_space<hbm>>) dst(%dma_wait3A_157 : memref<104x128xf32, #tpu.memory_space<vmem>>)
      %add3A_164 = arith.constant 1 : i32
      %add3A_165 = arith.addi %mul3A_98, %add3A_164 : i32
      %mul3A_166 = arith.constant 104 : i32
      %mul3A_167 = arith.muli %add3A_165, %mul3A_166 : i32
      %run_scoped3A_168 = arith.constant 1 : i32
      "tpu.region"() ({
        %run_scoped3A_169 = tpu.sem_alloc : memref<!tpu.dma_semaphore, #tpu.memory_space<semaphore_mem>>
        %dma_start3A_170 = arith.constant 0 : i32
        %dma_start3A_171 = arith.constant 0 : i32
        %dma_start3A_172 = tpu.memref_slice %arg8[%run_scoped3A_168, %dma_start3A_170, %dma_start3A_171] : memref<2x104x128xf32, #tpu.memory_space<vmem>> -> memref<1x104x128xf32, #tpu.memory_space<vmem>>
        %dma_start3A_173 = tpu.memref_squeeze %dma_start3A_172 : memref<1x104x128xf32, #tpu.memory_space<vmem>> -> memref<104x128xf32, #tpu.memory_space<vmem>>
        %dma_start3A_174 = tpu.memref_slice %arg7[%mul3A_167] : memref<10000xi32, #tpu.memory_space<vmem>> -> memref<104xi32, #tpu.memory_space<vmem>>
        %dma_start3A_175 = arith.constant 0 : i32
        %dma_start3A_176 = arith.constant 0 : i32
        %dma_start3A_177 = tpu.memref_slice %arg10[%dma_start3A_175, %dma_start3A_176] : memref<10000x128xf32, #tpu.memory_space<vmem_shared>> -> memref<10000x128xf32, #tpu.memory_space<vmem_shared>>
        tpu.enqueue_indirect_dma source(%dma_start3A_173 : memref<104x128xf32, #tpu.memory_space<vmem>>) target(%dma_start3A_177 : memref<10000x128xf32, #tpu.memory_space<vmem_shared>>) offsets(%dma_start3A_174 : memref<104xi32, #tpu.memory_space<vmem>>) semaphore(%run_scoped3A_169 : memref<!tpu.dma_semaphore, #tpu.memory_space<semaphore_mem>>) {add = true}
        %dma_wait3A_178 = arith.constant 0 : i32
        %dma_wait3A_179 = arith.constant 0 : i32
        %dma_wait3A_180 = tpu.memref_slice %arg8[%run_scoped3A_168, %dma_wait3A_178, %dma_wait3A_179] : memref<2x104x128xf32, #tpu.memory_space<vmem>> -> memref<1x104x128xf32, #tpu.memory_space<vmem>>
        %dma_wait3A_181 = tpu.memref_squeeze %dma_wait3A_180 : memref<1x104x128xf32, #tpu.memory_space<vmem>> -> memref<104x128xf32, #tpu.memory_space<vmem>>
        %dma_wait3A_182 = tpu.memref_slice %arg7[%mul3A_167] : memref<10000xi32, #tpu.memory_space<vmem>> -> memref<104xi32, #tpu.memory_space<vmem>>
        %dma_wait3A_183 = arith.constant 0 : i32
        %dma_wait3A_184 = arith.constant 0 : i32
        %dma_wait3A_185 = tpu.memref_slice %arg10[%dma_wait3A_183, %dma_wait3A_184] : memref<10000x128xf32, #tpu.memory_space<vmem_shared>> -> memref<10000x128xf32, #tpu.memory_space<vmem_shared>>
        tpu.wait_indirect_dma semaphore(%run_scoped3A_169 : memref<!tpu.dma_semaphore, #tpu.memory_space<semaphore_mem>>) src(%dma_wait3A_181 : memref<104x128xf32, #tpu.memory_space<vmem>>) dst(%dma_wait3A_185 : memref<10000x128xf32, #tpu.memory_space<vmem_shared>>)
        tpu.yield
      }) : () -> ()
    }
    %scan3A_45 = arith.constant 47 : i32
    %dma_start3A_46 = arith.constant 1 : i32
    %dma_start3A_47 = arith.constant 1 : i32
    %dma_start3A_48 = arith.constant 0 : i32
    %dma_start3A_49 = arith.constant 0 : i32
    %dma_start3A_50 = tpu.memref_slice %arg8[%dma_start3A_46, %dma_start3A_48, %dma_start3A_49] : memref<2x104x128xf32, #tpu.memory_space<vmem>> -> memref<1x104x128xf32, #tpu.memory_space<vmem>>
    %dma_start3A_51 = tpu.memref_squeeze %dma_start3A_50 : memref<1x104x128xf32, #tpu.memory_space<vmem>> -> memref<104x128xf32, #tpu.memory_space<vmem>>
    %dma_start3A_52 = arith.constant 9880 : i32
    %dma_start3A_53 = tpu.memref_slice %arg6[%dma_start3A_52] : memref<10000xi32, #tpu.memory_space<vmem>> -> memref<104xi32, #tpu.memory_space<vmem>>
    %dma_start3A_54 = arith.constant 0 : i32
    %dma_start3A_55 = arith.constant 0 : i32
    %dma_start3A_56 = tpu.memref_slice %arg2[%dma_start3A_54, %dma_start3A_55] : memref<10000x128xf32, #tpu.memory_space<hbm>> -> memref<10000x128xf32, #tpu.memory_space<hbm>>
    %dma_start3A_57 = tpu.memref_slice %arg11[%dma_start3A_47] : memref<2x!tpu.dma_semaphore, #tpu.memory_space<semaphore_mem>> -> memref<1x!tpu.dma_semaphore, #tpu.memory_space<semaphore_mem>>
    %dma_start3A_58 = tpu.memref_squeeze %dma_start3A_57 : memref<1x!tpu.dma_semaphore, #tpu.memory_space<semaphore_mem>> -> memref<!tpu.dma_semaphore, #tpu.memory_space<semaphore_mem>>
    tpu.enqueue_indirect_dma source(%dma_start3A_56 : memref<10000x128xf32, #tpu.memory_space<hbm>>) target(%dma_start3A_51 : memref<104x128xf32, #tpu.memory_space<vmem>>) offsets(%dma_start3A_53 : memref<104xi32, #tpu.memory_space<vmem>>) semaphore(%dma_start3A_58 : memref<!tpu.dma_semaphore, #tpu.memory_space<semaphore_mem>>)
    %dma_wait3A = arith.constant 0 : i32
    %dma_wait3A_59 = arith.constant 0 : i32
    %dma_wait3A_60 = arith.constant 0 : i32
    %dma_wait3A_61 = arith.constant 0 : i32
    %dma_wait3A_62 = tpu.memref_slice %arg8[%dma_wait3A, %dma_wait3A_60, %dma_wait3A_61] : memref<2x104x128xf32, #tpu.memory_space<vmem>> -> memref<1x104x128xf32, #tpu.memory_space<vmem>>
    %dma_wait3A_63 = tpu.memref_squeeze %dma_wait3A_62 : memref<1x104x128xf32, #tpu.memory_space<vmem>> -> memref<104x128xf32, #tpu.memory_space<vmem>>
    %dma_wait3A_64 = arith.constant 9776 : i32
    %dma_wait3A_65 = tpu.memref_slice %arg6[%dma_wait3A_64] : memref<10000xi32, #tpu.memory_space<vmem>> -> memref<104xi32, #tpu.memory_space<vmem>>
    %dma_wait3A_66 = arith.constant 0 : i32
    %dma_wait3A_67 = arith.constant 0 : i32
    %dma_wait3A_68 = tpu.memref_slice %arg2[%dma_wait3A_66, %dma_wait3A_67] : memref<10000x128xf32, #tpu.memory_space<hbm>> -> memref<10000x128xf32, #tpu.memory_space<hbm>>
    %dma_wait3A_69 = tpu.memref_slice %arg11[%dma_wait3A_59] : memref<2x!tpu.dma_semaphore, #tpu.memory_space<semaphore_mem>> -> memref<1x!tpu.dma_semaphore, #tpu.memory_space<semaphore_mem>>
    %dma_wait3A_70 = tpu.memref_squeeze %dma_wait3A_69 : memref<1x!tpu.dma_semaphore, #tpu.memory_space<semaphore_mem>> -> memref<!tpu.dma_semaphore, #tpu.memory_space<semaphore_mem>>
    tpu.wait_indirect_dma semaphore(%dma_wait3A_70 : memref<!tpu.dma_semaphore, #tpu.memory_space<semaphore_mem>>) src(%dma_wait3A_68 : memref<10000x128xf32, #tpu.memory_space<hbm>>) dst(%dma_wait3A_63 : memref<104x128xf32, #tpu.memory_space<vmem>>)
    %run_scoped3A_71 = arith.constant 0 : i32
    "tpu.region"() ({
      %run_scoped3A_96 = tpu.sem_alloc : memref<!tpu.dma_semaphore, #tpu.memory_space<semaphore_mem>>
      %dma_start3A_97 = arith.constant 0 : i32
      %dma_start3A_98 = arith.constant 0 : i32
      %dma_start3A_99 = tpu.memref_slice %arg8[%run_scoped3A_71, %dma_start3A_97, %dma_start3A_98] : memref<2x104x128xf32, #tpu.memory_space<vmem>> -> memref<1x104x128xf32, #tpu.memory_space<vmem>>
      %dma_start3A_100 = tpu.memref_squeeze %dma_start3A_99 : memref<1x104x128xf32, #tpu.memory_space<vmem>> -> memref<104x128xf32, #tpu.memory_space<vmem>>
      %dma_start3A_101 = arith.constant 9776 : i32
      %dma_start3A_102 = tpu.memref_slice %arg7[%dma_start3A_101] : memref<10000xi32, #tpu.memory_space<vmem>> -> memref<104xi32, #tpu.memory_space<vmem>>
      %dma_start3A_103 = arith.constant 0 : i32
      %dma_start3A_104 = arith.constant 0 : i32
      %dma_start3A_105 = tpu.memref_slice %arg10[%dma_start3A_103, %dma_start3A_104] : memref<10000x128xf32, #tpu.memory_space<vmem_shared>> -> memref<10000x128xf32, #tpu.memory_space<vmem_shared>>
      tpu.enqueue_indirect_dma source(%dma_start3A_100 : memref<104x128xf32, #tpu.memory_space<vmem>>) target(%dma_start3A_105 : memref<10000x128xf32, #tpu.memory_space<vmem_shared>>) offsets(%dma_start3A_102 : memref<104xi32, #tpu.memory_space<vmem>>) semaphore(%run_scoped3A_96 : memref<!tpu.dma_semaphore, #tpu.memory_space<semaphore_mem>>) {add = true}
      %dma_wait3A_106 = arith.constant 0 : i32
      %dma_wait3A_107 = arith.constant 0 : i32
      %dma_wait3A_108 = tpu.memref_slice %arg8[%run_scoped3A_71, %dma_wait3A_106, %dma_wait3A_107] : memref<2x104x128xf32, #tpu.memory_space<vmem>> -> memref<1x104x128xf32, #tpu.memory_space<vmem>>
      %dma_wait3A_109 = tpu.memref_squeeze %dma_wait3A_108 : memref<1x104x128xf32, #tpu.memory_space<vmem>> -> memref<104x128xf32, #tpu.memory_space<vmem>>
      %dma_wait3A_110 = arith.constant 9776 : i32
      %dma_wait3A_111 = tpu.memref_slice %arg7[%dma_wait3A_110] : memref<10000xi32, #tpu.memory_space<vmem>> -> memref<104xi32, #tpu.memory_space<vmem>>
      %dma_wait3A_112 = arith.constant 0 : i32
      %dma_wait3A_113 = arith.constant 0 : i32
      %dma_wait3A_114 = tpu.memref_slice %arg10[%dma_wait3A_112, %dma_wait3A_113] : memref<10000x128xf32, #tpu.memory_space<vmem_shared>> -> memref<10000x128xf32, #tpu.memory_space<vmem_shared>>
      tpu.wait_indirect_dma semaphore(%run_scoped3A_96 : memref<!tpu.dma_semaphore, #tpu.memory_space<semaphore_mem>>) src(%dma_wait3A_109 : memref<104x128xf32, #tpu.memory_space<vmem>>) dst(%dma_wait3A_114 : memref<10000x128xf32, #tpu.memory_space<vmem_shared>>)
      tpu.yield
    }) : () -> ()
    %dma_wait3A_72 = arith.constant 1 : i32
    %dma_wait3A_73 = arith.constant 1 : i32
    %dma_wait3A_74 = arith.constant 0 : i32
    %dma_wait3A_75 = arith.constant 0 : i32
    %dma_wait3A_76 = tpu.memref_slice %arg8[%dma_wait3A_72, %dma_wait3A_74, %dma_wait3A_75] : memref<2x104x128xf32, #tpu.memory_space<vmem>> -> memref<1x104x128xf32, #tpu.memory_space<vmem>>
    %dma_wait3A_77 = tpu.memref_squeeze %dma_wait3A_76 : memref<1x104x128xf32, #tpu.memory_space<vmem>> -> memref<104x128xf32, #tpu.memory_space<vmem>>
    %dma_wait3A_78 = arith.constant 9880 : i32
    %dma_wait3A_79 = tpu.memref_slice %arg6[%dma_wait3A_78] : memref<10000xi32, #tpu.memory_space<vmem>> -> memref<104xi32, #tpu.memory_space<vmem>>
    %dma_wait3A_80 = arith.constant 0 : i32
    %dma_wait3A_81 = arith.constant 0 : i32
    %dma_wait3A_82 = tpu.memref_slice %arg2[%dma_wait3A_80, %dma_wait3A_81] : memref<10000x128xf32, #tpu.memory_space<hbm>> -> memref<10000x128xf32, #tpu.memory_space<hbm>>
    %dma_wait3A_83 = tpu.memref_slice %arg11[%dma_wait3A_73] : memref<2x!tpu.dma_semaphore, #tpu.memory_space<semaphore_mem>> -> memref<1x!tpu.dma_semaphore, #tpu.memory_space<semaphore_mem>>
    %dma_wait3A_84 = tpu.memref_squeeze %dma_wait3A_83 : memref<1x!tpu.dma_semaphore, #tpu.memory_space<semaphore_mem>> -> memref<!tpu.dma_semaphore, #tpu.memory_space<semaphore_mem>>
    tpu.wait_indirect_dma semaphore(%dma_wait3A_84 : memref<!tpu.dma_semaphore, #tpu.memory_space<semaphore_mem>>) src(%dma_wait3A_82 : memref<10000x128xf32, #tpu.memory_space<hbm>>) dst(%dma_wait3A_77 : memref<104x128xf32, #tpu.memory_space<vmem>>)
    %run_scoped3A_85 = arith.constant 1 : i32
    "tpu.region"() ({
      %run_scoped3A_96 = tpu.sem_alloc : memref<!tpu.dma_semaphore, #tpu.memory_space<semaphore_mem>>
      %dma_start3A_97 = arith.constant 0 : i32
      %dma_start3A_98 = arith.constant 0 : i32
      %dma_start3A_99 = tpu.memref_slice %arg8[%run_scoped3A_85, %dma_start3A_97, %dma_start3A_98] : memref<2x104x128xf32, #tpu.memory_space<vmem>> -> memref<1x104x128xf32, #tpu.memory_space<vmem>>
      %dma_start3A_100 = tpu.memref_squeeze %dma_start3A_99 : memref<1x104x128xf32, #tpu.memory_space<vmem>> -> memref<104x128xf32, #tpu.memory_space<vmem>>
      %dma_start3A_101 = arith.constant 9880 : i32
      %dma_start3A_102 = tpu.memref_slice %arg7[%dma_start3A_101] : memref<10000xi32, #tpu.memory_space<vmem>> -> memref<104xi32, #tpu.memory_space<vmem>>
      %dma_start3A_103 = arith.constant 0 : i32
      %dma_start3A_104 = arith.constant 0 : i32
      %dma_start3A_105 = tpu.memref_slice %arg10[%dma_start3A_103, %dma_start3A_104] : memref<10000x128xf32, #tpu.memory_space<vmem_shared>> -> memref<10000x128xf32, #tpu.memory_space<vmem_shared>>
      tpu.enqueue_indirect_dma source(%dma_start3A_100 : memref<104x128xf32, #tpu.memory_space<vmem>>) target(%dma_start3A_105 : memref<10000x128xf32, #tpu.memory_space<vmem_shared>>) offsets(%dma_start3A_102 : memref<104xi32, #tpu.memory_space<vmem>>) semaphore(%run_scoped3A_96 : memref<!tpu.dma_semaphore, #tpu.memory_space<semaphore_mem>>) {add = true}
      %dma_wait3A_106 = arith.constant 0 : i32
      %dma_wait3A_107 = arith.constant 0 : i32
      %dma_wait3A_108 = tpu.memref_slice %arg8[%run_scoped3A_85, %dma_wait3A_106, %dma_wait3A_107] : memref<2x104x128xf32, #tpu.memory_space<vmem>> -> memref<1x104x128xf32, #tpu.memory_space<vmem>>
      %dma_wait3A_109 = tpu.memref_squeeze %dma_wait3A_108 : memref<1x104x128xf32, #tpu.memory_space<vmem>> -> memref<104x128xf32, #tpu.memory_space<vmem>>
      %dma_wait3A_110 = arith.constant 9880 : i32
      %dma_wait3A_111 = tpu.memref_slice %arg7[%dma_wait3A_110] : memref<10000xi32, #tpu.memory_space<vmem>> -> memref<104xi32, #tpu.memory_space<vmem>>
      %dma_wait3A_112 = arith.constant 0 : i32
      %dma_wait3A_113 = arith.constant 0 : i32
      %dma_wait3A_114 = tpu.memref_slice %arg10[%dma_wait3A_112, %dma_wait3A_113] : memref<10000x128xf32, #tpu.memory_space<vmem_shared>> -> memref<10000x128xf32, #tpu.memory_space<vmem_shared>>
      tpu.wait_indirect_dma semaphore(%run_scoped3A_96 : memref<!tpu.dma_semaphore, #tpu.memory_space<semaphore_mem>>) src(%dma_wait3A_109 : memref<104x128xf32, #tpu.memory_space<vmem>>) dst(%dma_wait3A_114 : memref<10000x128xf32, #tpu.memory_space<vmem_shared>>)
      tpu.yield
    }) : () -> ()
    "tpu.region"() ({
      %run_scoped3A_96 = tpu.sem_alloc : memref<!tpu.dma_semaphore, #tpu.memory_space<semaphore_mem>>
      %dma_start3A_97 = arith.constant 9984 : i32
      %dma_start3A_98 = tpu.memref_slice %arg6[%dma_start3A_97] : memref<10000xi32, #tpu.memory_space<vmem>> -> memref<16xi32, #tpu.memory_space<vmem>>
      %dma_start3A_99 = arith.constant 0 : i32
      %dma_start3A_100 = arith.constant 0 : i32
      %dma_start3A_101 = tpu.memref_slice %arg2[%dma_start3A_99, %dma_start3A_100] : memref<10000x128xf32, #tpu.memory_space<hbm>> -> memref<10000x128xf32, #tpu.memory_space<hbm>>
      tpu.enqueue_indirect_dma source(%dma_start3A_101 : memref<10000x128xf32, #tpu.memory_space<hbm>>) target(%arg9 : memref<16x128xf32, #tpu.memory_space<vmem>>) offsets(%dma_start3A_98 : memref<16xi32, #tpu.memory_space<vmem>>) semaphore(%run_scoped3A_96 : memref<!tpu.dma_semaphore, #tpu.memory_space<semaphore_mem>>)
      %dma_wait3A_102 = arith.constant 9984 : i32
      %dma_wait3A_103 = tpu.memref_slice %arg6[%dma_wait3A_102] : memref<10000xi32, #tpu.memory_space<vmem>> -> memref<16xi32, #tpu.memory_space<vmem>>
      %dma_wait3A_104 = arith.constant 0 : i32
      %dma_wait3A_105 = arith.constant 0 : i32
      %dma_wait3A_106 = tpu.memref_slice %arg2[%dma_wait3A_104, %dma_wait3A_105] : memref<10000x128xf32, #tpu.memory_space<hbm>> -> memref<10000x128xf32, #tpu.memory_space<hbm>>
      tpu.wait_indirect_dma semaphore(%run_scoped3A_96 : memref<!tpu.dma_semaphore, #tpu.memory_space<semaphore_mem>>) src(%dma_wait3A_106 : memref<10000x128xf32, #tpu.memory_space<hbm>>) dst(%arg9 : memref<16x128xf32, #tpu.memory_space<vmem>>)
      tpu.yield
    }) : () -> ()
    "tpu.region"() ({
      %run_scoped3A_96 = tpu.sem_alloc : memref<!tpu.dma_semaphore, #tpu.memory_space<semaphore_mem>>
      %dma_start3A_97 = arith.constant 9984 : i32
      %dma_start3A_98 = tpu.memref_slice %arg7[%dma_start3A_97] : memref<10000xi32, #tpu.memory_space<vmem>> -> memref<16xi32, #tpu.memory_space<vmem>>
      %dma_start3A_99 = arith.constant 0 : i32
      %dma_start3A_100 = arith.constant 0 : i32
      %dma_start3A_101 = tpu.memref_slice %arg10[%dma_start3A_99, %dma_start3A_100] : memref<10000x128xf32, #tpu.memory_space<vmem_shared>> -> memref<10000x128xf32, #tpu.memory_space<vmem_shared>>
      tpu.enqueue_indirect_dma source(%arg9 : memref<16x128xf32, #tpu.memory_space<vmem>>) target(%dma_start3A_101 : memref<10000x128xf32, #tpu.memory_space<vmem_shared>>) offsets(%dma_start3A_98 : memref<16xi32, #tpu.memory_space<vmem>>) semaphore(%run_scoped3A_96 : memref<!tpu.dma_semaphore, #tpu.memory_space<semaphore_mem>>) {add = true}
      %dma_wait3A_102 = arith.constant 9984 : i32
      %dma_wait3A_103 = tpu.memref_slice %arg7[%dma_wait3A_102] : memref<10000xi32, #tpu.memory_space<vmem>> -> memref<16xi32, #tpu.memory_space<vmem>>
      %dma_wait3A_104 = arith.constant 0 : i32
      %dma_wait3A_105 = arith.constant 0 : i32
      %dma_wait3A_106 = tpu.memref_slice %arg10[%dma_wait3A_104, %dma_wait3A_105] : memref<10000x128xf32, #tpu.memory_space<vmem_shared>> -> memref<10000x128xf32, #tpu.memory_space<vmem_shared>>
      tpu.wait_indirect_dma semaphore(%run_scoped3A_96 : memref<!tpu.dma_semaphore, #tpu.memory_space<semaphore_mem>>) src(%arg9 : memref<16x128xf32, #tpu.memory_space<vmem>>) dst(%dma_wait3A_106 : memref<10000x128xf32, #tpu.memory_space<vmem_shared>>)
      tpu.yield
    }) : () -> ()
    %barrier3A_86 = arith.constant 0 : index
    tpu.barrier barrier_id(%barrier3A_86)
    %lt3A = arith.constant 15 : i32
    %lt3A_87 = arith.cmpi slt, %arg1, %lt3A : i32
    %convert_element_type3A_88 = arith.extui %lt3A_87 : i1 to i32
    %cond3A_89 = arith.constant 0 : i32
    %cond3A_90 = arith.cmpi ne, %convert_element_type3A_88, %cond3A_89 : i32
    scf.if %cond3A_90 {
      "tpu.region"() ({
        %run_scoped3A_96 = tpu.sem_alloc : memref<!tpu.dma_semaphore, #tpu.memory_space<semaphore_mem>>
        %dma_start3A_97 = arith.constant 0 : i32
        %dma_start3A_98 = tpu.memref_slice %arg5[%arg0, %mul3A_3, %dma_start3A_97] : memref<2x10000x128xf32, #tpu.memory_space<hbm>> -> memref<1x640x128xf32, #tpu.memory_space<hbm>>
        %dma_start3A_99 = tpu.memref_squeeze %dma_start3A_98 : memref<1x640x128xf32, #tpu.memory_space<hbm>> -> memref<640x128xf32, #tpu.memory_space<hbm>>
        %dma_start3A_100 = arith.constant 0 : i32
        %dma_start3A_101 = tpu.memref_slice %arg10[%mul3A_3, %dma_start3A_100] : memref<10000x128xf32, #tpu.memory_space<vmem_shared>> -> memref<640x128xf32, #tpu.memory_space<vmem_shared>>
        tpu.enqueue_dma source(%dma_start3A_101 : memref<640x128xf32, #tpu.memory_space<vmem_shared>>) target(%dma_start3A_99 : memref<640x128xf32, #tpu.memory_space<hbm>>) target_semaphore(%run_scoped3A_96 : memref<!tpu.dma_semaphore, #tpu.memory_space<semaphore_mem>>)
        %dma_wait3A_102 = arith.constant 0 : i32
        %dma_wait3A_103 = tpu.memref_slice %arg5[%arg0, %mul3A_3, %dma_wait3A_102] : memref<2x10000x128xf32, #tpu.memory_space<hbm>> -> memref<1x640x128xf32, #tpu.memory_space<hbm>>
        %dma_wait3A_104 = tpu.memref_squeeze %dma_wait3A_103 : memref<1x640x128xf32, #tpu.memory_space<hbm>> -> memref<640x128xf32, #tpu.memory_space<hbm>>
        %dma_wait3A_105 = arith.constant 0 : i32
        %dma_wait3A_106 = tpu.memref_slice %arg10[%mul3A_3, %dma_wait3A_105] : memref<10000x128xf32, #tpu.memory_space<vmem_shared>> -> memref<640x128xf32, #tpu.memory_space<vmem_shared>>
        tpu.wait_dma2 semaphore(%run_scoped3A_96 : memref<!tpu.dma_semaphore, #tpu.memory_space<semaphore_mem>>) src(%dma_wait3A_106 : memref<640x128xf32, #tpu.memory_space<vmem_shared>>) dst(%dma_wait3A_104 : memref<640x128xf32, #tpu.memory_space<hbm>>)
        tpu.yield
      }) : () -> ()
    } else {
    }
    %eq3A_91 = arith.constant 15 : i32
    %eq3A_92 = arith.cmpi eq, %arg1, %eq3A_91 : i32
    %convert_element_type3A_93 = arith.extui %eq3A_92 : i1 to i32
    %cond3A_94 = arith.constant 0 : i32
    %cond3A_95 = arith.cmpi ne, %convert_element_type3A_93, %cond3A_94 : i32
    scf.if %cond3A_95 {
      "tpu.region"() ({
        %run_scoped3A_96 = tpu.sem_alloc : memref<!tpu.dma_semaphore, #tpu.memory_space<semaphore_mem>>
        %dma_start3A_97 = arith.constant 9600 : i32
        %dma_start3A_98 = arith.constant 0 : i32
        %dma_start3A_99 = tpu.memref_slice %arg5[%arg0, %dma_start3A_97, %dma_start3A_98] : memref<2x10000x128xf32, #tpu.memory_space<hbm>> -> memref<1x400x128xf32, #tpu.memory_space<hbm>>
        %dma_start3A_100 = tpu.memref_squeeze %dma_start3A_99 : memref<1x400x128xf32, #tpu.memory_space<hbm>> -> memref<400x128xf32, #tpu.memory_space<hbm>>
        %dma_start3A_101 = arith.constant 9600 : i32
        %dma_start3A_102 = arith.constant 0 : i32
        %dma_start3A_103 = tpu.memref_slice %arg10[%dma_start3A_101, %dma_start3A_102] : memref<10000x128xf32, #tpu.memory_space<vmem_shared>> -> memref<400x128xf32, #tpu.memory_space<vmem_shared>>
        tpu.enqueue_dma source(%dma_start3A_103 : memref<400x128xf32, #tpu.memory_space<vmem_shared>>) target(%dma_start3A_100 : memref<400x128xf32, #tpu.memory_space<hbm>>) target_semaphore(%run_scoped3A_96 : memref<!tpu.dma_semaphore, #tpu.memory_space<semaphore_mem>>)
        %dma_wait3A_104 = arith.constant 9600 : i32
        %dma_wait3A_105 = arith.constant 0 : i32
        %dma_wait3A_106 = tpu.memref_slice %arg5[%arg0, %dma_wait3A_104, %dma_wait3A_105] : memref<2x10000x128xf32, #tpu.memory_space<hbm>> -> memref<1x400x128xf32, #tpu.memory_space<hbm>>
        %dma_wait3A_107 = tpu.memref_squeeze %dma_wait3A_106 : memref<1x400x128xf32, #tpu.memory_space<hbm>> -> memref<400x128xf32, #tpu.memory_space<hbm>>
        %dma_wait3A_108 = arith.constant 9600 : i32
        %dma_wait3A_109 = arith.constant 0 : i32
        %dma_wait3A_110 = tpu.memref_slice %arg10[%dma_wait3A_108, %dma_wait3A_109] : memref<10000x128xf32, #tpu.memory_space<vmem_shared>> -> memref<400x128xf32, #tpu.memory_space<vmem_shared>>
        tpu.wait_dma2 semaphore(%run_scoped3A_96 : memref<!tpu.dma_semaphore, #tpu.memory_space<semaphore_mem>>) src(%dma_wait3A_110 : memref<400x128xf32, #tpu.memory_space<vmem_shared>>) dst(%dma_wait3A_107 : memref<400x128xf32, #tpu.memory_space<hbm>>)
        tpu.yield
      }) : () -> ()
    } else {
    }
    return
  }
}

#map = affine_map<(d0, d1) -> (0, 0)>
#map1 = affine_map<(d0, d1) -> (0, 0, 0)>
module attributes {stable_mosaic.version = 14 : i64} {
  func.func @_prop_kernel(%arg0: i32, %arg1: i32, %arg2: memref<10000x128xf32, #tpu.memory_space<hbm>>, %arg3: memref<10000x128xf32, #tpu.memory_space<hbm>>, %arg4: memref<2x32x10000xi32, #tpu.memory_space<hbm>>, %arg5: memref<2x10000x128xf32, #tpu.memory_space<hbm>>, %arg6: memref<10000xi32, #tpu.memory_space<vmem>>, %arg7: memref<10000xi32, #tpu.memory_space<vmem>>, %arg8: memref<2x104x128xf32, #tpu.memory_space<vmem>>, %arg9: memref<16x128xf32, #tpu.memory_space<vmem>>, %arg10: memref<10000x128xf32, #tpu.memory_space<vmem_shared>>, %arg11: memref<2x!tpu.dma_semaphore, #tpu.memory_space<semaphore_mem>>) attributes {dimension_semantics = [#tpu.dimension_semantics<core_parallel>, #tpu.dimension_semantics<subcore_parallel>], iteration_bounds = array<i64: 2, 16>, scalar_prefetch = 0 : i64, scratch_operands = 6 : i64, tpu.core_type = #tpu.core_type<sc_vector_subcore>, window_params = [{transform_indices = #map}, {transform_indices = #map}, {transform_indices = #map1}, {transform_indices = #map1}]} {
    %mul3A = arith.constant 16 : i32
    %mul3A_0 = arith.muli %arg0, %mul3A : i32
    %add3A = arith.addi %mul3A_0, %arg1 : i32
    %run_scoped3A = arith.constant 0 : i32
    "tpu.region"() ({
      %run_scoped3A_96 = tpu.sem_alloc : memref<!tpu.dma_semaphore, #tpu.memory_space<semaphore_mem>>
      %dma_start3A_97 = arith.constant 0 : i32
      %dma_start3A_98 = tpu.memref_slice %arg4[%run_scoped3A, %add3A, %dma_start3A_97] : memref<2x32x10000xi32, #tpu.memory_space<hbm>> -> memref<1x1x10000xi32, #tpu.memory_space<hbm>>
      %dma_start3A_99 = tpu.memref_squeeze %dma_start3A_98 : memref<1x1x10000xi32, #tpu.memory_space<hbm>> -> memref<10000xi32, #tpu.memory_space<hbm>>
      %dma_start3A_100 = arith.constant 0 : i32
      %dma_start3A_101 = tpu.memref_slice %arg4[%run_scoped3A, %add3A, %dma_start3A_100] : memref<2x32x10000xi32, #tpu.memory_space<hbm>> -> memref<1x1x10000xi32, #tpu.memory_space<hbm>>
      %dma_start3A_102 = tpu.memref_squeeze %dma_start3A_101 : memref<1x1x10000xi32, #tpu.memory_space<hbm>> -> memref<10000xi32, #tpu.memory_space<hbm>>
      tpu.enqueue_dma source(%dma_start3A_102 : memref<10000xi32, #tpu.memory_space<hbm>>) target(%arg6 : memref<10000xi32, #tpu.memory_space<vmem>>) target_semaphore(%run_scoped3A_96 : memref<!tpu.dma_semaphore, #tpu.memory_space<semaphore_mem>>)
      %dma_wait3A_103 = arith.constant 0 : i32
      %dma_wait3A_104 = tpu.memref_slice %arg4[%run_scoped3A, %add3A, %dma_wait3A_103] : memref<2x32x10000xi32, #tpu.memory_space<hbm>> -> memref<1x1x10000xi32, #tpu.memory_space<hbm>>
      %dma_wait3A_105 = tpu.memref_squeeze %dma_wait3A_104 : memref<1x1x10000xi32, #tpu.memory_space<hbm>> -> memref<10000xi32, #tpu.memory_space<hbm>>
      %dma_wait3A_106 = arith.constant 0 : i32
      %dma_wait3A_107 = tpu.memref_slice %arg4[%run_scoped3A, %add3A, %dma_wait3A_106] : memref<2x32x10000xi32, #tpu.memory_space<hbm>> -> memref<1x1x10000xi32, #tpu.memory_space<hbm>>
      %dma_wait3A_108 = tpu.memref_squeeze %dma_wait3A_107 : memref<1x1x10000xi32, #tpu.memory_space<hbm>> -> memref<10000xi32, #tpu.memory_space<hbm>>
      tpu.wait_dma2 semaphore(%run_scoped3A_96 : memref<!tpu.dma_semaphore, #tpu.memory_space<semaphore_mem>>) src(%dma_wait3A_108 : memref<10000xi32, #tpu.memory_space<hbm>>) dst(%arg6 : memref<10000xi32, #tpu.memory_space<vmem>>)
      tpu.yield
    }) : () -> ()
    %run_scoped3A_1 = arith.constant 1 : i32
    "tpu.region"() ({
      %run_scoped3A_96 = tpu.sem_alloc : memref<!tpu.dma_semaphore, #tpu.memory_space<semaphore_mem>>
      %dma_start3A_97 = arith.constant 0 : i32
      %dma_start3A_98 = tpu.memref_slice %arg4[%run_scoped3A_1, %add3A, %dma_start3A_97] : memref<2x32x10000xi32, #tpu.memory_space<hbm>> -> memref<1x1x10000xi32, #tpu.memory_space<hbm>>
      %dma_start3A_99 = tpu.memref_squeeze %dma_start3A_98 : memref<1x1x10000xi32, #tpu.memory_space<hbm>> -> memref<10000xi32, #tpu.memory_space<hbm>>
      %dma_start3A_100 = arith.constant 0 : i32
      %dma_start3A_101 = tpu.memref_slice %arg4[%run_scoped3A_1, %add3A, %dma_start3A_100] : memref<2x32x10000xi32, #tpu.memory_space<hbm>> -> memref<1x1x10000xi32, #tpu.memory_space<hbm>>
      %dma_start3A_102 = tpu.memref_squeeze %dma_start3A_101 : memref<1x1x10000xi32, #tpu.memory_space<hbm>> -> memref<10000xi32, #tpu.memory_space<hbm>>
      tpu.enqueue_dma source(%dma_start3A_102 : memref<10000xi32, #tpu.memory_space<hbm>>) target(%arg7 : memref<10000xi32, #tpu.memory_space<vmem>>) target_semaphore(%run_scoped3A_96 : memref<!tpu.dma_semaphore, #tpu.memory_space<semaphore_mem>>)
      %dma_wait3A_103 = arith.constant 0 : i32
      %dma_wait3A_104 = tpu.memref_slice %arg4[%run_scoped3A_1, %add3A, %dma_wait3A_103] : memref<2x32x10000xi32, #tpu.memory_space<hbm>> -> memref<1x1x10000xi32, #tpu.memory_space<hbm>>
      %dma_wait3A_105 = tpu.memref_squeeze %dma_wait3A_104 : memref<1x1x10000xi32, #tpu.memory_space<hbm>> -> memref<10000xi32, #tpu.memory_space<hbm>>
      %dma_wait3A_106 = arith.constant 0 : i32
      %dma_wait3A_107 = tpu.memref_slice %arg4[%run_scoped3A_1, %add3A, %dma_wait3A_106] : memref<2x32x10000xi32, #tpu.memory_space<hbm>> -> memref<1x1x10000xi32, #tpu.memory_space<hbm>>
      %dma_wait3A_108 = tpu.memref_squeeze %dma_wait3A_107 : memref<1x1x10000xi32, #tpu.memory_space<hbm>> -> memref<10000xi32, #tpu.memory_space<hbm>>
      tpu.wait_dma2 semaphore(%run_scoped3A_96 : memref<!tpu.dma_semaphore, #tpu.memory_space<semaphore_mem>>) src(%dma_wait3A_108 : memref<10000xi32, #tpu.memory_space<hbm>>) dst(%arg7 : memref<10000xi32, #tpu.memory_space<vmem>>)
      tpu.yield
    }) : () -> ()
    %mul3A_2 = arith.constant 640 : i32
    %mul3A_3 = arith.muli %arg1, %mul3A_2 : i32
    %eq3A = arith.constant 15 : i32
    %eq3A_4 = arith.cmpi eq, %arg1, %eq3A : i32
    %eq3A_5 = arith.constant 0 : i32
    %eq3A_6 = arith.cmpi eq, %arg0, %eq3A_5 : i32
    %not3A = arith.constant true
    %not3A_7 = arith.xori %eq3A_4, %not3A : i1
    %and3A = arith.andi %eq3A_6, %not3A_7 : i1
    %convert_element_type3A = arith.extui %and3A : i1 to i32
    %cond3A = arith.constant 0 : i32
    %cond3A_8 = arith.cmpi ne, %convert_element_type3A, %cond3A : i32
    scf.if %cond3A_8 {
      "tpu.region"() ({
        %run_scoped3A_96 = tpu.sem_alloc : memref<!tpu.dma_semaphore, #tpu.memory_space<semaphore_mem>>
        %dma_start3A_97 = arith.constant 0 : i32
        %dma_start3A_98 = tpu.memref_slice %arg10[%mul3A_3, %dma_start3A_97] : memref<10000x128xf32, #tpu.memory_space<vmem_shared>> -> memref<640x128xf32, #tpu.memory_space<vmem_shared>>
        %dma_start3A_99 = arith.constant 0 : i32
        %dma_start3A_100 = tpu.memref_slice %arg2[%mul3A_3, %dma_start3A_99] : memref<10000x128xf32, #tpu.memory_space<hbm>> -> memref<640x128xf32, #tpu.memory_space<hbm>>
        tpu.enqueue_dma source(%dma_start3A_100 : memref<640x128xf32, #tpu.memory_space<hbm>>) target(%dma_start3A_98 : memref<640x128xf32, #tpu.memory_space<vmem_shared>>) target_semaphore(%run_scoped3A_96 : memref<!tpu.dma_semaphore, #tpu.memory_space<semaphore_mem>>)
        %dma_wait3A_101 = arith.constant 0 : i32
        %dma_wait3A_102 = tpu.memref_slice %arg10[%mul3A_3, %dma_wait3A_101] : memref<10000x128xf32, #tpu.memory_space<vmem_shared>> -> memref<640x128xf32, #tpu.memory_space<vmem_shared>>
        %dma_wait3A_103 = arith.constant 0 : i32
        %dma_wait3A_104 = tpu.memref_slice %arg2[%mul3A_3, %dma_wait3A_103] : memref<10000x128xf32, #tpu.memory_space<hbm>> -> memref<640x128xf32, #tpu.memory_space<hbm>>
        tpu.wait_dma2 semaphore(%run_scoped3A_96 : memref<!tpu.dma_semaphore, #tpu.memory_space<semaphore_mem>>) src(%dma_wait3A_104 : memref<640x128xf32, #tpu.memory_space<hbm>>) dst(%dma_wait3A_102 : memref<640x128xf32, #tpu.memory_space<vmem_shared>>)
        tpu.yield
      }) : () -> ()
    } else {
    }
    %eq3A_9 = arith.constant 0 : i32
    %eq3A_10 = arith.cmpi eq, %arg0, %eq3A_9 : i32
    %and3A_11 = arith.andi %eq3A_10, %eq3A_4 : i1
    %convert_element_type3A_12 = arith.extui %and3A_11 : i1 to i32
    %cond3A_13 = arith.constant 0 : i32
    %cond3A_14 = arith.cmpi ne, %convert_element_type3A_12, %cond3A_13 : i32
    scf.if %cond3A_14 {
      "tpu.region"() ({
        %run_scoped3A_96 = tpu.sem_alloc : memref<!tpu.dma_semaphore, #tpu.memory_space<semaphore_mem>>
        %dma_start3A_97 = arith.constant 9600 : i32
        %dma_start3A_98 = arith.constant 0 : i32
        %dma_start3A_99 = tpu.memref_slice %arg10[%dma_start3A_97, %dma_start3A_98] : memref<10000x128xf32, #tpu.memory_space<vmem_shared>> -> memref<400x128xf32, #tpu.memory_space<vmem_shared>>
        %dma_start3A_100 = arith.constant 9600 : i32
        %dma_start3A_101 = arith.constant 0 : i32
        %dma_start3A_102 = tpu.memref_slice %arg2[%dma_start3A_100, %dma_start3A_101] : memref<10000x128xf32, #tpu.memory_space<hbm>> -> memref<400x128xf32, #tpu.memory_space<hbm>>
        tpu.enqueue_dma source(%dma_start3A_102 : memref<400x128xf32, #tpu.memory_space<hbm>>) target(%dma_start3A_99 : memref<400x128xf32, #tpu.memory_space<vmem_shared>>) target_semaphore(%run_scoped3A_96 : memref<!tpu.dma_semaphore, #tpu.memory_space<semaphore_mem>>)
        %dma_wait3A_103 = arith.constant 9600 : i32
        %dma_wait3A_104 = arith.constant 0 : i32
        %dma_wait3A_105 = tpu.memref_slice %arg10[%dma_wait3A_103, %dma_wait3A_104] : memref<10000x128xf32, #tpu.memory_space<vmem_shared>> -> memref<400x128xf32, #tpu.memory_space<vmem_shared>>
        %dma_wait3A_106 = arith.constant 9600 : i32
        %dma_wait3A_107 = arith.constant 0 : i32
        %dma_wait3A_108 = tpu.memref_slice %arg2[%dma_wait3A_106, %dma_wait3A_107] : memref<10000x128xf32, #tpu.memory_space<hbm>> -> memref<400x128xf32, #tpu.memory_space<hbm>>
        tpu.wait_dma2 semaphore(%run_scoped3A_96 : memref<!tpu.dma_semaphore, #tpu.memory_space<semaphore_mem>>) src(%dma_wait3A_108 : memref<400x128xf32, #tpu.memory_space<hbm>>) dst(%dma_wait3A_105 : memref<400x128xf32, #tpu.memory_space<vmem_shared>>)
        tpu.yield
      }) : () -> ()
    } else {
    }
    %eq3A_15 = arith.constant 1 : i32
    %eq3A_16 = arith.cmpi eq, %arg0, %eq3A_15 : i32
    %not3A_17 = arith.constant true
    %not3A_18 = arith.xori %eq3A_4, %not3A_17 : i1
    %and3A_19 = arith.andi %eq3A_16, %not3A_18 : i1
    %convert_element_type3A_20 = arith.extui %and3A_19 : i1 to i32
    %cond3A_21 = arith.constant 0 : i32
    %cond3A_22 = arith.cmpi ne, %convert_element_type3A_20, %cond3A_21 : i32
    scf.if %cond3A_22 {
      "tpu.region"() ({
        %run_scoped3A_96 = tpu.sem_alloc : memref<!tpu.dma_semaphore, #tpu.memory_space<semaphore_mem>>
        %dma_start3A_97 = arith.constant 0 : i32
        %dma_start3A_98 = tpu.memref_slice %arg10[%mul3A_3, %dma_start3A_97] : memref<10000x128xf32, #tpu.memory_space<vmem_shared>> -> memref<640x128xf32, #tpu.memory_space<vmem_shared>>
        %dma_start3A_99 = arith.constant 0 : i32
        %dma_start3A_100 = tpu.memref_slice %arg3[%mul3A_3, %dma_start3A_99] : memref<10000x128xf32, #tpu.memory_space<hbm>> -> memref<640x128xf32, #tpu.memory_space<hbm>>
        tpu.enqueue_dma source(%dma_start3A_100 : memref<640x128xf32, #tpu.memory_space<hbm>>) target(%dma_start3A_98 : memref<640x128xf32, #tpu.memory_space<vmem_shared>>) target_semaphore(%run_scoped3A_96 : memref<!tpu.dma_semaphore, #tpu.memory_space<semaphore_mem>>)
        %dma_wait3A_101 = arith.constant 0 : i32
        %dma_wait3A_102 = tpu.memref_slice %arg10[%mul3A_3, %dma_wait3A_101] : memref<10000x128xf32, #tpu.memory_space<vmem_shared>> -> memref<640x128xf32, #tpu.memory_space<vmem_shared>>
        %dma_wait3A_103 = arith.constant 0 : i32
        %dma_wait3A_104 = tpu.memref_slice %arg3[%mul3A_3, %dma_wait3A_103] : memref<10000x128xf32, #tpu.memory_space<hbm>> -> memref<640x128xf32, #tpu.memory_space<hbm>>
        tpu.wait_dma2 semaphore(%run_scoped3A_96 : memref<!tpu.dma_semaphore, #tpu.memory_space<semaphore_mem>>) src(%dma_wait3A_104 : memref<640x128xf32, #tpu.memory_space<hbm>>) dst(%dma_wait3A_102 : memref<640x128xf32, #tpu.memory_space<vmem_shared>>)
        tpu.yield
      }) : () -> ()
    } else {
    }
    %eq3A_23 = arith.constant 1 : i32
    %eq3A_24 = arith.cmpi eq, %arg0, %eq3A_23 : i32
    %and3A_25 = arith.andi %eq3A_24, %eq3A_4 : i1
    %convert_element_type3A_26 = arith.extui %and3A_25 : i1 to i32
    %cond3A_27 = arith.constant 0 : i32
    %cond3A_28 = arith.cmpi ne, %convert_element_type3A_26, %cond3A_27 : i32
    scf.if %cond3A_28 {
      "tpu.region"() ({
        %run_scoped3A_96 = tpu.sem_alloc : memref<!tpu.dma_semaphore, #tpu.memory_space<semaphore_mem>>
        %dma_start3A_97 = arith.constant 9600 : i32
        %dma_start3A_98 = arith.constant 0 : i32
        %dma_start3A_99 = tpu.memref_slice %arg10[%dma_start3A_97, %dma_start3A_98] : memref<10000x128xf32, #tpu.memory_space<vmem_shared>> -> memref<400x128xf32, #tpu.memory_space<vmem_shared>>
        %dma_start3A_100 = arith.constant 9600 : i32
        %dma_start3A_101 = arith.constant 0 : i32
        %dma_start3A_102 = tpu.memref_slice %arg3[%dma_start3A_100, %dma_start3A_101] : memref<10000x128xf32, #tpu.memory_space<hbm>> -> memref<400x128xf32, #tpu.memory_space<hbm>>
        tpu.enqueue_dma source(%dma_start3A_102 : memref<400x128xf32, #tpu.memory_space<hbm>>) target(%dma_start3A_99 : memref<400x128xf32, #tpu.memory_space<vmem_shared>>) target_semaphore(%run_scoped3A_96 : memref<!tpu.dma_semaphore, #tpu.memory_space<semaphore_mem>>)
        %dma_wait3A_103 = arith.constant 9600 : i32
        %dma_wait3A_104 = arith.constant 0 : i32
        %dma_wait3A_105 = tpu.memref_slice %arg10[%dma_wait3A_103, %dma_wait3A_104] : memref<10000x128xf32, #tpu.memory_space<vmem_shared>> -> memref<400x128xf32, #tpu.memory_space<vmem_shared>>
        %dma_wait3A_106 = arith.constant 9600 : i32
        %dma_wait3A_107 = arith.constant 0 : i32
        %dma_wait3A_108 = tpu.memref_slice %arg3[%dma_wait3A_106, %dma_wait3A_107] : memref<10000x128xf32, #tpu.memory_space<hbm>> -> memref<400x128xf32, #tpu.memory_space<hbm>>
        tpu.wait_dma2 semaphore(%run_scoped3A_96 : memref<!tpu.dma_semaphore, #tpu.memory_space<semaphore_mem>>) src(%dma_wait3A_108 : memref<400x128xf32, #tpu.memory_space<hbm>>) dst(%dma_wait3A_105 : memref<400x128xf32, #tpu.memory_space<vmem_shared>>)
        tpu.yield
      }) : () -> ()
    } else {
    }
    %barrier3A = arith.constant 0 : index
    tpu.barrier barrier_id(%barrier3A)
    %dma_start3A = arith.constant 0 : i32
    %dma_start3A_29 = arith.constant 0 : i32
    %dma_start3A_30 = arith.constant 0 : i32
    %dma_start3A_31 = arith.constant 0 : i32
    %dma_start3A_32 = tpu.memref_slice %arg8[%dma_start3A, %dma_start3A_30, %dma_start3A_31] : memref<2x104x128xf32, #tpu.memory_space<vmem>> -> memref<1x104x128xf32, #tpu.memory_space<vmem>>
    %dma_start3A_33 = tpu.memref_squeeze %dma_start3A_32 : memref<1x104x128xf32, #tpu.memory_space<vmem>> -> memref<104x128xf32, #tpu.memory_space<vmem>>
    %dma_start3A_34 = arith.constant 0 : i32
    %dma_start3A_35 = tpu.memref_slice %arg6[%dma_start3A_34] : memref<10000xi32, #tpu.memory_space<vmem>> -> memref<104xi32, #tpu.memory_space<vmem>>
    %dma_start3A_36 = arith.constant 0 : i32
    %dma_start3A_37 = arith.constant 0 : i32
    %dma_start3A_38 = tpu.memref_slice %arg2[%dma_start3A_36, %dma_start3A_37] : memref<10000x128xf32, #tpu.memory_space<hbm>> -> memref<10000x128xf32, #tpu.memory_space<hbm>>
    %dma_start3A_39 = tpu.memref_slice %arg11[%dma_start3A_29] : memref<2x!tpu.dma_semaphore, #tpu.memory_space<semaphore_mem>> -> memref<1x!tpu.dma_semaphore, #tpu.memory_space<semaphore_mem>>
    %dma_start3A_40 = tpu.memref_squeeze %dma_start3A_39 : memref<1x!tpu.dma_semaphore, #tpu.memory_space<semaphore_mem>> -> memref<!tpu.dma_semaphore, #tpu.memory_space<semaphore_mem>>
    tpu.enqueue_indirect_dma source(%dma_start3A_38 : memref<10000x128xf32, #tpu.memory_space<hbm>>) target(%dma_start3A_33 : memref<104x128xf32, #tpu.memory_space<vmem>>) offsets(%dma_start3A_35 : memref<104xi32, #tpu.memory_space<vmem>>) semaphore(%dma_start3A_40 : memref<!tpu.dma_semaphore, #tpu.memory_space<semaphore_mem>>)
    %scan3A = arith.constant 0 : i32
    %scan3A_41 = arith.constant 0 : i32
    %scan3A_42 = arith.constant 47 : i32
    %scan3A_43 = arith.addi %scan3A_41, %scan3A_42 : i32
    %scan3A_44 = arith.constant 1 : i32
    scf.for %scan3A_96 = %scan3A_41 to %scan3A_43 step %scan3A_44  : i32 {
      %mul3A_97 = arith.constant 2 : i32
      %mul3A_98 = arith.muli %mul3A_97, %scan3A_96 : i32
      %add3A_99 = arith.constant 1 : i32
      %add3A_100 = arith.addi %mul3A_98, %add3A_99 : i32
      %mul3A_101 = arith.constant 104 : i32
      %mul3A_102 = arith.muli %add3A_100, %mul3A_101 : i32
      %dma_start3A_103 = arith.constant 1 : i32
      %dma_start3A_104 = arith.constant 1 : i32
      %dma_start3A_105 = arith.constant 0 : i32
      %dma_start3A_106 = arith.constant 0 : i32
      %dma_start3A_107 = tpu.memref_slice %arg8[%dma_start3A_103, %dma_start3A_105, %dma_start3A_106] : memref<2x104x128xf32, #tpu.memory_space<vmem>> -> memref<1x104x128xf32, #tpu.memory_space<vmem>>
      %dma_start3A_108 = tpu.memref_squeeze %dma_start3A_107 : memref<1x104x128xf32, #tpu.memory_space<vmem>> -> memref<104x128xf32, #tpu.memory_space<vmem>>
      %dma_start3A_109 = tpu.memref_slice %arg6[%mul3A_102] : memref<10000xi32, #tpu.memory_space<vmem>> -> memref<104xi32, #tpu.memory_space<vmem>>
      %dma_start3A_110 = arith.constant 0 : i32
      %dma_start3A_111 = arith.constant 0 : i32
      %dma_start3A_112 = tpu.memref_slice %arg2[%dma_start3A_110, %dma_start3A_111] : memref<10000x128xf32, #tpu.memory_space<hbm>> -> memref<10000x128xf32, #tpu.memory_space<hbm>>
      %dma_start3A_113 = tpu.memref_slice %arg11[%dma_start3A_104] : memref<2x!tpu.dma_semaphore, #tpu.memory_space<semaphore_mem>> -> memref<1x!tpu.dma_semaphore, #tpu.memory_space<semaphore_mem>>
      %dma_start3A_114 = tpu.memref_squeeze %dma_start3A_113 : memref<1x!tpu.dma_semaphore, #tpu.memory_space<semaphore_mem>> -> memref<!tpu.dma_semaphore, #tpu.memory_space<semaphore_mem>>
      tpu.enqueue_indirect_dma source(%dma_start3A_112 : memref<10000x128xf32, #tpu.memory_space<hbm>>) target(%dma_start3A_108 : memref<104x128xf32, #tpu.memory_space<vmem>>) offsets(%dma_start3A_109 : memref<104xi32, #tpu.memory_space<vmem>>) semaphore(%dma_start3A_114 : memref<!tpu.dma_semaphore, #tpu.memory_space<semaphore_mem>>)
      %mul3A_115 = arith.constant 104 : i32
      %mul3A_116 = arith.muli %mul3A_98, %mul3A_115 : i32
      %dma_wait3A_117 = arith.constant 0 : i32
      %dma_wait3A_118 = arith.constant 0 : i32
      %dma_wait3A_119 = arith.constant 0 : i32
      %dma_wait3A_120 = arith.constant 0 : i32
      %dma_wait3A_121 = tpu.memref_slice %arg8[%dma_wait3A_117, %dma_wait3A_119, %dma_wait3A_120] : memref<2x104x128xf32, #tpu.memory_space<vmem>> -> memref<1x104x128xf32, #tpu.memory_space<vmem>>
      %dma_wait3A_122 = tpu.memref_squeeze %dma_wait3A_121 : memref<1x104x128xf32, #tpu.memory_space<vmem>> -> memref<104x128xf32, #tpu.memory_space<vmem>>
      %dma_wait3A_123 = tpu.memref_slice %arg6[%mul3A_116] : memref<10000xi32, #tpu.memory_space<vmem>> -> memref<104xi32, #tpu.memory_space<vmem>>
      %dma_wait3A_124 = arith.constant 0 : i32
      %dma_wait3A_125 = arith.constant 0 : i32
      %dma_wait3A_126 = tpu.memref_slice %arg2[%dma_wait3A_124, %dma_wait3A_125] : memref<10000x128xf32, #tpu.memory_space<hbm>> -> memref<10000x128xf32, #tpu.memory_space<hbm>>
      %dma_wait3A_127 = tpu.memref_slice %arg11[%dma_wait3A_118] : memref<2x!tpu.dma_semaphore, #tpu.memory_space<semaphore_mem>> -> memref<1x!tpu.dma_semaphore, #tpu.memory_space<semaphore_mem>>
      %dma_wait3A_128 = tpu.memref_squeeze %dma_wait3A_127 : memref<1x!tpu.dma_semaphore, #tpu.memory_space<semaphore_mem>> -> memref<!tpu.dma_semaphore, #tpu.memory_space<semaphore_mem>>
      tpu.wait_indirect_dma semaphore(%dma_wait3A_128 : memref<!tpu.dma_semaphore, #tpu.memory_space<semaphore_mem>>) src(%dma_wait3A_126 : memref<10000x128xf32, #tpu.memory_space<hbm>>) dst(%dma_wait3A_122 : memref<104x128xf32, #tpu.memory_space<vmem>>)
      %mul3A_129 = arith.constant 104 : i32
      %mul3A_130 = arith.muli %mul3A_98, %mul3A_129 : i32
      %run_scoped3A_131 = arith.constant 0 : i32
      "tpu.region"() ({
        %run_scoped3A_169 = tpu.sem_alloc : memref<!tpu.dma_semaphore, #tpu.memory_space<semaphore_mem>>
        %dma_start3A_170 = arith.constant 0 : i32
        %dma_start3A_171 = arith.constant 0 : i32
        %dma_start3A_172 = tpu.memref_slice %arg8[%run_scoped3A_131, %dma_start3A_170, %dma_start3A_171] : memref<2x104x128xf32, #tpu.memory_space<vmem>> -> memref<1x104x128xf32, #tpu.memory_space<vmem>>
        %dma_start3A_173 = tpu.memref_squeeze %dma_start3A_172 : memref<1x104x128xf32, #tpu.memory_space<vmem>> -> memref<104x128xf32, #tpu.memory_space<vmem>>
        %dma_start3A_174 = tpu.memref_slice %arg7[%mul3A_130] : memref<10000xi32, #tpu.memory_space<vmem>> -> memref<104xi32, #tpu.memory_space<vmem>>
        %dma_start3A_175 = arith.constant 0 : i32
        %dma_start3A_176 = arith.constant 0 : i32
        %dma_start3A_177 = tpu.memref_slice %arg10[%dma_start3A_175, %dma_start3A_176] : memref<10000x128xf32, #tpu.memory_space<vmem_shared>> -> memref<10000x128xf32, #tpu.memory_space<vmem_shared>>
        tpu.enqueue_indirect_dma source(%dma_start3A_173 : memref<104x128xf32, #tpu.memory_space<vmem>>) target(%dma_start3A_177 : memref<10000x128xf32, #tpu.memory_space<vmem_shared>>) offsets(%dma_start3A_174 : memref<104xi32, #tpu.memory_space<vmem>>) semaphore(%run_scoped3A_169 : memref<!tpu.dma_semaphore, #tpu.memory_space<semaphore_mem>>) {add = true}
        %dma_wait3A_178 = arith.constant 0 : i32
        %dma_wait3A_179 = arith.constant 0 : i32
        %dma_wait3A_180 = tpu.memref_slice %arg8[%run_scoped3A_131, %dma_wait3A_178, %dma_wait3A_179] : memref<2x104x128xf32, #tpu.memory_space<vmem>> -> memref<1x104x128xf32, #tpu.memory_space<vmem>>
        %dma_wait3A_181 = tpu.memref_squeeze %dma_wait3A_180 : memref<1x104x128xf32, #tpu.memory_space<vmem>> -> memref<104x128xf32, #tpu.memory_space<vmem>>
        %dma_wait3A_182 = tpu.memref_slice %arg7[%mul3A_130] : memref<10000xi32, #tpu.memory_space<vmem>> -> memref<104xi32, #tpu.memory_space<vmem>>
        %dma_wait3A_183 = arith.constant 0 : i32
        %dma_wait3A_184 = arith.constant 0 : i32
        %dma_wait3A_185 = tpu.memref_slice %arg10[%dma_wait3A_183, %dma_wait3A_184] : memref<10000x128xf32, #tpu.memory_space<vmem_shared>> -> memref<10000x128xf32, #tpu.memory_space<vmem_shared>>
        tpu.wait_indirect_dma semaphore(%run_scoped3A_169 : memref<!tpu.dma_semaphore, #tpu.memory_space<semaphore_mem>>) src(%dma_wait3A_181 : memref<104x128xf32, #tpu.memory_space<vmem>>) dst(%dma_wait3A_185 : memref<10000x128xf32, #tpu.memory_space<vmem_shared>>)
        tpu.yield
      }) : () -> ()
      %add3A_132 = arith.constant 2 : i32
      %add3A_133 = arith.addi %mul3A_98, %add3A_132 : i32
      %mul3A_134 = arith.constant 104 : i32
      %mul3A_135 = arith.muli %add3A_133, %mul3A_134 : i32
      %dma_start3A_136 = arith.constant 0 : i32
      %dma_start3A_137 = arith.constant 0 : i32
      %dma_start3A_138 = arith.constant 0 : i32
      %dma_start3A_139 = arith.constant 0 : i32
      %dma_start3A_140 = tpu.memref_slice %arg8[%dma_start3A_136, %dma_start3A_138, %dma_start3A_139] : memref<2x104x128xf32, #tpu.memory_space<vmem>> -> memref<1x104x128xf32, #tpu.memory_space<vmem>>
      %dma_start3A_141 = tpu.memref_squeeze %dma_start3A_140 : memref<1x104x128xf32, #tpu.memory_space<vmem>> -> memref<104x128xf32, #tpu.memory_space<vmem>>
      %dma_start3A_142 = tpu.memref_slice %arg6[%mul3A_135] : memref<10000xi32, #tpu.memory_space<vmem>> -> memref<104xi32, #tpu.memory_space<vmem>>
      %dma_start3A_143 = arith.constant 0 : i32
      %dma_start3A_144 = arith.constant 0 : i32
      %dma_start3A_145 = tpu.memref_slice %arg2[%dma_start3A_143, %dma_start3A_144] : memref<10000x128xf32, #tpu.memory_space<hbm>> -> memref<10000x128xf32, #tpu.memory_space<hbm>>
      %dma_start3A_146 = tpu.memref_slice %arg11[%dma_start3A_137] : memref<2x!tpu.dma_semaphore, #tpu.memory_space<semaphore_mem>> -> memref<1x!tpu.dma_semaphore, #tpu.memory_space<semaphore_mem>>
      %dma_start3A_147 = tpu.memref_squeeze %dma_start3A_146 : memref<1x!tpu.dma_semaphore, #tpu.memory_space<semaphore_mem>> -> memref<!tpu.dma_semaphore, #tpu.memory_space<semaphore_mem>>
      tpu.enqueue_indirect_dma source(%dma_start3A_145 : memref<10000x128xf32, #tpu.memory_space<hbm>>) target(%dma_start3A_141 : memref<104x128xf32, #tpu.memory_space<vmem>>) offsets(%dma_start3A_142 : memref<104xi32, #tpu.memory_space<vmem>>) semaphore(%dma_start3A_147 : memref<!tpu.dma_semaphore, #tpu.memory_space<semaphore_mem>>)
      %add3A_148 = arith.constant 1 : i32
      %add3A_149 = arith.addi %mul3A_98, %add3A_148 : i32
      %mul3A_150 = arith.constant 104 : i32
      %mul3A_151 = arith.muli %add3A_149, %mul3A_150 : i32
      %dma_wait3A_152 = arith.constant 1 : i32
      %dma_wait3A_153 = arith.constant 1 : i32
      %dma_wait3A_154 = arith.constant 0 : i32
      %dma_wait3A_155 = arith.constant 0 : i32
      %dma_wait3A_156 = tpu.memref_slice %arg8[%dma_wait3A_152, %dma_wait3A_154, %dma_wait3A_155] : memref<2x104x128xf32, #tpu.memory_space<vmem>> -> memref<1x104x128xf32, #tpu.memory_space<vmem>>
      %dma_wait3A_157 = tpu.memref_squeeze %dma_wait3A_156 : memref<1x104x128xf32, #tpu.memory_space<vmem>> -> memref<104x128xf32, #tpu.memory_space<vmem>>
      %dma_wait3A_158 = tpu.memref_slice %arg6[%mul3A_151] : memref<10000xi32, #tpu.memory_space<vmem>> -> memref<104xi32, #tpu.memory_space<vmem>>
      %dma_wait3A_159 = arith.constant 0 : i32
      %dma_wait3A_160 = arith.constant 0 : i32
      %dma_wait3A_161 = tpu.memref_slice %arg2[%dma_wait3A_159, %dma_wait3A_160] : memref<10000x128xf32, #tpu.memory_space<hbm>> -> memref<10000x128xf32, #tpu.memory_space<hbm>>
      %dma_wait3A_162 = tpu.memref_slice %arg11[%dma_wait3A_153] : memref<2x!tpu.dma_semaphore, #tpu.memory_space<semaphore_mem>> -> memref<1x!tpu.dma_semaphore, #tpu.memory_space<semaphore_mem>>
      %dma_wait3A_163 = tpu.memref_squeeze %dma_wait3A_162 : memref<1x!tpu.dma_semaphore, #tpu.memory_space<semaphore_mem>> -> memref<!tpu.dma_semaphore, #tpu.memory_space<semaphore_mem>>
      tpu.wait_indirect_dma semaphore(%dma_wait3A_163 : memref<!tpu.dma_semaphore, #tpu.memory_space<semaphore_mem>>) src(%dma_wait3A_161 : memref<10000x128xf32, #tpu.memory_space<hbm>>) dst(%dma_wait3A_157 : memref<104x128xf32, #tpu.memory_space<vmem>>)
      %add3A_164 = arith.constant 1 : i32
      %add3A_165 = arith.addi %mul3A_98, %add3A_164 : i32
      %mul3A_166 = arith.constant 104 : i32
      %mul3A_167 = arith.muli %add3A_165, %mul3A_166 : i32
      %run_scoped3A_168 = arith.constant 1 : i32
      "tpu.region"() ({
        %run_scoped3A_169 = tpu.sem_alloc : memref<!tpu.dma_semaphore, #tpu.memory_space<semaphore_mem>>
        %dma_start3A_170 = arith.constant 0 : i32
        %dma_start3A_171 = arith.constant 0 : i32
        %dma_start3A_172 = tpu.memref_slice %arg8[%run_scoped3A_168, %dma_start3A_170, %dma_start3A_171] : memref<2x104x128xf32, #tpu.memory_space<vmem>> -> memref<1x104x128xf32, #tpu.memory_space<vmem>>
        %dma_start3A_173 = tpu.memref_squeeze %dma_start3A_172 : memref<1x104x128xf32, #tpu.memory_space<vmem>> -> memref<104x128xf32, #tpu.memory_space<vmem>>
        %dma_start3A_174 = tpu.memref_slice %arg7[%mul3A_167] : memref<10000xi32, #tpu.memory_space<vmem>> -> memref<104xi32, #tpu.memory_space<vmem>>
        %dma_start3A_175 = arith.constant 0 : i32
        %dma_start3A_176 = arith.constant 0 : i32
        %dma_start3A_177 = tpu.memref_slice %arg10[%dma_start3A_175, %dma_start3A_176] : memref<10000x128xf32, #tpu.memory_space<vmem_shared>> -> memref<10000x128xf32, #tpu.memory_space<vmem_shared>>
        tpu.enqueue_indirect_dma source(%dma_start3A_173 : memref<104x128xf32, #tpu.memory_space<vmem>>) target(%dma_start3A_177 : memref<10000x128xf32, #tpu.memory_space<vmem_shared>>) offsets(%dma_start3A_174 : memref<104xi32, #tpu.memory_space<vmem>>) semaphore(%run_scoped3A_169 : memref<!tpu.dma_semaphore, #tpu.memory_space<semaphore_mem>>) {add = true}
        %dma_wait3A_178 = arith.constant 0 : i32
        %dma_wait3A_179 = arith.constant 0 : i32
        %dma_wait3A_180 = tpu.memref_slice %arg8[%run_scoped3A_168, %dma_wait3A_178, %dma_wait3A_179] : memref<2x104x128xf32, #tpu.memory_space<vmem>> -> memref<1x104x128xf32, #tpu.memory_space<vmem>>
        %dma_wait3A_181 = tpu.memref_squeeze %dma_wait3A_180 : memref<1x104x128xf32, #tpu.memory_space<vmem>> -> memref<104x128xf32, #tpu.memory_space<vmem>>
        %dma_wait3A_182 = tpu.memref_slice %arg7[%mul3A_167] : memref<10000xi32, #tpu.memory_space<vmem>> -> memref<104xi32, #tpu.memory_space<vmem>>
        %dma_wait3A_183 = arith.constant 0 : i32
        %dma_wait3A_184 = arith.constant 0 : i32
        %dma_wait3A_185 = tpu.memref_slice %arg10[%dma_wait3A_183, %dma_wait3A_184] : memref<10000x128xf32, #tpu.memory_space<vmem_shared>> -> memref<10000x128xf32, #tpu.memory_space<vmem_shared>>
        tpu.wait_indirect_dma semaphore(%run_scoped3A_169 : memref<!tpu.dma_semaphore, #tpu.memory_space<semaphore_mem>>) src(%dma_wait3A_181 : memref<104x128xf32, #tpu.memory_space<vmem>>) dst(%dma_wait3A_185 : memref<10000x128xf32, #tpu.memory_space<vmem_shared>>)
        tpu.yield
      }) : () -> ()
    }
    %scan3A_45 = arith.constant 47 : i32
    %dma_start3A_46 = arith.constant 1 : i32
    %dma_start3A_47 = arith.constant 1 : i32
    %dma_start3A_48 = arith.constant 0 : i32
    %dma_start3A_49 = arith.constant 0 : i32
    %dma_start3A_50 = tpu.memref_slice %arg8[%dma_start3A_46, %dma_start3A_48, %dma_start3A_49] : memref<2x104x128xf32, #tpu.memory_space<vmem>> -> memref<1x104x128xf32, #tpu.memory_space<vmem>>
    %dma_start3A_51 = tpu.memref_squeeze %dma_start3A_50 : memref<1x104x128xf32, #tpu.memory_space<vmem>> -> memref<104x128xf32, #tpu.memory_space<vmem>>
    %dma_start3A_52 = arith.constant 9880 : i32
    %dma_start3A_53 = tpu.memref_slice %arg6[%dma_start3A_52] : memref<10000xi32, #tpu.memory_space<vmem>> -> memref<104xi32, #tpu.memory_space<vmem>>
    %dma_start3A_54 = arith.constant 0 : i32
    %dma_start3A_55 = arith.constant 0 : i32
    %dma_start3A_56 = tpu.memref_slice %arg2[%dma_start3A_54, %dma_start3A_55] : memref<10000x128xf32, #tpu.memory_space<hbm>> -> memref<10000x128xf32, #tpu.memory_space<hbm>>
    %dma_start3A_57 = tpu.memref_slice %arg11[%dma_start3A_47] : memref<2x!tpu.dma_semaphore, #tpu.memory_space<semaphore_mem>> -> memref<1x!tpu.dma_semaphore, #tpu.memory_space<semaphore_mem>>
    %dma_start3A_58 = tpu.memref_squeeze %dma_start3A_57 : memref<1x!tpu.dma_semaphore, #tpu.memory_space<semaphore_mem>> -> memref<!tpu.dma_semaphore, #tpu.memory_space<semaphore_mem>>
    tpu.enqueue_indirect_dma source(%dma_start3A_56 : memref<10000x128xf32, #tpu.memory_space<hbm>>) target(%dma_start3A_51 : memref<104x128xf32, #tpu.memory_space<vmem>>) offsets(%dma_start3A_53 : memref<104xi32, #tpu.memory_space<vmem>>) semaphore(%dma_start3A_58 : memref<!tpu.dma_semaphore, #tpu.memory_space<semaphore_mem>>)
    %dma_wait3A = arith.constant 0 : i32
    %dma_wait3A_59 = arith.constant 0 : i32
    %dma_wait3A_60 = arith.constant 0 : i32
    %dma_wait3A_61 = arith.constant 0 : i32
    %dma_wait3A_62 = tpu.memref_slice %arg8[%dma_wait3A, %dma_wait3A_60, %dma_wait3A_61] : memref<2x104x128xf32, #tpu.memory_space<vmem>> -> memref<1x104x128xf32, #tpu.memory_space<vmem>>
    %dma_wait3A_63 = tpu.memref_squeeze %dma_wait3A_62 : memref<1x104x128xf32, #tpu.memory_space<vmem>> -> memref<104x128xf32, #tpu.memory_space<vmem>>
    %dma_wait3A_64 = arith.constant 9776 : i32
    %dma_wait3A_65 = tpu.memref_slice %arg6[%dma_wait3A_64] : memref<10000xi32, #tpu.memory_space<vmem>> -> memref<104xi32, #tpu.memory_space<vmem>>
    %dma_wait3A_66 = arith.constant 0 : i32
    %dma_wait3A_67 = arith.constant 0 : i32
    %dma_wait3A_68 = tpu.memref_slice %arg2[%dma_wait3A_66, %dma_wait3A_67] : memref<10000x128xf32, #tpu.memory_space<hbm>> -> memref<10000x128xf32, #tpu.memory_space<hbm>>
    %dma_wait3A_69 = tpu.memref_slice %arg11[%dma_wait3A_59] : memref<2x!tpu.dma_semaphore, #tpu.memory_space<semaphore_mem>> -> memref<1x!tpu.dma_semaphore, #tpu.memory_space<semaphore_mem>>
    %dma_wait3A_70 = tpu.memref_squeeze %dma_wait3A_69 : memref<1x!tpu.dma_semaphore, #tpu.memory_space<semaphore_mem>> -> memref<!tpu.dma_semaphore, #tpu.memory_space<semaphore_mem>>
    tpu.wait_indirect_dma semaphore(%dma_wait3A_70 : memref<!tpu.dma_semaphore, #tpu.memory_space<semaphore_mem>>) src(%dma_wait3A_68 : memref<10000x128xf32, #tpu.memory_space<hbm>>) dst(%dma_wait3A_63 : memref<104x128xf32, #tpu.memory_space<vmem>>)
    %run_scoped3A_71 = arith.constant 0 : i32
    "tpu.region"() ({
      %run_scoped3A_96 = tpu.sem_alloc : memref<!tpu.dma_semaphore, #tpu.memory_space<semaphore_mem>>
      %dma_start3A_97 = arith.constant 0 : i32
      %dma_start3A_98 = arith.constant 0 : i32
      %dma_start3A_99 = tpu.memref_slice %arg8[%run_scoped3A_71, %dma_start3A_97, %dma_start3A_98] : memref<2x104x128xf32, #tpu.memory_space<vmem>> -> memref<1x104x128xf32, #tpu.memory_space<vmem>>
      %dma_start3A_100 = tpu.memref_squeeze %dma_start3A_99 : memref<1x104x128xf32, #tpu.memory_space<vmem>> -> memref<104x128xf32, #tpu.memory_space<vmem>>
      %dma_start3A_101 = arith.constant 9776 : i32
      %dma_start3A_102 = tpu.memref_slice %arg7[%dma_start3A_101] : memref<10000xi32, #tpu.memory_space<vmem>> -> memref<104xi32, #tpu.memory_space<vmem>>
      %dma_start3A_103 = arith.constant 0 : i32
      %dma_start3A_104 = arith.constant 0 : i32
      %dma_start3A_105 = tpu.memref_slice %arg10[%dma_start3A_103, %dma_start3A_104] : memref<10000x128xf32, #tpu.memory_space<vmem_shared>> -> memref<10000x128xf32, #tpu.memory_space<vmem_shared>>
      tpu.enqueue_indirect_dma source(%dma_start3A_100 : memref<104x128xf32, #tpu.memory_space<vmem>>) target(%dma_start3A_105 : memref<10000x128xf32, #tpu.memory_space<vmem_shared>>) offsets(%dma_start3A_102 : memref<104xi32, #tpu.memory_space<vmem>>) semaphore(%run_scoped3A_96 : memref<!tpu.dma_semaphore, #tpu.memory_space<semaphore_mem>>) {add = true}
      %dma_wait3A_106 = arith.constant 0 : i32
      %dma_wait3A_107 = arith.constant 0 : i32
      %dma_wait3A_108 = tpu.memref_slice %arg8[%run_scoped3A_71, %dma_wait3A_106, %dma_wait3A_107] : memref<2x104x128xf32, #tpu.memory_space<vmem>> -> memref<1x104x128xf32, #tpu.memory_space<vmem>>
      %dma_wait3A_109 = tpu.memref_squeeze %dma_wait3A_108 : memref<1x104x128xf32, #tpu.memory_space<vmem>> -> memref<104x128xf32, #tpu.memory_space<vmem>>
      %dma_wait3A_110 = arith.constant 9776 : i32
      %dma_wait3A_111 = tpu.memref_slice %arg7[%dma_wait3A_110] : memref<10000xi32, #tpu.memory_space<vmem>> -> memref<104xi32, #tpu.memory_space<vmem>>
      %dma_wait3A_112 = arith.constant 0 : i32
      %dma_wait3A_113 = arith.constant 0 : i32
      %dma_wait3A_114 = tpu.memref_slice %arg10[%dma_wait3A_112, %dma_wait3A_113] : memref<10000x128xf32, #tpu.memory_space<vmem_shared>> -> memref<10000x128xf32, #tpu.memory_space<vmem_shared>>
      tpu.wait_indirect_dma semaphore(%run_scoped3A_96 : memref<!tpu.dma_semaphore, #tpu.memory_space<semaphore_mem>>) src(%dma_wait3A_109 : memref<104x128xf32, #tpu.memory_space<vmem>>) dst(%dma_wait3A_114 : memref<10000x128xf32, #tpu.memory_space<vmem_shared>>)
      tpu.yield
    }) : () -> ()
    %dma_wait3A_72 = arith.constant 1 : i32
    %dma_wait3A_73 = arith.constant 1 : i32
    %dma_wait3A_74 = arith.constant 0 : i32
    %dma_wait3A_75 = arith.constant 0 : i32
    %dma_wait3A_76 = tpu.memref_slice %arg8[%dma_wait3A_72, %dma_wait3A_74, %dma_wait3A_75] : memref<2x104x128xf32, #tpu.memory_space<vmem>> -> memref<1x104x128xf32, #tpu.memory_space<vmem>>
    %dma_wait3A_77 = tpu.memref_squeeze %dma_wait3A_76 : memref<1x104x128xf32, #tpu.memory_space<vmem>> -> memref<104x128xf32, #tpu.memory_space<vmem>>
    %dma_wait3A_78 = arith.constant 9880 : i32
    %dma_wait3A_79 = tpu.memref_slice %arg6[%dma_wait3A_78] : memref<10000xi32, #tpu.memory_space<vmem>> -> memref<104xi32, #tpu.memory_space<vmem>>
    %dma_wait3A_80 = arith.constant 0 : i32
    %dma_wait3A_81 = arith.constant 0 : i32
    %dma_wait3A_82 = tpu.memref_slice %arg2[%dma_wait3A_80, %dma_wait3A_81] : memref<10000x128xf32, #tpu.memory_space<hbm>> -> memref<10000x128xf32, #tpu.memory_space<hbm>>
    %dma_wait3A_83 = tpu.memref_slice %arg11[%dma_wait3A_73] : memref<2x!tpu.dma_semaphore, #tpu.memory_space<semaphore_mem>> -> memref<1x!tpu.dma_semaphore, #tpu.memory_space<semaphore_mem>>
    %dma_wait3A_84 = tpu.memref_squeeze %dma_wait3A_83 : memref<1x!tpu.dma_semaphore, #tpu.memory_space<semaphore_mem>> -> memref<!tpu.dma_semaphore, #tpu.memory_space<semaphore_mem>>
    tpu.wait_indirect_dma semaphore(%dma_wait3A_84 : memref<!tpu.dma_semaphore, #tpu.memory_space<semaphore_mem>>) src(%dma_wait3A_82 : memref<10000x128xf32, #tpu.memory_space<hbm>>) dst(%dma_wait3A_77 : memref<104x128xf32, #tpu.memory_space<vmem>>)
    %run_scoped3A_85 = arith.constant 1 : i32
    "tpu.region"() ({
      %run_scoped3A_96 = tpu.sem_alloc : memref<!tpu.dma_semaphore, #tpu.memory_space<semaphore_mem>>
      %dma_start3A_97 = arith.constant 0 : i32
      %dma_start3A_98 = arith.constant 0 : i32
      %dma_start3A_99 = tpu.memref_slice %arg8[%run_scoped3A_85, %dma_start3A_97, %dma_start3A_98] : memref<2x104x128xf32, #tpu.memory_space<vmem>> -> memref<1x104x128xf32, #tpu.memory_space<vmem>>
      %dma_start3A_100 = tpu.memref_squeeze %dma_start3A_99 : memref<1x104x128xf32, #tpu.memory_space<vmem>> -> memref<104x128xf32, #tpu.memory_space<vmem>>
      %dma_start3A_101 = arith.constant 9880 : i32
      %dma_start3A_102 = tpu.memref_slice %arg7[%dma_start3A_101] : memref<10000xi32, #tpu.memory_space<vmem>> -> memref<104xi32, #tpu.memory_space<vmem>>
      %dma_start3A_103 = arith.constant 0 : i32
      %dma_start3A_104 = arith.constant 0 : i32
      %dma_start3A_105 = tpu.memref_slice %arg10[%dma_start3A_103, %dma_start3A_104] : memref<10000x128xf32, #tpu.memory_space<vmem_shared>> -> memref<10000x128xf32, #tpu.memory_space<vmem_shared>>
      tpu.enqueue_indirect_dma source(%dma_start3A_100 : memref<104x128xf32, #tpu.memory_space<vmem>>) target(%dma_start3A_105 : memref<10000x128xf32, #tpu.memory_space<vmem_shared>>) offsets(%dma_start3A_102 : memref<104xi32, #tpu.memory_space<vmem>>) semaphore(%run_scoped3A_96 : memref<!tpu.dma_semaphore, #tpu.memory_space<semaphore_mem>>) {add = true}
      %dma_wait3A_106 = arith.constant 0 : i32
      %dma_wait3A_107 = arith.constant 0 : i32
      %dma_wait3A_108 = tpu.memref_slice %arg8[%run_scoped3A_85, %dma_wait3A_106, %dma_wait3A_107] : memref<2x104x128xf32, #tpu.memory_space<vmem>> -> memref<1x104x128xf32, #tpu.memory_space<vmem>>
      %dma_wait3A_109 = tpu.memref_squeeze %dma_wait3A_108 : memref<1x104x128xf32, #tpu.memory_space<vmem>> -> memref<104x128xf32, #tpu.memory_space<vmem>>
      %dma_wait3A_110 = arith.constant 9880 : i32
      %dma_wait3A_111 = tpu.memref_slice %arg7[%dma_wait3A_110] : memref<10000xi32, #tpu.memory_space<vmem>> -> memref<104xi32, #tpu.memory_space<vmem>>
      %dma_wait3A_112 = arith.constant 0 : i32
      %dma_wait3A_113 = arith.constant 0 : i32
      %dma_wait3A_114 = tpu.memref_slice %arg10[%dma_wait3A_112, %dma_wait3A_113] : memref<10000x128xf32, #tpu.memory_space<vmem_shared>> -> memref<10000x128xf32, #tpu.memory_space<vmem_shared>>
      tpu.wait_indirect_dma semaphore(%run_scoped3A_96 : memref<!tpu.dma_semaphore, #tpu.memory_space<semaphore_mem>>) src(%dma_wait3A_109 : memref<104x128xf32, #tpu.memory_space<vmem>>) dst(%dma_wait3A_114 : memref<10000x128xf32, #tpu.memory_space<vmem_shared>>)
      tpu.yield
    }) : () -> ()
    "tpu.region"() ({
      %run_scoped3A_96 = tpu.sem_alloc : memref<!tpu.dma_semaphore, #tpu.memory_space<semaphore_mem>>
      %dma_start3A_97 = arith.constant 9984 : i32
      %dma_start3A_98 = tpu.memref_slice %arg6[%dma_start3A_97] : memref<10000xi32, #tpu.memory_space<vmem>> -> memref<16xi32, #tpu.memory_space<vmem>>
      %dma_start3A_99 = arith.constant 0 : i32
      %dma_start3A_100 = arith.constant 0 : i32
      %dma_start3A_101 = tpu.memref_slice %arg2[%dma_start3A_99, %dma_start3A_100] : memref<10000x128xf32, #tpu.memory_space<hbm>> -> memref<10000x128xf32, #tpu.memory_space<hbm>>
      tpu.enqueue_indirect_dma source(%dma_start3A_101 : memref<10000x128xf32, #tpu.memory_space<hbm>>) target(%arg9 : memref<16x128xf32, #tpu.memory_space<vmem>>) offsets(%dma_start3A_98 : memref<16xi32, #tpu.memory_space<vmem>>) semaphore(%run_scoped3A_96 : memref<!tpu.dma_semaphore, #tpu.memory_space<semaphore_mem>>)
      %dma_wait3A_102 = arith.constant 9984 : i32
      %dma_wait3A_103 = tpu.memref_slice %arg6[%dma_wait3A_102] : memref<10000xi32, #tpu.memory_space<vmem>> -> memref<16xi32, #tpu.memory_space<vmem>>
      %dma_wait3A_104 = arith.constant 0 : i32
      %dma_wait3A_105 = arith.constant 0 : i32
      %dma_wait3A_106 = tpu.memref_slice %arg2[%dma_wait3A_104, %dma_wait3A_105] : memref<10000x128xf32, #tpu.memory_space<hbm>> -> memref<10000x128xf32, #tpu.memory_space<hbm>>
      tpu.wait_indirect_dma semaphore(%run_scoped3A_96 : memref<!tpu.dma_semaphore, #tpu.memory_space<semaphore_mem>>) src(%dma_wait3A_106 : memref<10000x128xf32, #tpu.memory_space<hbm>>) dst(%arg9 : memref<16x128xf32, #tpu.memory_space<vmem>>)
      tpu.yield
    }) : () -> ()
    "tpu.region"() ({
      %run_scoped3A_96 = tpu.sem_alloc : memref<!tpu.dma_semaphore, #tpu.memory_space<semaphore_mem>>
      %dma_start3A_97 = arith.constant 9984 : i32
      %dma_start3A_98 = tpu.memref_slice %arg7[%dma_start3A_97] : memref<10000xi32, #tpu.memory_space<vmem>> -> memref<16xi32, #tpu.memory_space<vmem>>
      %dma_start3A_99 = arith.constant 0 : i32
      %dma_start3A_100 = arith.constant 0 : i32
      %dma_start3A_101 = tpu.memref_slice %arg10[%dma_start3A_99, %dma_start3A_100] : memref<10000x128xf32, #tpu.memory_space<vmem_shared>> -> memref<10000x128xf32, #tpu.memory_space<vmem_shared>>
      tpu.enqueue_indirect_dma source(%arg9 : memref<16x128xf32, #tpu.memory_space<vmem>>) target(%dma_start3A_101 : memref<10000x128xf32, #tpu.memory_space<vmem_shared>>) offsets(%dma_start3A_98 : memref<16xi32, #tpu.memory_space<vmem>>) semaphore(%run_scoped3A_96 : memref<!tpu.dma_semaphore, #tpu.memory_space<semaphore_mem>>) {add = true}
      %dma_wait3A_102 = arith.constant 9984 : i32
      %dma_wait3A_103 = tpu.memref_slice %arg7[%dma_wait3A_102] : memref<10000xi32, #tpu.memory_space<vmem>> -> memref<16xi32, #tpu.memory_space<vmem>>
      %dma_wait3A_104 = arith.constant 0 : i32
      %dma_wait3A_105 = arith.constant 0 : i32
      %dma_wait3A_106 = tpu.memref_slice %arg10[%dma_wait3A_104, %dma_wait3A_105] : memref<10000x128xf32, #tpu.memory_space<vmem_shared>> -> memref<10000x128xf32, #tpu.memory_space<vmem_shared>>
      tpu.wait_indirect_dma semaphore(%run_scoped3A_96 : memref<!tpu.dma_semaphore, #tpu.memory_space<semaphore_mem>>) src(%arg9 : memref<16x128xf32, #tpu.memory_space<vmem>>) dst(%dma_wait3A_106 : memref<10000x128xf32, #tpu.memory_space<vmem_shared>>)
      tpu.yield
    }) : () -> ()
    %barrier3A_86 = arith.constant 0 : index
    tpu.barrier barrier_id(%barrier3A_86)
    %lt3A = arith.constant 15 : i32
    %lt3A_87 = arith.cmpi slt, %arg1, %lt3A : i32
    %convert_element_type3A_88 = arith.extui %lt3A_87 : i1 to i32
    %cond3A_89 = arith.constant 0 : i32
    %cond3A_90 = arith.cmpi ne, %convert_element_type3A_88, %cond3A_89 : i32
    scf.if %cond3A_90 {
      "tpu.region"() ({
        %run_scoped3A_96 = tpu.sem_alloc : memref<!tpu.dma_semaphore, #tpu.memory_space<semaphore_mem>>
        %dma_start3A_97 = arith.constant 0 : i32
        %dma_start3A_98 = tpu.memref_slice %arg5[%arg0, %mul3A_3, %dma_start3A_97] : memref<2x10000x128xf32, #tpu.memory_space<hbm>> -> memref<1x640x128xf32, #tpu.memory_space<hbm>>
        %dma_start3A_99 = tpu.memref_squeeze %dma_start3A_98 : memref<1x640x128xf32, #tpu.memory_space<hbm>> -> memref<640x128xf32, #tpu.memory_space<hbm>>
        %dma_start3A_100 = arith.constant 0 : i32
        %dma_start3A_101 = tpu.memref_slice %arg10[%mul3A_3, %dma_start3A_100] : memref<10000x128xf32, #tpu.memory_space<vmem_shared>> -> memref<640x128xf32, #tpu.memory_space<vmem_shared>>
        tpu.enqueue_dma source(%dma_start3A_101 : memref<640x128xf32, #tpu.memory_space<vmem_shared>>) target(%dma_start3A_99 : memref<640x128xf32, #tpu.memory_space<hbm>>) target_semaphore(%run_scoped3A_96 : memref<!tpu.dma_semaphore, #tpu.memory_space<semaphore_mem>>)
        %dma_wait3A_102 = arith.constant 0 : i32
        %dma_wait3A_103 = tpu.memref_slice %arg5[%arg0, %mul3A_3, %dma_wait3A_102] : memref<2x10000x128xf32, #tpu.memory_space<hbm>> -> memref<1x640x128xf32, #tpu.memory_space<hbm>>
        %dma_wait3A_104 = tpu.memref_squeeze %dma_wait3A_103 : memref<1x640x128xf32, #tpu.memory_space<hbm>> -> memref<640x128xf32, #tpu.memory_space<hbm>>
        %dma_wait3A_105 = arith.constant 0 : i32
        %dma_wait3A_106 = tpu.memref_slice %arg10[%mul3A_3, %dma_wait3A_105] : memref<10000x128xf32, #tpu.memory_space<vmem_shared>> -> memref<640x128xf32, #tpu.memory_space<vmem_shared>>
        tpu.wait_dma2 semaphore(%run_scoped3A_96 : memref<!tpu.dma_semaphore, #tpu.memory_space<semaphore_mem>>) src(%dma_wait3A_106 : memref<640x128xf32, #tpu.memory_space<vmem_shared>>) dst(%dma_wait3A_104 : memref<640x128xf32, #tpu.memory_space<hbm>>)
        tpu.yield
      }) : () -> ()
    } else {
    }
    %eq3A_91 = arith.constant 15 : i32
    %eq3A_92 = arith.cmpi eq, %arg1, %eq3A_91 : i32
    %convert_element_type3A_93 = arith.extui %eq3A_92 : i1 to i32
    %cond3A_94 = arith.constant 0 : i32
    %cond3A_95 = arith.cmpi ne, %convert_element_type3A_93, %cond3A_94 : i32
    scf.if %cond3A_95 {
      "tpu.region"() ({
        %run_scoped3A_96 = tpu.sem_alloc : memref<!tpu.dma_semaphore, #tpu.memory_space<semaphore_mem>>
        %dma_start3A_97 = arith.constant 9600 : i32
        %dma_start3A_98 = arith.constant 0 : i32
        %dma_start3A_99 = tpu.memref_slice %arg5[%arg0, %dma_start3A_97, %dma_start3A_98] : memref<2x10000x128xf32, #tpu.memory_space<hbm>> -> memref<1x400x128xf32, #tpu.memory_space<hbm>>
        %dma_start3A_100 = tpu.memref_squeeze %dma_start3A_99 : memref<1x400x128xf32, #tpu.memory_space<hbm>> -> memref<400x128xf32, #tpu.memory_space<hbm>>
        %dma_start3A_101 = arith.constant 9600 : i32
        %dma_start3A_102 = arith.constant 0 : i32
        %dma_start3A_103 = tpu.memref_slice %arg10[%dma_start3A_101, %dma_start3A_102] : memref<10000x128xf32, #tpu.memory_space<vmem_shared>> -> memref<400x128xf32, #tpu.memory_space<vmem_shared>>
        tpu.enqueue_dma source(%dma_start3A_103 : memref<400x128xf32, #tpu.memory_space<vmem_shared>>) target(%dma_start3A_100 : memref<400x128xf32, #tpu.memory_space<hbm>>) target_semaphore(%run_scoped3A_96 : memref<!tpu.dma_semaphore, #tpu.memory_space<semaphore_mem>>)
        %dma_wait3A_104 = arith.constant 9600 : i32
        %dma_wait3A_105 = arith.constant 0 : i32
        %dma_wait3A_106 = tpu.memref_slice %arg5[%arg0, %dma_wait3A_104, %dma_wait3A_105] : memref<2x10000x128xf32, #tpu.memory_space<hbm>> -> memref<1x400x128xf32, #tpu.memory_space<hbm>>
        %dma_wait3A_107 = tpu.memref_squeeze %dma_wait3A_106 : memref<1x400x128xf32, #tpu.memory_space<hbm>> -> memref<400x128xf32, #tpu.memory_space<hbm>>
        %dma_wait3A_108 = arith.constant 9600 : i32
        %dma_wait3A_109 = arith.constant 0 : i32
        %dma_wait3A_110 = tpu.memref_slice %arg10[%dma_wait3A_108, %dma_wait3A_109] : memref<10000x128xf32, #tpu.memory_space<vmem_shared>> -> memref<400x128xf32, #tpu.memory_space<vmem_shared>>
        tpu.wait_dma2 semaphore(%run_scoped3A_96 : memref<!tpu.dma_semaphore, #tpu.memory_space<semaphore_mem>>) src(%dma_wait3A_110 : memref<400x128xf32, #tpu.memory_space<vmem_shared>>) dst(%dma_wait3A_107 : memref<400x128xf32, #tpu.memory_space<hbm>>)
        tpu.yield
      }) : () -> ()
    } else {
    }
    return
  }
}

module attributes {stable_mosaic.version = 14 : i64} {
  func.func @_pre_body(%arg0: i32, %arg1: memref<2x2000x1xf32, #tpu.memory_space<vmem>>, %arg2: memref<2000x128xf32, #tpu.memory_space<vmem>>, %arg3: memref<128x128xf32, #tpu.memory_space<vmem>>, %arg4: memref<2000x1xf32, #tpu.memory_space<vmem>>, %arg5: memref<2000x128xf32, #tpu.memory_space<vmem>>) attributes {dimension_semantics = [#tpu.dimension_semantics<arbitrary>], iteration_bounds = array<i64: 5>, scalar_prefetch = 0 : i64, scratch_operands = 0 : i64, tpu.core_type = #tpu.core_type<tc>, window_params = [{transform_indices = @transform_0, window_bounds = array<i64: 2, 2000, 1>}, {transform_indices = @transform_1, window_bounds = array<i64: 2000, 128>}, {pipeline_mode = #tpu.pipeline_mode<synchronous>, transform_indices = @transform_2, window_bounds = array<i64: 128, 128>}, {transform_indices = @transform_3, window_bounds = array<i64: 2000, 1>}, {transform_indices = @transform_4, window_bounds = array<i64: 2000, 128>}]} {
    %get3A = arith.constant 0 : index
    %get3A_0 = arith.constant 0 : index
    %get3A_1 = arith.constant 0 : index
    %get3A_2 = vector.load %arg1[%get3A, %get3A_0, %get3A_1] : memref<2x2000x1xf32, #tpu.memory_space<vmem>>, vector<1x2000x1xf32>
    %get3A_3 = vector.shape_cast %get3A_2 : vector<1x2000x1xf32> to vector<2000x1xf32>
    %get3A_4 = arith.constant 1 : index
    %get3A_5 = arith.constant 0 : index
    %get3A_6 = arith.constant 0 : index
    %get3A_7 = vector.load %arg1[%get3A_4, %get3A_5, %get3A_6] : memref<2x2000x1xf32, #tpu.memory_space<vmem>>, vector<1x2000x1xf32>
    %get3A_8 = vector.shape_cast %get3A_7 : vector<1x2000x1xf32> to vector<2000x1xf32>
    %add3A = arith.addf %get3A_3, %get3A_8 : vector<2000x1xf32>
    %add3A_9 = arith.constant 1.000000e+00 : f32
    %add3A_10 = vector.broadcast %add3A_9 : f32 to vector<2000x1xf32>
    %add3A_11 = arith.addf %add3A, %add3A_10 : vector<2000x1xf32>
    %max3A = arith.constant 1.000000e+00 : f32
    %max3A_12 = vector.broadcast %max3A : f32 to vector<2000x1xf32>
    %max3A_13 = arith.maximumf %add3A_11, %max3A_12 : vector<2000x1xf32>
    %rsqrt3A = math.rsqrt %max3A_13 : vector<2000x1xf32>
    %swap3A = arith.constant 0 : index
    %swap3A_14 = arith.constant 0 : index
    %swap3A_15 = vector.load %arg4[%swap3A, %swap3A_14] : memref<2000x1xf32, #tpu.memory_space<vmem>>, vector<2000x1xf32>
    tpu.vector_store %arg4[%swap3A, %swap3A_14], %rsqrt3A {strides = array<i32>} : memref<2000x1xf32, #tpu.memory_space<vmem>>, vector<2000x1xf32>,
    %get3A_16 = arith.constant 0 : index
    %get3A_17 = arith.constant 0 : index
    %get3A_18 = vector.load %arg2[%get3A_16, %get3A_17] : memref<2000x128xf32, #tpu.memory_space<vmem>>, vector<2000x128xf32>
    %get3A_19 = arith.constant 0 : index
    %get3A_20 = arith.constant 0 : index
    %get3A_21 = vector.load %arg3[%get3A_19, %get3A_20] : memref<128x128xf32, #tpu.memory_space<vmem>>, vector<128x128xf32>
    %dot_general3A = arith.constant dense<0.000000e+00> : vector<2000x128xf32>
    %dot_general3A_22 = tpu.matmul %get3A_18, %get3A_21, %dot_general3A {dimension_numbers = #tpu.dot_dimension_numbers<[1], [0], [0], [1], [0, 0, 1, 1], [], []>, transpose_lhs_hint = false} : vector<2000x128xf32>, vector<128x128xf32>, vector<2000x128xf32> -> vector<2000x128xf32>
    %mul3A = vector.broadcast %rsqrt3A : vector<2000x1xf32> to vector<2000x128xf32>
    %mul3A_23 = arith.mulf %mul3A, %dot_general3A_22 : vector<2000x128xf32>
    %swap3A_24 = arith.constant 0 : index
    %swap3A_25 = arith.constant 0 : index
    %swap3A_26 = vector.load %arg5[%swap3A_24, %swap3A_25] : memref<2000x128xf32, #tpu.memory_space<vmem>>, vector<2000x128xf32>
    tpu.vector_store %arg5[%swap3A_24, %swap3A_25], %mul3A_23 {strides = array<i32>} : memref<2000x128xf32, #tpu.memory_space<vmem>>, vector<2000x128xf32>,
    return
  }
  func.func @transform_0(%arg0: i32) -> (i32, i32, i32) {
    %c0_i32 = arith.constant 0 : i32
    %c0_i32_0 = arith.constant 0 : i32
    %c0_i32_1 = arith.constant 0 : i32
    return %c0_i32, %arg0, %c0_i32_0 : i32, i32, i32
  }
  func.func @transform_1(%arg0: i32) -> (i32, i32) {
    %c0_i32 = arith.constant 0 : i32
    %c0_i32_0 = arith.constant 0 : i32
    return %arg0, %c0_i32 : i32, i32
  }
  func.func @transform_2(%arg0: i32) -> (i32, i32) {
    %c0_i32 = arith.constant 0 : i32
    %c0_i32_0 = arith.constant 0 : i32
    %c0_i32_1 = arith.constant 0 : i32
    return %c0_i32, %c0_i32_0 : i32, i32
  }
  func.func @transform_3(%arg0: i32) -> (i32, i32) {
    %c0_i32 = arith.constant 0 : i32
    %c0_i32_0 = arith.constant 0 : i32
    return %arg0, %c0_i32 : i32, i32
  }
  func.func @transform_4(%arg0: i32) -> (i32, i32) {
    %c0_i32 = arith.constant 0 : i32
    %c0_i32_0 = arith.constant 0 : i32
    return %arg0, %c0_i32 : i32, i32
  }
}

module attributes {stable_mosaic.version = 14 : i64} {
  func.func @_mid_body(%arg0: i32, %arg1: memref<2x2000x128xf32, #tpu.memory_space<vmem>>, %arg2: memref<2000x1xf32, #tpu.memory_space<vmem>>, %arg3: memref<1x128xf32, #tpu.memory_space<vmem>>, %arg4: memref<128x128xf32, #tpu.memory_space<vmem>>, %arg5: memref<2000x128xf32, #tpu.memory_space<vmem>>) attributes {dimension_semantics = [#tpu.dimension_semantics<arbitrary>], iteration_bounds = array<i64: 5>, scalar_prefetch = 0 : i64, scratch_operands = 0 : i64, tpu.core_type = #tpu.core_type<tc>, window_params = [{transform_indices = @transform_0, window_bounds = array<i64: 2, 2000, 128>}, {transform_indices = @transform_1, window_bounds = array<i64: 2000, 1>}, {pipeline_mode = #tpu.pipeline_mode<synchronous>, transform_indices = @transform_2, window_bounds = array<i64: 1, 128>}, {pipeline_mode = #tpu.pipeline_mode<synchronous>, transform_indices = @transform_3, window_bounds = array<i64: 128, 128>}, {transform_indices = @transform_4, window_bounds = array<i64: 2000, 128>}]} {
    %get3A = arith.constant 0 : index
    %get3A_0 = arith.constant 0 : index
    %get3A_1 = vector.load %arg2[%get3A, %get3A_0] : memref<2000x1xf32, #tpu.memory_space<vmem>>, vector<2000x1xf32>
    %get3A_2 = arith.constant 0 : index
    %get3A_3 = arith.constant 0 : index
    %get3A_4 = arith.constant 0 : index
    %get3A_5 = vector.load %arg1[%get3A_2, %get3A_3, %get3A_4] : memref<2x2000x128xf32, #tpu.memory_space<vmem>>, vector<1x2000x128xf32>
    %get3A_6 = vector.shape_cast %get3A_5 : vector<1x2000x128xf32> to vector<2000x128xf32>
    %get3A_7 = arith.constant 1 : index
    %get3A_8 = arith.constant 0 : index
    %get3A_9 = arith.constant 0 : index
    %get3A_10 = vector.load %arg1[%get3A_7, %get3A_8, %get3A_9] : memref<2x2000x128xf32, #tpu.memory_space<vmem>>, vector<1x2000x128xf32>
    %get3A_11 = vector.shape_cast %get3A_10 : vector<1x2000x128xf32> to vector<2000x128xf32>
    %add3A = arith.addf %get3A_6, %get3A_11 : vector<2000x128xf32>
    %mul3A = vector.broadcast %get3A_1 : vector<2000x1xf32> to vector<2000x128xf32>
    %mul3A_12 = arith.mulf %mul3A, %add3A : vector<2000x128xf32>
    %get3A_13 = arith.constant 0 : index
    %get3A_14 = arith.constant 0 : index
    %get3A_15 = vector.load %arg3[%get3A_13, %get3A_14] : memref<1x128xf32, #tpu.memory_space<vmem>>, vector<1x128xf32>
    %add3A_16 = vector.broadcast %get3A_15 : vector<1x128xf32> to vector<2000x128xf32>
    %add3A_17 = arith.addf %mul3A_12, %add3A_16 : vector<2000x128xf32>
    %max3A = arith.constant 0.000000e+00 : f32
    %max3A_18 = vector.broadcast %max3A : f32 to vector<2000x128xf32>
    %max3A_19 = arith.maximumf %add3A_17, %max3A_18 : vector<2000x128xf32>
    %mul3A_20 = vector.broadcast %get3A_1 : vector<2000x1xf32> to vector<2000x128xf32>
    %mul3A_21 = arith.mulf %mul3A_20, %max3A_19 : vector<2000x128xf32>
    %get3A_22 = arith.constant 0 : index
    %get3A_23 = arith.constant 0 : index
    %get3A_24 = vector.load %arg4[%get3A_22, %get3A_23] : memref<128x128xf32, #tpu.memory_space<vmem>>, vector<128x128xf32>
    %dot_general3A = arith.constant dense<0.000000e+00> : vector<2000x128xf32>
    %dot_general3A_25 = tpu.matmul %mul3A_21, %get3A_24, %dot_general3A {dimension_numbers = #tpu.dot_dimension_numbers<[1], [0], [0], [1], [0, 0, 1, 1], [], []>, transpose_lhs_hint = false} : vector<2000x128xf32>, vector<128x128xf32>, vector<2000x128xf32> -> vector<2000x128xf32>
    %swap3A = arith.constant 0 : index
    %swap3A_26 = arith.constant 0 : index
    %swap3A_27 = vector.load %arg5[%swap3A, %swap3A_26] : memref<2000x128xf32, #tpu.memory_space<vmem>>, vector<2000x128xf32>
    tpu.vector_store %arg5[%swap3A, %swap3A_26], %dot_general3A_25 {strides = array<i32>} : memref<2000x128xf32, #tpu.memory_space<vmem>>, vector<2000x128xf32>,
    return
  }
  func.func @transform_0(%arg0: i32) -> (i32, i32, i32) {
    %c0_i32 = arith.constant 0 : i32
    %c0_i32_0 = arith.constant 0 : i32
    %c0_i32_1 = arith.constant 0 : i32
    return %c0_i32, %arg0, %c0_i32_0 : i32, i32, i32
  }
  func.func @transform_1(%arg0: i32) -> (i32, i32) {
    %c0_i32 = arith.constant 0 : i32
    %c0_i32_0 = arith.constant 0 : i32
    return %arg0, %c0_i32 : i32, i32
  }
  func.func @transform_2(%arg0: i32) -> (i32, i32) {
    %c0_i32 = arith.constant 0 : i32
    %c0_i32_0 = arith.constant 0 : i32
    %c0_i32_1 = arith.constant 0 : i32
    return %c0_i32, %c0_i32_0 : i32, i32
  }
  func.func @transform_3(%arg0: i32) -> (i32, i32) {
    %c0_i32 = arith.constant 0 : i32
    %c0_i32_0 = arith.constant 0 : i32
    %c0_i32_1 = arith.constant 0 : i32
    return %c0_i32, %c0_i32_0 : i32, i32
  }
  func.func @transform_4(%arg0: i32) -> (i32, i32) {
    %c0_i32 = arith.constant 0 : i32
    %c0_i32_0 = arith.constant 0 : i32
    return %arg0, %c0_i32 : i32, i32
  }
}

module attributes {stable_mosaic.version = 14 : i64} {
  func.func @_final_body(%arg0: i32, %arg1: memref<2x2000x128xf32, #tpu.memory_space<vmem>>, %arg2: memref<2000x1xf32, #tpu.memory_space<vmem>>, %arg3: memref<1x128xf32, #tpu.memory_space<vmem>>, %arg4: memref<1x1x2000xi32, #tpu.memory_space<vmem>>, %arg5: memref<128x10xf32, #tpu.memory_space<vmem>>, %arg6: memref<1x10xf32, #tpu.memory_space<vmem>>, %arg7: memref<64x10xf32, #tpu.memory_space<vmem>>, %arg8: memref<64x128xf32, #tpu.memory_space<vmem>>, %arg9: memref<64x1xf32, #tpu.memory_space<vmem>>) attributes {dimension_semantics = [#tpu.dimension_semantics<arbitrary>], iteration_bounds = array<i64: 5>, scalar_prefetch = 0 : i64, scratch_operands = 2 : i64, tpu.core_type = #tpu.core_type<tc>, window_params = [{transform_indices = @transform_0, window_bounds = array<i64: 2, 2000, 128>}, {transform_indices = @transform_1, window_bounds = array<i64: 2000, 1>}, {pipeline_mode = #tpu.pipeline_mode<synchronous>, transform_indices = @transform_2, window_bounds = array<i64: 1, 128>}, {transform_indices = @transform_3, window_bounds = array<i64: 1, 1, 2000>}, {pipeline_mode = #tpu.pipeline_mode<synchronous>, transform_indices = @transform_4, window_bounds = array<i64: 128, 10>}, {pipeline_mode = #tpu.pipeline_mode<synchronous>, transform_indices = @transform_5, window_bounds = array<i64: 1, 10>}, {pipeline_mode = #tpu.pipeline_mode<synchronous>, transform_indices = @transform_6, window_bounds = array<i64: 64, 10>}]} {
    %eq3A = arith.constant 0 : i32
    %eq3A_0 = arith.cmpi eq, %arg0, %eq3A : i32
    %convert_element_type3A = arith.extui %eq3A_0 : i1 to i32
    %cond3A = arith.constant 0 : i32
    %cond3A_1 = arith.cmpi ne, %convert_element_type3A, %cond3A : i32
    scf.if %cond3A_1 {
      %broadcast_in_dim3A_51 = arith.constant 0.000000e+00 : f32
      %broadcast_in_dim3A_52 = vector.broadcast %broadcast_in_dim3A_51 : f32 to vector<64x128xf32>
      %swap3A_53 = arith.constant 0 : index
      %swap3A_54 = arith.constant 0 : index
      %swap3A_55 = vector.load %arg8[%swap3A_53, %swap3A_54] : memref<64x128xf32, #tpu.memory_space<vmem>>, vector<64x128xf32>
      tpu.vector_store %arg8[%swap3A_53, %swap3A_54], %broadcast_in_dim3A_52 {strides = array<i32>} : memref<64x128xf32, #tpu.memory_space<vmem>>, vector<64x128xf32>,
      %broadcast_in_dim3A_56 = arith.constant 0.000000e+00 : f32
      %broadcast_in_dim3A_57 = vector.broadcast %broadcast_in_dim3A_56 : f32 to vector<64x1xf32>
      %swap3A_58 = arith.constant 0 : index
      %swap3A_59 = arith.constant 0 : index
      %swap3A_60 = vector.load %arg9[%swap3A_58, %swap3A_59] : memref<64x1xf32, #tpu.memory_space<vmem>>, vector<64x1xf32>
      tpu.vector_store %arg9[%swap3A_58, %swap3A_59], %broadcast_in_dim3A_57 {strides = array<i32>} : memref<64x1xf32, #tpu.memory_space<vmem>>, vector<64x1xf32>,
    } else {
    }
    %get3A = arith.constant 0 : index
    %get3A_2 = arith.constant 0 : index
    %get3A_3 = vector.load %arg2[%get3A, %get3A_2] : memref<2000x1xf32, #tpu.memory_space<vmem>>, vector<2000x1xf32>
    %get3A_4 = arith.constant 0 : index
    %get3A_5 = arith.constant 0 : index
    %get3A_6 = arith.constant 0 : index
    %get3A_7 = vector.load %arg1[%get3A_4, %get3A_5, %get3A_6] : memref<2x2000x128xf32, #tpu.memory_space<vmem>>, vector<1x2000x128xf32>
    %get3A_8 = vector.shape_cast %get3A_7 : vector<1x2000x128xf32> to vector<2000x128xf32>
    %get3A_9 = arith.constant 1 : index
    %get3A_10 = arith.constant 0 : index
    %get3A_11 = arith.constant 0 : index
    %get3A_12 = vector.load %arg1[%get3A_9, %get3A_10, %get3A_11] : memref<2x2000x128xf32, #tpu.memory_space<vmem>>, vector<1x2000x128xf32>
    %get3A_13 = vector.shape_cast %get3A_12 : vector<1x2000x128xf32> to vector<2000x128xf32>
    %add3A = arith.addf %get3A_8, %get3A_13 : vector<2000x128xf32>
    %mul3A = vector.broadcast %get3A_3 : vector<2000x1xf32> to vector<2000x128xf32>
    %mul3A_14 = arith.mulf %mul3A, %add3A : vector<2000x128xf32>
    %get3A_15 = arith.constant 0 : index
    %get3A_16 = arith.constant 0 : index
    %get3A_17 = vector.load %arg3[%get3A_15, %get3A_16] : memref<1x128xf32, #tpu.memory_space<vmem>>, vector<1x128xf32>
    %add3A_18 = vector.broadcast %get3A_17 : vector<1x128xf32> to vector<2000x128xf32>
    %add3A_19 = arith.addf %mul3A_14, %add3A_18 : vector<2000x128xf32>
    %iota3A = tpu.iota {dimensions = array<i32: 0>} : vector<64x2000xi32>
    %get3A_20 = arith.constant 0 : index
    %get3A_21 = arith.constant 0 : index
    %get3A_22 = arith.constant 0 : index
    %get3A_23 = vector.load %arg4[%get3A_20, %get3A_21, %get3A_22] : memref<1x1x2000xi32, #tpu.memory_space<vmem>>, vector<1x1x2000xi32>
    %get3A_24 = vector.shape_cast %get3A_23 : vector<1x1x2000xi32> to vector<1x2000xi32>
    %eq3A_25 = vector.broadcast %get3A_24 : vector<1x2000xi32> to vector<64x2000xi32>
    %eq3A_26 = arith.cmpi eq, %iota3A, %eq3A_25 : vector<64x2000xi32>
    %convert_element_type3A_27 = arith.extui %eq3A_26 : vector<64x2000xi1> to vector<64x2000xi32>
    %convert_element_type3A_28 = arith.sitofp %convert_element_type3A_27 : vector<64x2000xi32> to vector<64x2000xf32>
    %get3A_29 = arith.constant 0 : index
    %get3A_30 = arith.constant 0 : index
    %get3A_31 = vector.load %arg8[%get3A_29, %get3A_30] : memref<64x128xf32, #tpu.memory_space<vmem>>, vector<64x128xf32>
    %dot_general3A = arith.constant dense<0.000000e+00> : vector<64x128xf32>
    %dot_general3A_32 = tpu.matmul %convert_element_type3A_28, %add3A_19, %dot_general3A {dimension_numbers = #tpu.dot_dimension_numbers<[1], [0], [0], [1], [0, 0, 1, 1], [], []>, transpose_lhs_hint = false} : vector<64x2000xf32>, vector<2000x128xf32>, vector<64x128xf32> -> vector<64x128xf32>
    %add3A_33 = arith.addf %get3A_31, %dot_general3A_32 : vector<64x128xf32>
    %swap3A = arith.constant 0 : index
    %swap3A_34 = arith.constant 0 : index
    %swap3A_35 = vector.load %arg8[%swap3A, %swap3A_34] : memref<64x128xf32, #tpu.memory_space<vmem>>, vector<64x128xf32>
    tpu.vector_store %arg8[%swap3A, %swap3A_34], %add3A_33 {strides = array<i32>} : memref<64x128xf32, #tpu.memory_space<vmem>>, vector<64x128xf32>,
    %get3A_36 = arith.constant 0 : index
    %get3A_37 = arith.constant 0 : index
    %get3A_38 = vector.load %arg9[%get3A_36, %get3A_37] : memref<64x1xf32, #tpu.memory_space<vmem>>, vector<64x1xf32>
    %broadcast_in_dim3A = arith.constant 1.000000e+00 : f32
    %broadcast_in_dim3A_39 = vector.broadcast %broadcast_in_dim3A : f32 to vector<2000x1xf32>
    %dot_general3A_40 = arith.constant dense<0.000000e+00> : vector<64x1xf32>
    %dot_general3A_41 = tpu.matmul %convert_element_type3A_28, %broadcast_in_dim3A_39, %dot_general3A_40 {dimension_numbers = #tpu.dot_dimension_numbers<[1], [0], [0], [1], [0, 0, 1, 1], [], []>, transpose_lhs_hint = false} : vector<64x2000xf32>, vector<2000x1xf32>, vector<64x1xf32> -> vector<64x1xf32>
    %add3A_42 = arith.addf %get3A_38, %dot_general3A_41 : vector<64x1xf32>
    %swap3A_43 = arith.constant 0 : index
    %swap3A_44 = arith.constant 0 : index
    %swap3A_45 = vector.load %arg9[%swap3A_43, %swap3A_44] : memref<64x1xf32, #tpu.memory_space<vmem>>, vector<64x1xf32>
    tpu.vector_store %arg9[%swap3A_43, %swap3A_44], %add3A_42 {strides = array<i32>} : memref<64x1xf32, #tpu.memory_space<vmem>>, vector<64x1xf32>,
    %eq3A_46 = arith.constant 4 : i32
    %eq3A_47 = arith.cmpi eq, %arg0, %eq3A_46 : i32
    %convert_element_type3A_48 = arith.extui %eq3A_47 : i1 to i32
    %cond3A_49 = arith.constant 0 : i32
    %cond3A_50 = arith.cmpi ne, %convert_element_type3A_48, %cond3A_49 : i32
    scf.if %cond3A_50 {
      %get3A_51 = arith.constant 0 : index
      %get3A_52 = arith.constant 0 : index
      %get3A_53 = vector.load %arg8[%get3A_51, %get3A_52] : memref<64x128xf32, #tpu.memory_space<vmem>>, vector<64x128xf32>
      %get3A_54 = arith.constant 0 : index
      %get3A_55 = arith.constant 0 : index
      %get3A_56 = vector.load %arg9[%get3A_54, %get3A_55] : memref<64x1xf32, #tpu.memory_space<vmem>>, vector<64x1xf32>
      %max3A = arith.constant 1.000000e+00 : f32
      %max3A_57 = vector.broadcast %max3A : f32 to vector<64x1xf32>
      %max3A_58 = arith.maximumf %get3A_56, %max3A_57 : vector<64x1xf32>
      %div3A = vector.broadcast %max3A_58 : vector<64x1xf32> to vector<64x128xf32>
      %div3A_59 = arith.divf %get3A_53, %div3A : vector<64x128xf32>
      %get3A_60 = arith.constant 0 : index
      %get3A_61 = arith.constant 0 : index
      %get3A_62 = vector.load %arg5[%get3A_60, %get3A_61] : memref<128x10xf32, #tpu.memory_space<vmem>>, vector<128x10xf32>
      %dot_general3A_63 = arith.constant dense<0.000000e+00> : vector<64x10xf32>
      %dot_general3A_64 = tpu.matmul %div3A_59, %get3A_62, %dot_general3A_63 {dimension_numbers = #tpu.dot_dimension_numbers<[1], [0], [0], [1], [0, 0, 1, 1], [], []>, transpose_lhs_hint = false} : vector<64x128xf32>, vector<128x10xf32>, vector<64x10xf32> -> vector<64x10xf32>
      %get3A_65 = arith.constant 0 : index
      %get3A_66 = arith.constant 0 : index
      %get3A_67 = vector.load %arg6[%get3A_65, %get3A_66] : memref<1x10xf32, #tpu.memory_space<vmem>>, vector<1x10xf32>
      %add3A_68 = vector.broadcast %get3A_67 : vector<1x10xf32> to vector<64x10xf32>
      %add3A_69 = arith.addf %dot_general3A_64, %add3A_68 : vector<64x10xf32>
      %swap3A_70 = arith.constant 0 : index
      %swap3A_71 = arith.constant 0 : index
      %swap3A_72 = vector.load %arg7[%swap3A_70, %swap3A_71] : memref<64x10xf32, #tpu.memory_space<vmem>>, vector<64x10xf32>
      tpu.vector_store %arg7[%swap3A_70, %swap3A_71], %add3A_69 {strides = array<i32>} : memref<64x10xf32, #tpu.memory_space<vmem>>, vector<64x10xf32>,
    } else {
    }
    return
  }
  func.func @transform_0(%arg0: i32) -> (i32, i32, i32) {
    %c0_i32 = arith.constant 0 : i32
    %c0_i32_0 = arith.constant 0 : i32
    %c0_i32_1 = arith.constant 0 : i32
    return %c0_i32, %arg0, %c0_i32_0 : i32, i32, i32
  }
  func.func @transform_1(%arg0: i32) -> (i32, i32) {
    %c0_i32 = arith.constant 0 : i32
    %c0_i32_0 = arith.constant 0 : i32
    return %arg0, %c0_i32 : i32, i32
  }
  func.func @transform_2(%arg0: i32) -> (i32, i32) {
    %c0_i32 = arith.constant 0 : i32
    %c0_i32_0 = arith.constant 0 : i32
    %c0_i32_1 = arith.constant 0 : i32
    return %c0_i32, %c0_i32_0 : i32, i32
  }
  func.func @transform_3(%arg0: i32) -> (i32, i32, i32) {
    %c0_i32 = arith.constant 0 : i32
    %c0_i32_0 = arith.constant 0 : i32
    %c0_i32_1 = arith.constant 0 : i32
    return %arg0, %c0_i32, %c0_i32_0 : i32, i32, i32
  }
  func.func @transform_4(%arg0: i32) -> (i32, i32) {
    %c0_i32 = arith.constant 0 : i32
    %c0_i32_0 = arith.constant 0 : i32
    %c0_i32_1 = arith.constant 0 : i32
    return %c0_i32, %c0_i32_0 : i32, i32
  }
  func.func @transform_5(%arg0: i32) -> (i32, i32) {
    %c0_i32 = arith.constant 0 : i32
    %c0_i32_0 = arith.constant 0 : i32
    %c0_i32_1 = arith.constant 0 : i32
    return %c0_i32, %c0_i32_0 : i32, i32
  }
  func.func @transform_6(%arg0: i32) -> (i32, i32) {
    %c0_i32 = arith.constant 0 : i32
    %c0_i32_0 = arith.constant 0 : i32
    %c0_i32_1 = arith.constant 0 : i32
    return %c0_i32, %c0_i32_0 : i32, i32
  }
}

</mosaic_0001>

<sc_bundles>
// kernel: kernel.10.cloned.1.call-start
scs
__scs_entry_jumppad:
0x0: {  	(pc) =	sbr.rel $0x88, $3  }
0x1: {  	(tag) =	ssettag $0x0;
	lr =	simm.s32 $0x1  }
0x2: {  	[smem:$0x3F96] =	sst lr;
	_ =	strace $0xD0000000  }
0x3: {  	_ = 	snop  }
0x4: {  	_ = 	snop  }
0x5: {  	_ = 	snop  }
0x6: {  	_ = 	snop  }
0x7: {  	_ = 	snop  }
__scs_overlays_trampoline_lowered:
0x8: {  	[smem:$0x3FA5] =	sst s0  }
0x9: {  	[smem:$0x3FA6] =	sst s1  }
0xa: {  	[smem:$0x3FA7] =	sst s2  }
0xb: {  	[smem:$0x3FA8] =	sst s3  }
0xc: {  	[smem:$0x3FA9] =	sst s4  }
0xd: {  	[smem:$0x3FAA] =	sst s5  }
0xe: {  	[smem:$0x3FAB] =	sst s6  }
0xf: {  	[smem:$0x3FAC] =	sst s7  }
0x10: {  	[smem:$0x3FAD] =	sst s8  }
0x11: {  	[smem:$0x3FAE] =	sst s9;
	s0 =	simm.s32 @!p0 $0x0  }
0x12: {  	s1 =	sld [smem:$0x3F94];
	s0 =	simm.s32 @p0 $0x1  }
0x13: {  	[smem:$0x3FAF] =	sst s0;
	s0 =	simm.s32 @!p1 $0x0  }
0x14: {  	s2 =	sld [smem:$0x3F93];
	s0 =	simm.s32 @p1 $0x1  }
0x15: {  	[smem:$0x3FB0] =	sst s0;
	s0 =	simm.s32 @!p2 $0x0  }
0x16: {  	s3 =	sld [smem:$0x3FDB];
	s0 =	simm.s32 @p2 $0x1  }
0x17: {  	s4 =	simm.s32 $0x1BF5;
	[smem:$0x3FB2] =	sst s0  }
0x18: {  	s0 =	sld [smem:$0x3F95];
	_ =	swait.ge [sflag:s4], $0x0  }
0x19: {  	s7 =	sld [smem:$0x3F96]  }
0x1a: {  	s8 =	sadd.s32 $0xFFFFE003, lr  }
0x1b: {  	s9 =	sadd.s32 $0xFFFFFEF7, lr;
	s5 =	simm.s32 $0xFFFFFFFF;
	p2 =	slt.u32 s8, $0xFFFFF086  }
0x1c: {  	p1 =	slt.u32 s9, $0xF7A;
	s5 =	simm.s32 @!p2 $0x0  }
0x1d: {  	s5 =	simm.s32 @p1 $0x1;
	p0 =	seq.s32 s7, s2  }
0x1e: {  	s7 =	smul.u32 @!p0 $0xF7A, s2;
	p2 =	seq.s32 @!p0 s5, $0x0  }
0x1f: {  	s9 =	smul.u32 $0xF7A, s1;
	s8 =	simm.s32 @!p0 $0x1BF5;
	p2 =	por !p2, p0  }
0x20: {  	[sflag:s8] =	ssyncset.s32 @!p0 $0xFFFFF086;
	s6 =	sadd.s32 @!p0 s3, s7;
	s7 =	simm.s32 @!p0 $0x108  }
0x21: {  	s3 =	sadd.s32 s3, s9;
	s6 =	sadd.s32 @!p0 $0x88, s6;
	s7 =	simm.s32 @p2 $0x1082  }
0x22: {  	[simem:s7], [sflag:s8] =	dma.local @!p0 [hbm:s6], $0xF7A  }
0x23: {  	s9 =	sor.u32 $0xD0000000, s2;
	s6 =	simm.s32 $0x108;
	_ =	swait.ge @!p0 [sflag:s8], $0x0  }
0x24: {  	s3 =	sadd.s32 $0x88, s3;
	s6 =	simm.s32 @!p1 $0x1082;
	[sflag:s4] =	ssyncset.s32 $0xFFFFF086  }
0x25: {  	[simem:s6], [sflag:s4] =	dma.local [hbm:s3], $0xF7A  }
0x26: {  	[smem:$0x3F96] =	sst s1;
	(tag) =	ssettag s2;
	_ =	strace s9  }
0x27: {  	s1 =	sld [smem:$0x3FA6]  }
0x28: {  	s2 =	sld [smem:$0x3FA7]  }
0x29: {  	s4 =	sld [smem:$0x3FA9]  }
0x2a: {  	p0 =	seq.s32 s5, $0x0;
	s5 =	sld [smem:$0x3FAA]  }
0x2b: {  	s6 =	sld [smem:$0x3FAB]  }
0x2c: {  	s7 =	sld [smem:$0x3FAC]  }
0x2d: {  	s3 =	simm.s32 $0x108;
	s8 =	sld [smem:$0x3FAD]  }
0x2e: {  	s3 =	simm.s32 @!p0 $0x1082;
	s9 =	sld [smem:$0x3FAE]  }
0x2f: {  	lr =	sadd.s32 s0, s3;
	s0 =	sld [smem:$0x3FA5]  }
0x30: {  	s3 =	sld [smem:$0x3FA8]  }
0x31: {  	[smem:$0x3FB1] =	sst s10  }
0x32: {  	s10 =	sld [smem:$0x3FAF];
	_ =	sdelay $0x3  }
0x33: {  	p0 =	seq.s32 s10, $0x1;
	s10 =	sld [smem:$0x3FB1];
	_ =	sdelay $0x3  }
0x34: {  	[smem:$0x3FB1] =	sst s10  }
0x35: {  	s10 =	sld [smem:$0x3FB0];
	_ =	sdelay $0x3  }
0x36: {  	p1 =	seq.s32 s10, $0x1;
	s10 =	sld [smem:$0x3FB1];
	_ =	sdelay $0x3  }
0x37: {  	[smem:$0x3FB1] =	sst s10  }
0x38: {  	s10 =	sld [smem:$0x3FB2]  }
0x39: {  	_ = 	snop;
	(pc) =	sbr.ind lr, $3  }
0x3a: {  	_ = 	snop  }
0x3b: {  	_ = 	snop  }
0x3c: {  	p2 =	seq.s32 s10, $0x1;
	s10 =	sld [smem:$0x3FB1]  }
0x3d: {  	_ =	shalt  }
0x3e: {  	_ =	shalt  }
0x3f: {  	_ =	shalt  }
0x40: {  	_ =	shalt  }
0x41: {  	_ =	shalt  }
0x42: {  	_ =	shalt  }
0x43: {  	_ =	shalt  }
0x44: {  	_ =	shalt  }
0x45: {  	_ =	shalt  }
0x46: {  	_ =	shalt  }
0x47: {  	_ =	shalt  }
0x48: {  	_ =	shalt  }
0x49: {  	_ =	shalt  }
0x4a: {  	_ =	shalt  }
0x4b: {  	_ =	shalt  }
0x4c: {  	_ =	shalt  }
0x4d: {  	_ =	shalt  }
0x4e: {  	_ =	shalt  }
0x4f: {  	_ =	shalt  }
0x50: {  	_ =	shalt  }
0x51: {  	_ =	shalt  }
0x52: {  	_ =	shalt  }
0x53: {  	_ =	shalt  }
0x54: {  	_ =	shalt  }
0x55: {  	_ =	shalt  }
0x56: {  	_ =	shalt  }
0x57: {  	_ =	shalt  }
0x58: {  	_ =	shalt  }
0x59: {  	_ =	shalt  }
0x5a: {  	_ =	shalt  }
0x5b: {  	_ =	shalt  }
0x5c: {  	_ =	shalt  }
0x5d: {  	_ =	shalt  }
0x5e: {  	_ =	shalt  }
0x5f: {  	_ =	shalt  }
0x60: {  	_ =	shalt  }
0x61: {  	_ =	shalt  }
0x62: {  	_ =	shalt  }
0x63: {  	_ =	shalt  }
0x64: {  	_ =	shalt  }
0x65: {  	_ =	shalt  }
0x66: {  	_ =	shalt  }
0x67: {  	_ =	shalt  }
0x68: {  	_ =	shalt  }
0x69: {  	_ =	shalt  }
0x6a: {  	_ =	shalt  }
0x6b: {  	_ =	shalt  }
0x6c: {  	_ =	shalt  }
0x6d: {  	_ =	shalt  }
0x6e: {  	_ =	shalt  }
0x6f: {  	_ =	shalt  }
0x70: {  	_ =	shalt  }
0x71: {  	_ =	shalt  }
0x72: {  	_ =	shalt  }
0x73: {  	_ =	shalt  }
0x74: {  	_ =	shalt  }
0x75: {  	_ =	shalt  }
0x76: {  	_ =	shalt  }
0x77: {  	_ =	shalt  }
0x78: {  	_ =	shalt  }
0x79: {  	_ =	shalt  }
0x7a: {  	_ =	shalt  }
0x7b: {  	_ =	shalt  }
0x7c: {  	_ =	shalt  }
0x7d: {  	_ =	shalt  }
0x7e: {  	_ =	shalt  }
0x7f: {  	_ =	shalt  }
0x80: {  	_ =	shalt  }
0x81: {  	_ =	shalt  }
0x82: {  	_ =	shalt  }
0x83: {  	_ =	shalt  }
0x84: {  	_ =	shalt  }
0x85: {  	_ =	shalt  }
0x86: {  	_ =	shalt  }
0x87: {  	_ =	shalt  }
.Lfunc_end0:
.L_simem_size_0:
called_computation_lowered:
.L_overlay_start_0:
0x88: {  	s2 =	sld [smem:$0x3FD9]  }
0x89: {  	s3 =	sld [smem:$0x3FFE];
	_ =	sdelay $0x1  }
0x8a: {  	s1 =	srdreg.scid  }
0x8b: {  	s0 =	sand.u32 $0x1, s1  }
0x8c: {  	s16 =	sshll.u32 s0, $0xA;
	s2 =	sadd.s32 s3, s2  }
0x8d: {  	s2 =	sadd.s32 s2, s16  }
0x8e: {  	[smem:$0x3FBD] =	sst s2  }
0x8f: {  	_ = 	snop  }
0x90: {  	(tm) =	ssettm $0x1  }
0x91: {  	s17 =	sld [smem:$0x3FFB];
	_ =	sdelay $0x3  }
0x92: {  	_ =	strace s17  }
0x93: {  	s2 =	sld [smem:$0x3FFC];
	_ =	sdelay $0x3  }
0x94: {  	_ =	strace s2  }
0x95: {  	s2 =	sld [smem:$0x3FFD];
	_ =	sdelay $0x3  }
0x96: {  	_ =	strace s2  }
0x97: {  	_ =	strace $0x8FFFFFFF  }
0x98: {  	s18 =	sld [smem:$0x3FDB];
	_ =	sdelay $0x1  }
0x99: {  	s19 =	simm.s32 $_scs_section_size  }
0x9a: {  	s4 =	simm.s32 $_size__tile_overlayer_lowered;
	s5 =	simm.s32 $_tile_overlayer_lowered  }
0x9b: {  	s22 =	simm.s32 $0x1BFF;
	s21 =	sshll.u32 s5, $0x1;
	s2 =	sadd.s32 s19, s18  }
0x9c: {  	s6 =	simm.s32 $0x0;
	s20 =	sshll.u32 s4, $0x1;
	s4 =	sadd.s32 s21, s2  }
0x9d: {  	[timem:s6], [sflag:s22] =	dma.local [hbm:s4], s20  }
0x9e: {  	_ =	swait.ge [sflag:s22], s20  }
0x9f: {  	s3 =	ssub.s32 $0x0, s20;
	[sflag:s22] =	ssyncset.done $0x0  }
0xa0: {  	[sflag:s22] =	ssyncadd.s32 s3;
	_ =	sdelay $0x1  }
0xa1: {  	s23 =	simm.s32 $0x1B8B  }
0xa2: {  	_ =	swait.ge [sflag:s23], $0x1  }
0xa3: {  	[sflag:s23] =	ssyncset.done $0x0  }
0xa4: {  	s25 =	simm.s32 $0x1B8E;
	s24 =	sld [smem:$0x3FFE];
	[sflag:s23] =	ssyncadd.s32 $0xFFFFFFFF  }
0xa5: {  	s26 =	simm.s32 $execute0_lowered;
	[smem:$0x3FD2] =	sst s25  }
0xa6: {  	s4 =	sshll.u32 s26, $0x1;
	_ =	strace $0x80000046;
	[dreg:$0x1] =	wrdreg $0xFFFFFFFF  }
0xa7: {  	s28 =	simm.s32 $_size_execute0_lowered;
	s2 =	sadd.s32 s2, s4;
	[dreg:$0x0] =	wrdreg $0x0  }
0xa8: {  	s4 =	sshll.u32 s28, $0x1;
	[dreg:$0x2] =	wrdreg s2  }
0xa9: {  	[dreg:$0x3] =	wrdreg s4  }
0xaa: {  	[dreg:$0x4] =	wrdreg $0xC0  }
0xab: {  	_ =	task [dreg:s6], $0x5FFFF  }
0xac: {  	[dreg:$0x1] =	wrdreg $0xFFFFFFFF  }
0xad: {  	[dreg:$0x0] =	wrdreg $0x60  }
0xae: {  	[dreg:$0x2] =	wrdreg s24  }
0xaf: {  	[dreg:$0x3] =	wrdreg $0x77800  }
0xb0: {  	[dreg:$0x4] =	wrdreg $0x9  }
0xb1: {  	_ =	task.clear_ibuf [dreg:s6], $0x5FFFF;
	_ =	strace $0x90000046  }
0xb2: {  	s29 =	simm.s32 $0x9;
	_ =	strace $0x80000048  }
0xb3: {  	_ =	swait.ge [sflag:s29], $0x1  }
0xb4: {  	[sflag:s29] =	ssyncadd.s32 $0xFFFFFFFF  }
0xb5: {  	_ =	strace $0x90000048  }
0xb6: {  	_ =	sfence  }
0xb7: {  	s30 =	sld [smem:$0x0];
	_ =	sdelay $0x2  }
0xb8: {  	s31 =	sshll.u32 s1, $0xD;
	s1 =	sshrl.u32 s1, $0x2  }
0xb9: {  	s3 =	sand.u32 $0x4000, s31;
	s1 =	sadd.s32 s1, s30  }
0xba: {  	s0 =	sor.u32 s3, s0;
	s1 =	sshll.u32 s1, $0x11  }
0xbb: {  	s0 =	sor.u32 s1, s0  }
0xbc: {  	s0 =	sadd.s32 $0x8F2B, s0  }
0xbd: {  	[sflag:s0] =	ssyncadd.remote.s32 $0x1  }
0xbe: {  	_ =	sfence.sel $0xFFFF  }
0xbf: {  	[dreg:$0x0] =	wrdreg $0xFFFFFFFF;
	(pc) =	sbr.abs _section_cstart, $3  }
0xc0: {  	[dreg:$0x1] =	wrdreg $0xFFFFFFFF  }
0xc1: {  	_ =	task.clear_ibuf [dreg:s6], $0x2FFFF;
	_ =	strace $0x9FFFFFFF  }
0xc2: {  	(tm) =	ssettm $0x7FFFFFFF  }
0xc3: {  	_ =	shalt  }
tec
execute0_lowered:
.L_overlay_start_1:
0x0: {  	(tag) =	ssettag $0x1  }
0x1: {  	s0 =	srdreg.scid;
	s4 =	rddreg [dreg:$0x0]  }
0x2: {  	s5 =	rddreg [dreg:$0x1];
	s12 =	simm.s32 $0x1400;
	s13 =	simm.s32 $0x14000  }
0x3: {  	s14 =	simm.s32 $0x4F80;
	s15 =	simm.s32 $0x100;
	s3 =	sand.u32 $0x1, s0  }
0x4: {  	s16 =	simm.s32 $0x0;
	s0 =	stileid.u32;
	s1 =	sshll.u32 s3, $0x4  }
0x5: {  	s7 =	sshll.u32 s0, $0x7;
	s8 =	smul.u32 $0x500, s0;
	s9 =	sshll.u32 s3, $0x7  }
0x6: {  	s10 =	sshrl.u32 s0, $0x3;
	s3 =	ssub.s32 $0x2, s3;
	s11 =	smul.u32 $0x5000, s0  }
0x7: {  	s2 =	sor.u32 s0, s1;
	s1 =	rddreg [dreg:$0x2];
	s7 =	sand.u32 $0x380, s7  }
0x8: {  	s28 =	smul.u32 $0x50000, s10;
	s29 =	sshrl.u32 s3, $0x1;
	s6 =	sshrl.u32 s2, $0x3  }
0x9: {  	s2 =	simm.s32 $0x0;
	s8 =	sor.u32 s9, s8;
	s6 =	smul.u32 $0x13C00, s6  }
0xa: {  	s10 =	ssub.s32 s3, s29;
	s31 =	sshrl.u32 s11, $0x2;
	s11 =	simm.s32 $0x2780  }
0xb: {  	[smem:$0x7FF] =	sst s2;
	s8 =	sshrl.u32 s8, $0x3;
	s6 =	sor.u32 s7, s6  }
0xc: {  	s9 =	sshrl.u32 s28, $0x2;
	_ =	strace $0x80000047;
	s6 =	sadd.s32 $0x4F000, s6  }
0xd: {  	s8 =	sadd.s32 s8, s4;
	s30 =	sadd.s32 s9, s5;
	s6 =	sshrl.u32 s6, $0x3  }
0xe: {  	s5 =	sadd.s32 s31, s5;
	s9 =	simm.s32 $0x400;
	s6 =	sadd.s32 s6, s4  }
0xf: {  	s4 =	sadd.s32 s7, s30;
	s7 =	smax.u32 s10, $0x1;
	s10 =	simm.s32 $0x1  }
0x10: {  	v0 =	vimm.f32 $0.0e+00;
	v1 =	vimm.f32 $1.000000000e+00;
	s3 =	sadd.s32 $0x3A00, s6;
	s6 =	sadd.s32 $0x17600, s8;
	s8 =	simm.s32 $0x80  }
.LBB2_1:
0x11: {  	[tilespmem:s2], [sflag:$0x1] =	stream.strided.gather [hbm4b:s3+s8], $0x2780, s9, s8, $0x38;
	[tilespmem:$0x9F80] =	vst v63  }
0x12: {  	_ =	swait.ge [sflag:s10], $0x2780  }
0x13: {  	[sflag:s10] =	ssyncset.done $0x0  }
0x14: {  	s17 =	simm.s32 $0x0;
	[sflag:s10] =	ssyncadd.s32 $0xFFFFD880  }
.LBB2_2:
0x15: {  	p0 =	sne.s32 s17, $0x9FC0  }
.Ltmp0:
0x16: {  	_ = 	snop;
	(pc) =	sbr.rel @p0 .LBB2_2-.Ltmp0, $3  }
0x17: {  	_ =	sdelay $0x1  }
0x18: {  	s18 =	sshra.s32 s17, $0x2  }
0x19: {  	s17 =	sadd.s32 $0x40, s17;
	[tilespmem:s18+$0x2780] =	vst v0  }
0x1a: {  	s18 =	simm.s32 $0x0;
	s17 =	simm.s32 $0x40  }
.LBB2_4:
0x1b: {  	p0 =	sne.s32 s17, $0x9C00;
	v2 =	vld [tilespmem:s18+$0x0];
	_ =	sdelay $0x3  }
.Ltmp1:
0x1c: {  	(pc) =	sbr.rel @p0 .LBB2_4-.Ltmp1, $2  }
0x1d: {  	_ =	sdelay $0x2  }
0x1e: {  	s18 =	sshra.s32 s17, $0x2;
	s17 =	sadd.s32 $0x40, s17;
	[tilespmem:v2+s11+$0x0] =	vst.idx.add.f32.msk $0xffff, v1  }
0x1f: {  	v2 =	vld [tilespmem:s18+$0x0];
	_ =	sdelay $0x7  }
0x20: {  	s17 =	simm.s32 $0x2780;
	[tilespmem:v2+s11+$0x0] =	vst.idx.add.f32.msk $0xffff, v1  }
0x21: {  	[spmem:s4] =	stream.strided.scatter [tilespmem:s17], [sflag:$0x1], $0x2800, s9, s8, $0x38;
	[tilespmem:$0x9F80] =	vst v63  }
0x22: {  	_ =	swait.ge [sflag:s10], $0x2800  }
0x23: {  	[sflag:s10] =	ssyncset.done $0x0  }
0x24: {  	[sflag:s10] =	ssyncadd.s32 $0xFFFFD800  }
0x25: {  	[bflag:$0x0] =	sbarrier.arrive $0xFFFF  }
0x26: {  	[tilespmem:s14], [sflag:$0x1] =	stream.strided.gather [spmem:s5], $0x2800, s13, s12, $0x38;
	[tilespmem:$0x9F80] =	vst v63  }
0x27: {  	s30 =	simm.s32 $0x0;
	_ =	swait.ge [sflag:s10], $0x2800  }
0x28: {  	s19 =	sand.u32 $0x70, s30;
	s18 =	sand.u32 $0x1C00, s30;
	[sflag:s10] =	ssyncset.done $0x0  }
0x29: {  	s18 =	sor.u32 s19, s18;
	[sflag:s10] =	ssyncadd.s32 $0xFFFFD800  }
0x2a: {  	v2 =	vld [tilespmem:s18+$0x5000]  }
0x2b: {  	v3 =	vld [tilespmem:s18+$0x4F80];
	_ =	sdelay $0x1  }
0x2c: {  	v4 =	vld [tilespmem:s18+$0x5080];
	_ =	sdelay $0x1  }
0x2d: {  	v5 =	vld [tilespmem:s18+$0x5100]  }
0x2e: {  	v2 =	vadd.f32 v2, v3  }
0x2f: {  	v3 =	vld [tilespmem:s18+$0x5180]  }
0x30: {  	v2 =	vadd.f32 v4, v2  }
0x31: {  	v56 =	vld [tilespmem:s18+$0x5200]  }
0x32: {  	v2 =	vadd.f32 v5, v2  }
0x33: {  	v57 =	vld [tilespmem:s18+$0x5280]  }
0x34: {  	v2 =	vadd.f32 v3, v2  }
0x35: {  	v3 =	vld [tilespmem:s18+$0x5300]  }
0x36: {  	v2 =	vadd.f32 v56, v2  }
0x37: {  	v58 =	vld [tilespmem:s18+$0x6380]  }
0x38: {  	v2 =	vadd.f32 v57, v2  }
0x39: {  	v59 =	vld [tilespmem:s18+$0x6400]  }
0x3a: {  	v2 =	vadd.f32 v3, v2  }
0x3b: {  	v3 =	vld [tilespmem:s18+$0x6480]  }
0x3c: {  	v2 =	vadd.f32 v58, v2  }
0x3d: {  	v60 =	vld [tilespmem:s18+$0x6500]  }
0x3e: {  	v2 =	vadd.f32 v59, v2  }
0x3f: {  	v61 =	vld [tilespmem:s18+$0x6580]  }
0x40: {  	v2 =	vadd.f32 v3, v2  }
0x41: {  	v3 =	vld [tilespmem:s18+$0x6600]  }
0x42: {  	v2 =	vadd.f32 v60, v2  }
0x43: {  	v62 =	vld [tilespmem:s18+$0x6680]  }
0x44: {  	v2 =	vadd.f32 v61, v2  }
0x45: {  	v63 =	vld [tilespmem:s18+$0x6700]  }
0x46: {  	v2 =	vadd.f32 v3, v2;
	_ =	sdelay $0x1  }
0x47: {  	v2 =	vadd.f32 v62, v2;
	_ =	sdelay $0x1  }
0x48: {  	s31 =	simm.s32 $0x10;
	s19 =	simm.s32 $0x80;
	v2 =	vadd.f32 v63, v2  }
0x49: {  	s20 =	sand.u32 $0x1C00, s19;
	s18 =	sand.u32 $0x70, s31  }
0x4a: {  	s18 =	sor.u32 s18, s20;
	s20 =	simm.s32 $0x20;
	[tilespmem:s17+$0x0] =	vst v2  }
.LBB2_6:
0x4b: {  	p0 =	sne.s32 s20, $0x270;
	v2 =	vld [tilespmem:s18+$0x5000]  }
0x4c: {  	v3 =	vld [tilespmem:s18+$0x4F80];
	_ =	sdelay $0x1  }
0x4d: {  	v4 =	vld [tilespmem:s18+$0x5080];
	_ =	sdelay $0x1  }
0x4e: {  	v5 =	vld [tilespmem:s18+$0x5100]  }
0x4f: {  	v2 =	vadd.f32 v2, v3  }
0x50: {  	v3 =	vld [tilespmem:s18+$0x5180]  }
0x51: {  	v2 =	vadd.f32 v4, v2  }
0x52: {  	v4 =	vld [tilespmem:s18+$0x5200]  }
0x53: {  	v2 =	vadd.f32 v5, v2  }
0x54: {  	v5 =	vld [tilespmem:s18+$0x5280]  }
0x55: {  	v2 =	vadd.f32 v3, v2  }
0x56: {  	v3 =	vld [tilespmem:s18+$0x5300]  }
0x57: {  	v2 =	vadd.f32 v4, v2  }
0x58: {  	v4 =	vld [tilespmem:s18+$0x6380]  }
0x59: {  	v2 =	vadd.f32 v5, v2  }
0x5a: {  	v5 =	vld [tilespmem:s18+$0x6400]  }
0x5b: {  	v2 =	vadd.f32 v3, v2  }
0x5c: {  	v3 =	vld [tilespmem:s18+$0x6480]  }
0x5d: {  	v2 =	vadd.f32 v4, v2  }
0x5e: {  	v4 =	vld [tilespmem:s18+$0x6500]  }
0x5f: {  	v2 =	vadd.f32 v5, v2  }
0x60: {  	v5 =	vld [tilespmem:s18+$0x6580]  }
0x61: {  	v2 =	vadd.f32 v3, v2  }
0x62: {  	v3 =	vld [tilespmem:s18+$0x6600]  }
0x63: {  	v2 =	vadd.f32 v4, v2  }
0x64: {  	v4 =	vld [tilespmem:s18+$0x6680]  }
0x65: {  	v2 =	vadd.f32 v5, v2  }
0x66: {  	v5 =	vld [tilespmem:s18+$0x6700]  }
0x67: {  	v2 =	vadd.f32 v3, v2;
	_ =	sdelay $0x1  }
.Ltmp2:
0x68: {  	v2 =	vadd.f32 v4, v2;
	(pc) =	sbr.rel @p0 .LBB2_6-.Ltmp2, $4  }
0x69: {  	_ = 	snop  }
0x6a: {  	s19 =	sadd.s32 $0x80, s19;
	v2 =	vadd.f32 v5, v2  }
0x6b: {  	s17 =	sadd.s32 $0x10, s17;
	s21 =	sand.u32 $0x1C00, s19;
	s18 =	sand.u32 $0x70, s20  }
0x6c: {  	s20 =	sadd.s32 $0x10, s20;
	s18 =	sor.u32 s18, s21;
	[tilespmem:s17+$0x0] =	vst v2  }
0x6d: {  	v2 =	vld [tilespmem:s18+$0x5000]  }
0x6e: {  	v3 =	vld [tilespmem:s18+$0x4F80];
	_ =	sdelay $0x1  }
0x6f: {  	v4 =	vld [tilespmem:s18+$0x5080];
	_ =	sdelay $0x1  }
0x70: {  	v5 =	vld [tilespmem:s18+$0x5100]  }
0x71: {  	v2 =	vadd.f32 v2, v3  }
0x72: {  	v3 =	vld [tilespmem:s18+$0x5180]  }
0x73: {  	v2 =	vadd.f32 v4, v2  }
0x74: {  	v56 =	vld [tilespmem:s18+$0x5200]  }
0x75: {  	v2 =	vadd.f32 v5, v2  }
0x76: {  	v57 =	vld [tilespmem:s18+$0x5280]  }
0x77: {  	v2 =	vadd.f32 v3, v2  }
0x78: {  	v3 =	vld [tilespmem:s18+$0x5300]  }
0x79: {  	v2 =	vadd.f32 v56, v2  }
0x7a: {  	v58 =	vld [tilespmem:s18+$0x6380]  }
0x7b: {  	v2 =	vadd.f32 v57, v2  }
0x7c: {  	v59 =	vld [tilespmem:s18+$0x6400]  }
0x7d: {  	v2 =	vadd.f32 v3, v2  }
0x7e: {  	v3 =	vld [tilespmem:s18+$0x6480]  }
0x7f: {  	v2 =	vadd.f32 v58, v2  }
0x80: {  	v60 =	vld [tilespmem:s18+$0x6500]  }
0x81: {  	v2 =	vadd.f32 v59, v2  }
0x82: {  	v61 =	vld [tilespmem:s18+$0x6580]  }
0x83: {  	v2 =	vadd.f32 v3, v2  }
0x84: {  	v3 =	vld [tilespmem:s18+$0x6600]  }
0x85: {  	v2 =	vadd.f32 v60, v2  }
0x86: {  	v62 =	vld [tilespmem:s18+$0x6680]  }
0x87: {  	v2 =	vadd.f32 v61, v2  }
0x88: {  	v63 =	vld [tilespmem:s18+$0x6700]  }
0x89: {  	v2 =	vadd.f32 v3, v2;
	_ =	sdelay $0x1  }
0x8a: {  	v2 =	vadd.f32 v62, v2;
	_ =	sdelay $0x1  }
0x8b: {  	s16 =	sadd.s32 $0x1, s16;
	v2 =	vadd.f32 v63, v2  }
0x8c: {  	s17 =	sadd.s32 $0x10, s17;
	p0 =	sne.s32 s16, s7  }
.Ltmp3:
0x8d: {  	[tilespmem:s17+$0x0] =	vst v2;
	(pc) =	sbr.rel @p0 .LBB2_1-.Ltmp3, $4  }
0x8e: {  	[hbm4b:s6+s8] =	stream.strided.scatter [tilespmem:s11], [sflag:$0x1], $0x280, s15, s8, $0x38;
	[tilespmem:$0x9F80] =	vst v63  }
0x8f: {  	_ =	swait.ge [sflag:s10], $0x280  }
0x90: {  	[sflag:s10] =	ssyncset.done $0x0  }
0x91: {  	[sflag:s10] =	ssyncadd.s32 $0xFFFFFD80  }
0x92: {  	_ =	sfence.sel $0x180000  }
0x93: {  	[bflag:$0x0] =	sbarrier.arrive $0xFFFF  }
0x94: {  	p0 =	sne.s32 s0, $0x0;
	_ =	strace $0x90000047  }
0x95: {  	s0 =	sadd.s32 @!p0 $0x100000, s1;
	[bflag:$0x2] =	sbarrier.arrive $0xFFFF  }
0x96: {  	[sflag:s0] =	ssyncadd.tile.s32 @!p0 $0x1;
	_ =	shalt  }
.Lfunc_end2:
_tile_overlayer_lowered:
.L_overlay_start_2:
0x97: {  	(tag) =	ssettag $0x2  }
0x98: {  	s0 =	rddreg [dreg:$0x0];
	s2 =	stileid.u32  }
0x99: {  	s1 =	rddreg [dreg:$0x1];
	p0 =	sne.s32 s2, $0x0  }
0x9a: {  	s3 =	rddreg [dreg:$0x2];
	[bflag:$0x3] =	sbarrier.arrive $0xFFFF;
	s2 =	simm.s32 @!p0 $0x1C01  }
0x9b: {  	[timem:s3], [sflag:s2] =	dma.local @!p0 [hbm:s0], s1  }
0x9c: {  	s0 =	simm.s32 @!p0 $0x1  }
0x9d: {  	_ =	swait.ge @!p0 [sflag:s0], s1  }
0x9e: {  	s1 =	ssub.s32 @!p0 $0x0, s1;
	[sflag:s0] =	ssyncset.done @!p0 $0x0  }
0x9f: {  	[sflag:s0] =	ssyncadd.s32 @!p0 s1  }
0xa0: {  	[bflag:$0x3] =	sbarrier.arrive $0xFFFF  }
0xa1: {  	_ =	shalt  }

// kernel: kernel.13.cloned.1.call-start
scs
__scs_entry_jumppad:
0x0: {  	(pc) =	sbr.rel $0x88, $3  }
0x1: {  	(tag) =	ssettag $0x0;
	lr =	simm.s32 $0x1  }
0x2: {  	[smem:$0x3F96] =	sst lr;
	_ =	strace $0xD0000000  }
0x3: {  	_ = 	snop  }
0x4: {  	_ = 	snop  }
0x5: {  	_ = 	snop  }
0x6: {  	_ = 	snop  }
0x7: {  	_ = 	snop  }
__scs_overlays_trampoline_lowered:
0x8: {  	[smem:$0x3FA5] =	sst s0  }
0x9: {  	[smem:$0x3FA6] =	sst s1  }
0xa: {  	[smem:$0x3FA7] =	sst s2  }
0xb: {  	[smem:$0x3FA8] =	sst s3  }
0xc: {  	[smem:$0x3FA9] =	sst s4  }
0xd: {  	[smem:$0x3FAA] =	sst s5  }
0xe: {  	[smem:$0x3FAB] =	sst s6  }
0xf: {  	[smem:$0x3FAC] =	sst s7  }
0x10: {  	[smem:$0x3FAD] =	sst s8  }
0x11: {  	[smem:$0x3FAE] =	sst s9;
	s0 =	simm.s32 @!p0 $0x0  }
0x12: {  	s1 =	sld [smem:$0x3F94];
	s0 =	simm.s32 @p0 $0x1  }
0x13: {  	[smem:$0x3FAF] =	sst s0;
	s0 =	simm.s32 @!p1 $0x0  }
0x14: {  	s2 =	sld [smem:$0x3F93];
	s0 =	simm.s32 @p1 $0x1  }
0x15: {  	[smem:$0x3FB0] =	sst s0;
	s0 =	simm.s32 @!p2 $0x0  }
0x16: {  	s3 =	sld [smem:$0x3FDB];
	s0 =	simm.s32 @p2 $0x1  }
0x17: {  	s4 =	simm.s32 $0x1BF5;
	[smem:$0x3FB2] =	sst s0  }
0x18: {  	s0 =	sld [smem:$0x3F95];
	_ =	swait.ge [sflag:s4], $0x0  }
0x19: {  	s7 =	sld [smem:$0x3F96]  }
0x1a: {  	s8 =	sadd.s32 $0xFFFFE003, lr  }
0x1b: {  	s9 =	sadd.s32 $0xFFFFFEF7, lr;
	s5 =	simm.s32 $0xFFFFFFFF;
	p2 =	slt.u32 s8, $0xFFFFF086  }
0x1c: {  	p1 =	slt.u32 s9, $0xF7A;
	s5 =	simm.s32 @!p2 $0x0  }
0x1d: {  	s5 =	simm.s32 @p1 $0x1;
	p0 =	seq.s32 s7, s2  }
0x1e: {  	s7 =	smul.u32 @!p0 $0xF7A, s2;
	p2 =	seq.s32 @!p0 s5, $0x0  }
0x1f: {  	s9 =	smul.u32 $0xF7A, s1;
	s8 =	simm.s32 @!p0 $0x1BF5;
	p2 =	por !p2, p0  }
0x20: {  	[sflag:s8] =	ssyncset.s32 @!p0 $0xFFFFF086;
	s6 =	sadd.s32 @!p0 s3, s7;
	s7 =	simm.s32 @!p0 $0x108  }
0x21: {  	s3 =	sadd.s32 s3, s9;
	s6 =	sadd.s32 @!p0 $0x88, s6;
	s7 =	simm.s32 @p2 $0x1082  }
0x22: {  	[simem:s7], [sflag:s8] =	dma.local @!p0 [hbm:s6], $0xF7A  }
0x23: {  	s9 =	sor.u32 $0xD0000000, s2;
	s6 =	simm.s32 $0x108;
	_ =	swait.ge @!p0 [sflag:s8], $0x0  }
0x24: {  	s3 =	sadd.s32 $0x88, s3;
	s6 =	simm.s32 @!p1 $0x1082;
	[sflag:s4] =	ssyncset.s32 $0xFFFFF086  }
0x25: {  	[simem:s6], [sflag:s4] =	dma.local [hbm:s3], $0xF7A  }
0x26: {  	[smem:$0x3F96] =	sst s1;
	(tag) =	ssettag s2;
	_ =	strace s9  }
0x27: {  	s1 =	sld [smem:$0x3FA6]  }
0x28: {  	s2 =	sld [smem:$0x3FA7]  }
0x29: {  	s4 =	sld [smem:$0x3FA9]  }
0x2a: {  	p0 =	seq.s32 s5, $0x0;
	s5 =	sld [smem:$0x3FAA]  }
0x2b: {  	s6 =	sld [smem:$0x3FAB]  }
0x2c: {  	s7 =	sld [smem:$0x3FAC]  }
0x2d: {  	s3 =	simm.s32 $0x108;
	s8 =	sld [smem:$0x3FAD]  }
0x2e: {  	s3 =	simm.s32 @!p0 $0x1082;
	s9 =	sld [smem:$0x3FAE]  }
0x2f: {  	lr =	sadd.s32 s0, s3;
	s0 =	sld [smem:$0x3FA5]  }
0x30: {  	s3 =	sld [smem:$0x3FA8]  }
0x31: {  	[smem:$0x3FB1] =	sst s10  }
0x32: {  	s10 =	sld [smem:$0x3FAF];
	_ =	sdelay $0x3  }
0x33: {  	p0 =	seq.s32 s10, $0x1;
	s10 =	sld [smem:$0x3FB1];
	_ =	sdelay $0x3  }
0x34: {  	[smem:$0x3FB1] =	sst s10  }
0x35: {  	s10 =	sld [smem:$0x3FB0];
	_ =	sdelay $0x3  }
0x36: {  	p1 =	seq.s32 s10, $0x1;
	s10 =	sld [smem:$0x3FB1];
	_ =	sdelay $0x3  }
0x37: {  	[smem:$0x3FB1] =	sst s10  }
0x38: {  	s10 =	sld [smem:$0x3FB2]  }
0x39: {  	_ = 	snop;
	(pc) =	sbr.ind lr, $3  }
0x3a: {  	_ = 	snop  }
0x3b: {  	_ = 	snop  }
0x3c: {  	p2 =	seq.s32 s10, $0x1;
	s10 =	sld [smem:$0x3FB1]  }
0x3d: {  	_ =	shalt  }
0x3e: {  	_ =	shalt  }
0x3f: {  	_ =	shalt  }
0x40: {  	_ =	shalt  }
0x41: {  	_ =	shalt  }
0x42: {  	_ =	shalt  }
0x43: {  	_ =	shalt  }
0x44: {  	_ =	shalt  }
0x45: {  	_ =	shalt  }
0x46: {  	_ =	shalt  }
0x47: {  	_ =	shalt  }
0x48: {  	_ =	shalt  }
0x49: {  	_ =	shalt  }
0x4a: {  	_ =	shalt  }
0x4b: {  	_ =	shalt  }
0x4c: {  	_ =	shalt  }
0x4d: {  	_ =	shalt  }
0x4e: {  	_ =	shalt  }
0x4f: {  	_ =	shalt  }
0x50: {  	_ =	shalt  }
0x51: {  	_ =	shalt  }
0x52: {  	_ =	shalt  }
0x53: {  	_ =	shalt  }
0x54: {  	_ =	shalt  }
0x55: {  	_ =	shalt  }
0x56: {  	_ =	shalt  }
0x57: {  	_ =	shalt  }
0x58: {  	_ =	shalt  }
0x59: {  	_ =	shalt  }
0x5a: {  	_ =	shalt  }
0x5b: {  	_ =	shalt  }
0x5c: {  	_ =	shalt  }
0x5d: {  	_ =	shalt  }
0x5e: {  	_ =	shalt  }
0x5f: {  	_ =	shalt  }
0x60: {  	_ =	shalt  }
0x61: {  	_ =	shalt  }
0x62: {  	_ =	shalt  }
0x63: {  	_ =	shalt  }
0x64: {  	_ =	shalt  }
0x65: {  	_ =	shalt  }
0x66: {  	_ =	shalt  }
0x67: {  	_ =	shalt  }
0x68: {  	_ =	shalt  }
0x69: {  	_ =	shalt  }
0x6a: {  	_ =	shalt  }
0x6b: {  	_ =	shalt  }
0x6c: {  	_ =	shalt  }
0x6d: {  	_ =	shalt  }
0x6e: {  	_ =	shalt  }
0x6f: {  	_ =	shalt  }
0x70: {  	_ =	shalt  }
0x71: {  	_ =	shalt  }
0x72: {  	_ =	shalt  }
0x73: {  	_ =	shalt  }
0x74: {  	_ =	shalt  }
0x75: {  	_ =	shalt  }
0x76: {  	_ =	shalt  }
0x77: {  	_ =	shalt  }
0x78: {  	_ =	shalt  }
0x79: {  	_ =	shalt  }
0x7a: {  	_ =	shalt  }
0x7b: {  	_ =	shalt  }
0x7c: {  	_ =	shalt  }
0x7d: {  	_ =	shalt  }
0x7e: {  	_ =	shalt  }
0x7f: {  	_ =	shalt  }
0x80: {  	_ =	shalt  }
0x81: {  	_ =	shalt  }
0x82: {  	_ =	shalt  }
0x83: {  	_ =	shalt  }
0x84: {  	_ =	shalt  }
0x85: {  	_ =	shalt  }
0x86: {  	_ =	shalt  }
0x87: {  	_ =	shalt  }
.Lfunc_end0:
.L_simem_size_0:
called_computation.1_lowered:
.L_overlay_start_0:
0x88: {  	s2 =	sld [smem:$0x3FD9]  }
0x89: {  	s3 =	sld [smem:$0x3FFE];
	_ =	sdelay $0x1  }
0x8a: {  	s1 =	srdreg.scid  }
0x8b: {  	s0 =	sand.u32 $0x1, s1  }
0x8c: {  	s16 =	sshll.u32 s0, $0xA;
	s2 =	sadd.s32 s3, s2  }
0x8d: {  	s2 =	sadd.s32 s2, s16  }
0x8e: {  	[smem:$0x3FBD] =	sst s2  }
0x8f: {  	_ = 	snop  }
0x90: {  	(tm) =	ssettm $0x1  }
0x91: {  	s17 =	sld [smem:$0x3FFB];
	_ =	sdelay $0x3  }
0x92: {  	_ =	strace s17  }
0x93: {  	s2 =	sld [smem:$0x3FFC];
	_ =	sdelay $0x3  }
0x94: {  	_ =	strace s2  }
0x95: {  	s2 =	sld [smem:$0x3FFD];
	_ =	sdelay $0x3  }
0x96: {  	_ =	strace s2  }
0x97: {  	_ =	strace $0x8FFFFFFF  }
0x98: {  	s18 =	sld [smem:$0x3FDB];
	_ =	sdelay $0x1  }
0x99: {  	s19 =	simm.s32 $_scs_section_size  }
0x9a: {  	s4 =	simm.s32 $_size__tile_overlayer_lowered;
	s5 =	simm.s32 $_tile_overlayer_lowered  }
0x9b: {  	s22 =	simm.s32 $0x1BFF;
	s21 =	sshll.u32 s5, $0x1;
	s2 =	sadd.s32 s19, s18  }
0x9c: {  	s6 =	simm.s32 $0x0;
	s20 =	sshll.u32 s4, $0x1;
	s4 =	sadd.s32 s21, s2  }
0x9d: {  	[timem:s6], [sflag:s22] =	dma.local [hbm:s4], s20  }
0x9e: {  	_ =	swait.ge [sflag:s22], s20  }
0x9f: {  	s3 =	ssub.s32 $0x0, s20;
	[sflag:s22] =	ssyncset.done $0x0  }
0xa0: {  	[sflag:s22] =	ssyncadd.s32 s3;
	_ =	sdelay $0x1  }
0xa1: {  	s23 =	simm.s32 $0x1B8B  }
0xa2: {  	_ =	swait.ge [sflag:s23], $0x1  }
0xa3: {  	[sflag:s23] =	ssyncset.done $0x0  }
0xa4: {  	s25 =	simm.s32 $0x1B8E;
	s24 =	sld [smem:$0x3FFE];
	[sflag:s23] =	ssyncadd.s32 $0xFFFFFFFF  }
0xa5: {  	s26 =	simm.s32 $execute0_lowered;
	[smem:$0x3FD2] =	sst s25  }
0xa6: {  	s4 =	sshll.u32 s26, $0x1;
	_ =	strace $0x80000049;
	[dreg:$0x1] =	wrdreg $0xFFFFFFFF  }
0xa7: {  	s28 =	simm.s32 $_size_execute0_lowered;
	s2 =	sadd.s32 s2, s4;
	[dreg:$0x0] =	wrdreg $0x0  }
0xa8: {  	s4 =	sshll.u32 s28, $0x1;
	[dreg:$0x2] =	wrdreg s2  }
0xa9: {  	[dreg:$0x3] =	wrdreg s4  }
0xaa: {  	[dreg:$0x4] =	wrdreg $0xC0  }
0xab: {  	_ =	task [dreg:s6], $0x5FFFF  }
0xac: {  	[dreg:$0x1] =	wrdreg $0xFFFFFFFF  }
0xad: {  	[dreg:$0x0] =	wrdreg $0x60  }
0xae: {  	[dreg:$0x2] =	wrdreg s24  }
0xaf: {  	[dreg:$0x3] =	wrdreg $0xBE200  }
0xb0: {  	[dreg:$0x4] =	wrdreg $0x9  }
0xb1: {  	_ =	task.clear_ibuf [dreg:s6], $0x5FFFF;
	_ =	strace $0x90000049  }
0xb2: {  	s29 =	simm.s32 $0x9;
	_ =	strace $0x8000004B  }
0xb3: {  	_ =	swait.ge [sflag:s29], $0x1  }
0xb4: {  	[sflag:s29] =	ssyncadd.s32 $0xFFFFFFFF  }
0xb5: {  	_ =	strace $0x9000004B  }
0xb6: {  	_ =	sfence  }
0xb7: {  	s30 =	sld [smem:$0x0];
	_ =	sdelay $0x2  }
0xb8: {  	s31 =	sshll.u32 s1, $0xD;
	s1 =	sshrl.u32 s1, $0x2  }
0xb9: {  	s3 =	sand.u32 $0x4000, s31;
	s1 =	sadd.s32 s1, s30  }
0xba: {  	s0 =	sor.u32 s3, s0;
	s1 =	sshll.u32 s1, $0x11  }
0xbb: {  	s0 =	sor.u32 s1, s0  }
0xbc: {  	s0 =	sadd.s32 $0x8F2B, s0  }
0xbd: {  	[sflag:s0] =	ssyncadd.remote.s32 $0x1  }
0xbe: {  	_ =	sfence.sel $0xFFFF  }
0xbf: {  	[dreg:$0x0] =	wrdreg $0xFFFFFFFF;
	(pc) =	sbr.abs _section_cstart, $3  }
0xc0: {  	[dreg:$0x1] =	wrdreg $0xFFFFFFFF  }
0xc1: {  	_ =	task.clear_ibuf [dreg:s6], $0x2FFFF;
	_ =	strace $0x9FFFFFFF  }
0xc2: {  	(tm) =	ssettm $0x7FFFFFFF  }
0xc3: {  	_ =	shalt  }
tec
execute0_lowered:
.L_overlay_start_1:
0x0: {  	(tag) =	ssettag $0x1  }
0x1: {  	s0 =	rddreg [dreg:$0x0]  }
0x2: {  	s1 =	rddreg [dreg:$0x1];
	s2 =	srdreg.scid  }
0x3: {  	s3 =	simm.s32 $0x0;
	s17 =	stileid.u32;
	s16 =	simm.s32 $0x3  }
0x4: {  	s22 =	simm.s32 $0x68;
	s23 =	simm.s32 $0x4E20;
	s30 =	simm.s32 $0x4DA8  }
0x5: {  	s31 =	simm.s32 $0x10;
	s2 =	sand.u32 $0x1, s2;
	[smem:$0x7FF] =	sst s3  }
0x6: {  	s8 =	smul.u32 $0x14000, s17;
	s14 =	sadd.s32 $0x79E00, s0;
	p0 =	seq.s32 s17, $0xF  }
0x7: {  	p3 =	sne.s32 s17, $0xF;
	s24 =	sadd.s32 $0x51200, s0;
	s11 =	sadd.s32 $0x78400, s0  }
0x8: {  	s28 =	sshll.u32 s17, $0x6;
	s4 =	sshll.u32 s2, $0x4;
	_ =	strace $0x8000004A  }
0x9: {  	s6 =	ssub.s32 $0x2, s2;
	p1 =	seq.s32 s2, $0x0;
	p6 =	seq.s32 s2, $0x1  }
0xa: {  	s2 =	smul.u32 $0x138800, s2;
	[dreg:$0x3] =	wrdreg s24;
	s24 =	simm.s32 $0x8220  }
0xb: {  	s4 =	sor.u32 s17, s4;
	s10 =	sshrl.u32 s8, $0x3;
	s7 =	sshrl.u32 s6, $0x1  }
0xc: {  	p2 =	por !p1, !p3;
	p4 =	por !p1, !p0;
	p3 =	por !p3, !p6  }
0xd: {  	s5 =	smul.u32 $0x2710, s4;
	s4 =	sadd.s32 $0x2BA00, s0;
	s12 =	sadd.s32 s10, s0  }
0xe: {  	s15 =	ssub.s32 s6, s7;
	p1 =	por !p2, !p2;
	p2 =	por !p4, !p4  }
0xf: {  	s7 =	sadd.s32 $0x12C000, s1;
	p3 =	por !p3, !p3;
	p4 =	por !p0, !p6  }
0x10: {  	s10 =	sadd.s32 s4, s10;
	s12 =	sadd.s32 $0x52C00, s12;
	s15 =	smax.u32 s15, $0x1  }
0x11: {  	p4 =	por !p4, !p4;
	s5 =	sshrl.u32 s5, $0x3;
	[dreg:$0x4] =	wrdreg s10  }
0x12: {  	p4 =	por !p4, p3;
	s10 =	simm.s32 $0x4E10;
	s9 =	sadd.s32 s5, s0  }
0x13: {  	s0 =	sor.u32 $0x1C03, s28;
	s20 =	sshrl.u32 @!p4 s7, $0x3;
	s5 =	sadd.s32 $0x18000, s9  }
0x14: {  	s6 =	sadd.s32 $0x21C40, s9;
	s9 =	sadd.s32 s8, s1;
	s8 =	sadd.s32 s8, s2  }
0x15: {  	s2 =	sshrl.u32 s2, $0x3;
	[dreg:$0x5] =	wrdreg s0;
	s0 =	sshll.u32 @p3 s17, $0x6  }
0x16: {  	s25 =	sshrl.u32 s8, $0x3;
	s26 =	sadd.s32 s14, s2;
	s29 =	sshrl.u32 s9, $0x3  }
0x17: {  	s21 =	sor.u32 @p3 $0x1C03, s0;
	s0 =	simm.s32 $0x2700;
	s8 =	simm.s32 $0xB620  }
0x18: {  	s2 =	simm.s32 $0x0;
	s13 =	sadd.s32 s14, s25;
	s14 =	sadd.s32 $0x25800, s26  }
0x19: {  	[dreg:$0x6] =	wrdreg s29;
	s25 =	simm.s32 $0x1;
	s26 =	simm.s32 $0x2  }
.LBB2_1:
0x1a: {  	[tilespmem:s3], [sflag:$0x3] =	stream.linear.gather [hbm4b:s5+s3], $0x2710, $0x38;
	[tilespmem:$0x1F6A0] =	vst v63  }
0x1b: {  	_ =	swait.ge [sflag:s16], $0x2710  }
0x1c: {  	[sflag:s16] =	ssyncset.done $0x0  }
.Ltmp0:
0x1d: {  	s17 =	simm.s32 $0x2710;
	[sflag:s16] =	ssyncadd.s32 $0xFFFFD8F0;
	(pc) =	sbr.rel @!p1 .LBB2_4-.Ltmp0, $4  }
0x1e: {  	[tilespmem:s17], [sflag:$0x3] =	stream.linear.gather [hbm4b:s6+s3], $0x2710, $0x38;
	[tilespmem:$0x1F6A0] =	vst v63  }
0x1f: {  	_ =	swait.ge [sflag:s16], $0x2710  }
0x20: {  	[sflag:s16] =	ssyncset.done $0x0  }
0x21: {  	[sflag:s16] =	ssyncadd.s32 $0xFFFFD8F0  }
0x22: {  	s17 =	rddreg [dreg:$0x4]  }
0x23: {  	s18 =	rddreg [dreg:$0x5]  }
.Ltmp1:
0x24: {  	s19 =	rddreg [dreg:$0x6];
	(pc) =	sbr.rel .LBB2_3-.Ltmp1, $4  }
0x25: {  	[spmem:s19], [sflag:s18] =	dma.local [hbm:s17], $0x2800  }
0x26: {  	_ =	swait.ge [sflag:s16], $0x2800  }
0x27: {  	[sflag:s16] =	ssyncset.done $0x0  }
0x28: {  	[sflag:s16] =	ssyncadd.s32 $0xFFFFD800  }
.LBB2_4:
.Ltmp2:
0x29: {  	(pc) =	sbr.rel @!p2 .LBB2_3-.Ltmp2, $1  }
0x2a: {  	_ =	sdelay $0x3  }
0x2b: {  	s17 =	sshrl.u32 s7, $0x3  }
.Ltmp3:
0x2c: {  	s18 =	rddreg [dreg:$0x3];
	s19 =	simm.s32 $0x1FC3;
	(pc) =	sbr.rel .LBB2_6-.Ltmp3, $4  }
0x2d: {  	[spmem:s17], [sflag:s19] =	dma.local [hbm:s18], $0x1900  }
0x2e: {  	_ =	swait.ge [sflag:s16], $0x1900  }
0x2f: {  	[sflag:s16] =	ssyncset.done $0x0  }
0x30: {  	[sflag:s16] =	ssyncadd.s32 $0xFFFFE700  }
.LBB2_3:
0x31: {  	s17 =	simm.s32 @!p4 $0x1FC3  }
0x32: {  	[spmem:s20], [sflag:s17] =	dma.local @!p4 [hbm:s11], $0x1900  }
0x33: {  	s17 =	simm.s32 @!p4 $0x3  }
0x34: {  	_ =	swait.ge @!p4 [sflag:s17], $0x1900  }
0x35: {  	[sflag:s17] =	ssyncset.done @!p4 $0x0  }
0x36: {  	[sflag:s17] =	ssyncadd.s32 @!p4 $0xFFFFE700;
	s17 =	sshrl.u32 @p3 s9, $0x3  }
0x37: {  	[spmem:s17], [sflag:s21] =	dma.local @p3 [hbm:s12], $0x2800  }
0x38: {  	s17 =	simm.s32 @p3 $0x3  }
0x39: {  	_ =	swait.ge @p3 [sflag:s17], $0x2800  }
0x3a: {  	[sflag:s17] =	ssyncset.done @p3 $0x0  }
0x3b: {  	[sflag:s17] =	ssyncadd.s32 @p3 $0xFFFFD800  }
.LBB2_6:
0x3c: {  	[bflag:$0x0] =	sbarrier.arrive $0xFFFF;
	s17 =	simm.s32 $0x0  }
0x3d: {  	[tilespmem:s23], [sflag:$0x1] =	stream.indirect.gather [hbm4b:s4+s22], $0x80, s17, s22, $0xb8;
	[tilespmem:$0x1F6A0] =	vst v63  }
0x3e: {  	s18 =	simm.s32 $0x68  }
0x3f: {  	[tilespmem:s24], [sflag:$0x2] =	stream.indirect.gather [hbm4b:s4+s22], $0x80, s18, s22, $0xb8;
	[tilespmem:$0x1F6A0] =	vst v63  }
0x40: {  	_ =	swait.ge [sflag:s25], $0x3400  }
0x41: {  	[sflag:s25] =	ssyncset.done $0x0  }
0x42: {  	s19 =	simm.s32 $0x2710;
	[sflag:s25] =	ssyncadd.s32 $0xFFFFCC00  }
0x43: {  	[spmem:s1] =	stream.indirect.scatter.add.f32 [tilespmem:s23], [sflag:$0x3], $0x80, s19, s22, $0xb8;
	[tilespmem:$0x1F6A0] =	vst v63  }
0x44: {  	_ =	swait.ge [sflag:s16], $0x3400  }
0x45: {  	[sflag:s16] =	ssyncset.done $0x0  }
0x46: {  	s28 =	simm.s32 $0xD0;
	[sflag:s16] =	ssyncadd.s32 $0xFFFFCC00  }
0x47: {  	[tilespmem:s23], [sflag:$0x1] =	stream.indirect.gather [hbm4b:s4+s22], $0x80, s28, s22, $0xb8;
	[tilespmem:$0x1F6A0] =	vst v63  }
0x48: {  	_ =	swait.ge [sflag:s26], $0x3400  }
0x49: {  	[sflag:s26] =	ssyncset.done $0x0  }
0x4a: {  	s29 =	simm.s32 $0x2778;
	[sflag:s26] =	ssyncadd.s32 $0xFFFFCC00  }
0x4b: {  	[spmem:s1] =	stream.indirect.scatter.add.f32 [tilespmem:s24], [sflag:$0x3], $0x80, s29, s22, $0xb8;
	[tilespmem:$0x1F6A0] =	vst v63  }
0x4c: {  	_ =	swait.ge [sflag:s16], $0x3400  }
0x4d: {  	s17 =	simm.s32 $0xD0;
	s18 =	simm.s32 $0x680;
	[sflag:s16] =	ssyncset.done $0x0  }
.LBB2_7:
0x4e: {  	s19 =	sadd.s32 $0x68, s17  }
0x4f: {  	[sflag:s16] =	ssyncadd.s32 $0xFFFFCC00;
	s28 =	smov.u32 s18;
	s29 =	sadd.s32 $0x340, s18  }
0x50: {  	[tilespmem:s24], [sflag:$0x2] =	stream.indirect.gather [hbm4b:s4+s22], $0x80, s19, s22, $0xb8;
	[tilespmem:$0x1F6A0] =	vst v63  }
0x51: {  	p5 =	sne.s32 s18, $0x9580;
	_ =	swait.ge [sflag:s25], $0x3400  }
0x52: {  	[sflag:s25] =	ssyncset.done $0x0  }
0x53: {  	s18 =	sadd.s32 $0x2710, s17;
	[sflag:s25] =	ssyncadd.s32 $0xFFFFCC00  }
0x54: {  	[spmem:s1] =	stream.indirect.scatter.add.f32 [tilespmem:s23], [sflag:$0x3], $0x80, s18, s22, $0xb8;
	[tilespmem:$0x1F6A0] =	vst v63  }
0x55: {  	_ =	swait.ge [sflag:s16], $0x3400  }
0x56: {  	[sflag:s16] =	ssyncset.done $0x0  }
0x57: {  	s18 =	sadd.s32 $0xD0, s17;
	[sflag:s16] =	ssyncadd.s32 $0xFFFFCC00  }
0x58: {  	[tilespmem:s23], [sflag:$0x1] =	stream.indirect.gather [hbm4b:s4+s22], $0x80, s18, s22, $0xb8;
	[tilespmem:$0x1F6A0] =	vst v63  }
0x59: {  	_ =	swait.ge [sflag:s26], $0x3400  }
.Ltmp4:
0x5a: {  	[sflag:s26] =	ssyncset.done $0x0;
	(pc) =	sbr.rel @p5 .LBB2_7-.Ltmp4, $4  }
0x5b: {  	s17 =	sadd.s32 $0x2778, s17;
	[sflag:s26] =	ssyncadd.s32 $0xFFFFCC00  }
0x5c: {  	[spmem:s1] =	stream.indirect.scatter.add.f32 [tilespmem:s24], [sflag:$0x3], $0x80, s17, s22, $0xb8;
	[tilespmem:$0x1F6A0] =	vst v63  }
0x5d: {  	_ =	swait.ge [sflag:s16], $0x3400  }
0x5e: {  	s18 =	smov.u32 s29;
	s17 =	sshra.s32 s28, $0x2;
	[sflag:s16] =	ssyncset.done $0x0  }
0x5f: {  	s18 =	sadd.s32 $0x68, s17;
	[sflag:s16] =	ssyncadd.s32 $0xFFFFCC00  }
0x60: {  	[tilespmem:s24], [sflag:$0x2] =	stream.indirect.gather [hbm4b:s4+s22], $0x80, s18, s22, $0xb8;
	[tilespmem:$0x1F6A0] =	vst v63  }
0x61: {  	_ =	swait.ge [sflag:s25], $0x3400  }
0x62: {  	[sflag:s25] =	ssyncset.done $0x0  }
0x63: {  	s28 =	sadd.s32 $0x2710, s17;
	[sflag:s25] =	ssyncadd.s32 $0xFFFFCC00  }
0x64: {  	[spmem:s1] =	stream.indirect.scatter.add.f32 [tilespmem:s23], [sflag:$0x3], $0x80, s28, s22, $0xb8;
	[tilespmem:$0x1F6A0] =	vst v63  }
0x65: {  	_ =	swait.ge [sflag:s16], $0x3400  }
0x66: {  	[sflag:s16] =	ssyncset.done $0x0  }
0x67: {  	s29 =	sadd.s32 $0xD0, s17;
	[sflag:s16] =	ssyncadd.s32 $0xFFFFCC00  }
0x68: {  	[tilespmem:s23], [sflag:$0x1] =	stream.indirect.gather [hbm4b:s4+s22], $0x80, s29, s22, $0xb8;
	[tilespmem:$0x1F6A0] =	vst v63  }
0x69: {  	_ =	swait.ge [sflag:s26], $0x3400  }
0x6a: {  	[sflag:s26] =	ssyncset.done $0x0  }
0x6b: {  	s19 =	sadd.s32 $0x2778, s17;
	[sflag:s26] =	ssyncadd.s32 $0xFFFFCC00  }
0x6c: {  	[spmem:s1] =	stream.indirect.scatter.add.f32 [tilespmem:s24], [sflag:$0x3], $0x80, s19, s22, $0xb8;
	[tilespmem:$0x1F6A0] =	vst v63  }
0x6d: {  	_ =	swait.ge [sflag:s16], $0x3400  }
0x6e: {  	[sflag:s16] =	ssyncset.done $0x0  }
0x6f: {  	s28 =	simm.s32 $0x2698;
	[sflag:s16] =	ssyncadd.s32 $0xFFFFCC00  }
0x70: {  	[tilespmem:s24], [sflag:$0x2] =	stream.indirect.gather [hbm4b:s4+s22], $0x80, s28, s22, $0xb8;
	[tilespmem:$0x1F6A0] =	vst v63  }
0x71: {  	_ =	swait.ge [sflag:s25], $0x3400  }
0x72: {  	[sflag:s25] =	ssyncset.done $0x0  }
0x73: {  	s29 =	simm.s32 $0x4D40;
	[sflag:s25] =	ssyncadd.s32 $0xFFFFCC00  }
0x74: {  	[spmem:s1] =	stream.indirect.scatter.add.f32 [tilespmem:s23], [sflag:$0x3], $0x80, s29, s22, $0xb8;
	[tilespmem:$0x1F6A0] =	vst v63  }
0x75: {  	_ =	swait.ge [sflag:s16], $0x3400  }
0x76: {  	[sflag:s16] =	ssyncset.done $0x0  }
0x77: {  	[sflag:s16] =	ssyncadd.s32 $0xFFFFCC00  }
0x78: {  	_ =	swait.ge [sflag:s26], $0x3400  }
0x79: {  	[sflag:s26] =	ssyncset.done $0x0  }
0x7a: {  	[sflag:s26] =	ssyncadd.s32 $0xFFFFCC00  }
0x7b: {  	[spmem:s1] =	stream.indirect.scatter.add.f32 [tilespmem:s24], [sflag:$0x3], $0x80, s30, s22, $0xb8;
	[tilespmem:$0x1F6A0] =	vst v63  }
0x7c: {  	_ =	swait.ge [sflag:s16], $0x3400  }
0x7d: {  	[sflag:s16] =	ssyncset.done $0x0  }
0x7e: {  	[sflag:s16] =	ssyncadd.s32 $0xFFFFCC00  }
0x7f: {  	[tilespmem:s8], [sflag:$0x3] =	stream.indirect.gather [hbm4b:s4+s31], $0x80, s0, s31, $0xb8;
	[tilespmem:$0x1F6A0] =	vst v63  }
0x80: {  	_ =	swait.ge [sflag:s16], $0x800  }
0x81: {  	[sflag:s16] =	ssyncset.done $0x0  }
0x82: {  	[sflag:s16] =	ssyncadd.s32 $0xFFFFF800  }
0x83: {  	[spmem:s1] =	stream.indirect.scatter.add.f32 [tilespmem:s8], [sflag:$0x3], $0x80, s10, s31, $0xb8;
	[tilespmem:$0x1F6A0] =	vst v63  }
0x84: {  	_ =	swait.ge [sflag:s16], $0x800  }
0x85: {  	[sflag:s16] =	ssyncset.done $0x0  }
0x86: {  	[sflag:s16] =	ssyncadd.s32 $0xFFFFF800  }
0x87: {  	s17 =	sshrl.u32 @p0 s7, $0x3;
	s18 =	simm.s32 @p0 $0x1FC3;
	[bflag:$0x0] =	sbarrier.arrive $0xFFFF  }
0x88: {  	[hbm:s14], [sflag:s18] =	dma.local @p0 [spmem:s17], $0x1900  }
0x89: {  	s17 =	simm.s32 @p0 $0x3  }
0x8a: {  	s2 =	sadd.s32 $0x1, s2;
	s18 =	stileid.u32;
	_ =	swait.ge @p0 [sflag:s17], $0x1900  }
0x8b: {  	p5 =	sne.s32 s2, s15;
	s18 =	sshll.u32 @!p0 s18, $0x6;
	[sflag:s17] =	ssyncset.done @p0 $0x0  }
0x8c: {  	[sflag:s17] =	ssyncadd.s32 @p0 $0xFFFFE700;
	s17 =	sor.u32 @!p0 $0x1C03, s18;
	s18 =	sshrl.u32 @!p0 s9, $0x3  }
0x8d: {  	[hbm:s13], [sflag:s17] =	dma.local @!p0 [spmem:s18], $0x2800  }
.Ltmp5:
0x8e: {  	_ = 	snop;
	(pc) =	sbr.rel @p5 .LBB2_1-.Ltmp5, $4  }
0x8f: {  	s17 =	simm.s32 @!p0 $0x3  }
0x90: {  	_ =	swait.ge @!p0 [sflag:s17], $0x2800  }
0x91: {  	[sflag:s17] =	ssyncset.done @!p0 $0x0  }
0x92: {  	[sflag:s17] =	ssyncadd.s32 @!p0 $0xFFFFD800  }
0x93: {  	_ =	sfence.sel $0x180000  }
0x94: {  	[bflag:$0x0] =	sbarrier.arrive $0xFFFF  }
0x95: {  	_ =	strace $0x9000004A  }
0x96: {  	s0 =	stileid.u32;
	[bflag:$0x2] =	sbarrier.arrive $0xFFFF  }
0x97: {  	p0 =	sne.s32 s0, $0x0;
	s0 =	rddreg [dreg:$0x2]  }
0x98: {  	s0 =	sadd.s32 @!p0 $0x100000, s0  }
0x99: {  	[sflag:s0] =	ssyncadd.tile.s32 @!p0 $0x1;
	_ =	shalt  }
.Lfunc_end2:
_tile_overlayer_lowered:
.L_overlay_start_2:
0x9a: {  	(tag) =	ssettag $0x2  }
0x9b: {  	s0 =	rddreg [dreg:$0x0];
	s2 =	stileid.u32  }
0x9c: {  	s1 =	rddreg [dreg:$0x1];
	p0 =	sne.s32 s2, $0x0  }
0x9d: {  	s3 =	rddreg [dreg:$0x2];
	[bflag:$0x3] =	sbarrier.arrive $0xFFFF;
	s2 =	simm.s32 @!p0 $0x1C03  }
0x9e: {  	[timem:s3], [sflag:s2] =	dma.local @!p0 [hbm:s0], s1  }
0x9f: {  	s0 =	simm.s32 @!p0 $0x3  }
0xa0: {  	_ =	swait.ge @!p0 [sflag:s0], s1  }
0xa1: {  	s1 =	ssub.s32 @!p0 $0x0, s1;
	[sflag:s0] =	ssyncset.done @!p0 $0x0  }
0xa2: {  	[sflag:s0] =	ssyncadd.s32 @!p0 s1  }
0xa3: {  	[bflag:$0x3] =	sbarrier.arrive $0xFFFF  }
0xa4: {  	_ =	shalt  }

// kernel: kernel.16.cloned.1.call-start
scs
__scs_entry_jumppad:
0x0: {  	(pc) =	sbr.rel $0x88, $3  }
0x1: {  	(tag) =	ssettag $0x0;
	lr =	simm.s32 $0x1  }
0x2: {  	[smem:$0x3F96] =	sst lr;
	_ =	strace $0xD0000000  }
0x3: {  	_ = 	snop  }
0x4: {  	_ = 	snop  }
0x5: {  	_ = 	snop  }
0x6: {  	_ = 	snop  }
0x7: {  	_ = 	snop  }
__scs_overlays_trampoline_lowered:
0x8: {  	[smem:$0x3FA5] =	sst s0  }
0x9: {  	[smem:$0x3FA6] =	sst s1  }
0xa: {  	[smem:$0x3FA7] =	sst s2  }
0xb: {  	[smem:$0x3FA8] =	sst s3  }
0xc: {  	[smem:$0x3FA9] =	sst s4  }
0xd: {  	[smem:$0x3FAA] =	sst s5  }
0xe: {  	[smem:$0x3FAB] =	sst s6  }
0xf: {  	[smem:$0x3FAC] =	sst s7  }
0x10: {  	[smem:$0x3FAD] =	sst s8  }
0x11: {  	[smem:$0x3FAE] =	sst s9;
	s0 =	simm.s32 @!p0 $0x0  }
0x12: {  	s1 =	sld [smem:$0x3F94];
	s0 =	simm.s32 @p0 $0x1  }
0x13: {  	[smem:$0x3FAF] =	sst s0;
	s0 =	simm.s32 @!p1 $0x0  }
0x14: {  	s2 =	sld [smem:$0x3F93];
	s0 =	simm.s32 @p1 $0x1  }
0x15: {  	[smem:$0x3FB0] =	sst s0;
	s0 =	simm.s32 @!p2 $0x0  }
0x16: {  	s3 =	sld [smem:$0x3FDB];
	s0 =	simm.s32 @p2 $0x1  }
0x17: {  	s4 =	simm.s32 $0x1BF5;
	[smem:$0x3FB2] =	sst s0  }
0x18: {  	s0 =	sld [smem:$0x3F95];
	_ =	swait.ge [sflag:s4], $0x0  }
0x19: {  	s7 =	sld [smem:$0x3F96]  }
0x1a: {  	s8 =	sadd.s32 $0xFFFFE003, lr  }
0x1b: {  	s9 =	sadd.s32 $0xFFFFFEF7, lr;
	s5 =	simm.s32 $0xFFFFFFFF;
	p2 =	slt.u32 s8, $0xFFFFF086  }
0x1c: {  	p1 =	slt.u32 s9, $0xF7A;
	s5 =	simm.s32 @!p2 $0x0  }
0x1d: {  	s5 =	simm.s32 @p1 $0x1;
	p0 =	seq.s32 s7, s2  }
0x1e: {  	s7 =	smul.u32 @!p0 $0xF7A, s2;
	p2 =	seq.s32 @!p0 s5, $0x0  }
0x1f: {  	s9 =	smul.u32 $0xF7A, s1;
	s8 =	simm.s32 @!p0 $0x1BF5;
	p2 =	por !p2, p0  }
0x20: {  	[sflag:s8] =	ssyncset.s32 @!p0 $0xFFFFF086;
	s6 =	sadd.s32 @!p0 s3, s7;
	s7 =	simm.s32 @!p0 $0x108  }
0x21: {  	s3 =	sadd.s32 s3, s9;
	s6 =	sadd.s32 @!p0 $0x88, s6;
	s7 =	simm.s32 @p2 $0x1082  }
0x22: {  	[simem:s7], [sflag:s8] =	dma.local @!p0 [hbm:s6], $0xF7A  }
0x23: {  	s9 =	sor.u32 $0xD0000000, s2;
	s6 =	simm.s32 $0x108;
	_ =	swait.ge @!p0 [sflag:s8], $0x0  }
0x24: {  	s3 =	sadd.s32 $0x88, s3;
	s6 =	simm.s32 @!p1 $0x1082;
	[sflag:s4] =	ssyncset.s32 $0xFFFFF086  }
0x25: {  	[simem:s6], [sflag:s4] =	dma.local [hbm:s3], $0xF7A  }
0x26: {  	[smem:$0x3F96] =	sst s1;
	(tag) =	ssettag s2;
	_ =	strace s9  }
0x27: {  	s1 =	sld [smem:$0x3FA6]  }
0x28: {  	s2 =	sld [smem:$0x3FA7]  }
0x29: {  	s4 =	sld [smem:$0x3FA9]  }
0x2a: {  	p0 =	seq.s32 s5, $0x0;
	s5 =	sld [smem:$0x3FAA]  }
0x2b: {  	s6 =	sld [smem:$0x3FAB]  }
0x2c: {  	s7 =	sld [smem:$0x3FAC]  }
0x2d: {  	s3 =	simm.s32 $0x108;
	s8 =	sld [smem:$0x3FAD]  }
0x2e: {  	s3 =	simm.s32 @!p0 $0x1082;
	s9 =	sld [smem:$0x3FAE]  }
0x2f: {  	lr =	sadd.s32 s0, s3;
	s0 =	sld [smem:$0x3FA5]  }
0x30: {  	s3 =	sld [smem:$0x3FA8]  }
0x31: {  	[smem:$0x3FB1] =	sst s10  }
0x32: {  	s10 =	sld [smem:$0x3FAF];
	_ =	sdelay $0x3  }
0x33: {  	p0 =	seq.s32 s10, $0x1;
	s10 =	sld [smem:$0x3FB1];
	_ =	sdelay $0x3  }
0x34: {  	[smem:$0x3FB1] =	sst s10  }
0x35: {  	s10 =	sld [smem:$0x3FB0];
	_ =	sdelay $0x3  }
0x36: {  	p1 =	seq.s32 s10, $0x1;
	s10 =	sld [smem:$0x3FB1];
	_ =	sdelay $0x3  }
0x37: {  	[smem:$0x3FB1] =	sst s10  }
0x38: {  	s10 =	sld [smem:$0x3FB2]  }
0x39: {  	_ = 	snop;
	(pc) =	sbr.ind lr, $3  }
0x3a: {  	_ = 	snop  }
0x3b: {  	_ = 	snop  }
0x3c: {  	p2 =	seq.s32 s10, $0x1;
	s10 =	sld [smem:$0x3FB1]  }
0x3d: {  	_ =	shalt  }
0x3e: {  	_ =	shalt  }
0x3f: {  	_ =	shalt  }
0x40: {  	_ =	shalt  }
0x41: {  	_ =	shalt  }
0x42: {  	_ =	shalt  }
0x43: {  	_ =	shalt  }
0x44: {  	_ =	shalt  }
0x45: {  	_ =	shalt  }
0x46: {  	_ =	shalt  }
0x47: {  	_ =	shalt  }
0x48: {  	_ =	shalt  }
0x49: {  	_ =	shalt  }
0x4a: {  	_ =	shalt  }
0x4b: {  	_ =	shalt  }
0x4c: {  	_ =	shalt  }
0x4d: {  	_ =	shalt  }
0x4e: {  	_ =	shalt  }
0x4f: {  	_ =	shalt  }
0x50: {  	_ =	shalt  }
0x51: {  	_ =	shalt  }
0x52: {  	_ =	shalt  }
0x53: {  	_ =	shalt  }
0x54: {  	_ =	shalt  }
0x55: {  	_ =	shalt  }
0x56: {  	_ =	shalt  }
0x57: {  	_ =	shalt  }
0x58: {  	_ =	shalt  }
0x59: {  	_ =	shalt  }
0x5a: {  	_ =	shalt  }
0x5b: {  	_ =	shalt  }
0x5c: {  	_ =	shalt  }
0x5d: {  	_ =	shalt  }
0x5e: {  	_ =	shalt  }
0x5f: {  	_ =	shalt  }
0x60: {  	_ =	shalt  }
0x61: {  	_ =	shalt  }
0x62: {  	_ =	shalt  }
0x63: {  	_ =	shalt  }
0x64: {  	_ =	shalt  }
0x65: {  	_ =	shalt  }
0x66: {  	_ =	shalt  }
0x67: {  	_ =	shalt  }
0x68: {  	_ =	shalt  }
0x69: {  	_ =	shalt  }
0x6a: {  	_ =	shalt  }
0x6b: {  	_ =	shalt  }
0x6c: {  	_ =	shalt  }
0x6d: {  	_ =	shalt  }
0x6e: {  	_ =	shalt  }
0x6f: {  	_ =	shalt  }
0x70: {  	_ =	shalt  }
0x71: {  	_ =	shalt  }
0x72: {  	_ =	shalt  }
0x73: {  	_ =	shalt  }
0x74: {  	_ =	shalt  }
0x75: {  	_ =	shalt  }
0x76: {  	_ =	shalt  }
0x77: {  	_ =	shalt  }
0x78: {  	_ =	shalt  }
0x79: {  	_ =	shalt  }
0x7a: {  	_ =	shalt  }
0x7b: {  	_ =	shalt  }
0x7c: {  	_ =	shalt  }
0x7d: {  	_ =	shalt  }
0x7e: {  	_ =	shalt  }
0x7f: {  	_ =	shalt  }
0x80: {  	_ =	shalt  }
0x81: {  	_ =	shalt  }
0x82: {  	_ =	shalt  }
0x83: {  	_ =	shalt  }
0x84: {  	_ =	shalt  }
0x85: {  	_ =	shalt  }
0x86: {  	_ =	shalt  }
0x87: {  	_ =	shalt  }
.Lfunc_end0:
.L_simem_size_0:
called_computation.2_lowered:
.L_overlay_start_0:
0x88: {  	s2 =	sld [smem:$0x3FD9]  }
0x89: {  	s3 =	sld [smem:$0x3FFE];
	_ =	sdelay $0x1  }
0x8a: {  	s1 =	srdreg.scid  }
0x8b: {  	s0 =	sand.u32 $0x1, s1  }
0x8c: {  	s16 =	sshll.u32 s0, $0xA;
	s2 =	sadd.s32 s3, s2  }
0x8d: {  	s2 =	sadd.s32 s2, s16  }
0x8e: {  	[smem:$0x3FBD] =	sst s2  }
0x8f: {  	_ = 	snop  }
0x90: {  	(tm) =	ssettm $0x1  }
0x91: {  	s17 =	sld [smem:$0x3FFB];
	_ =	sdelay $0x3  }
0x92: {  	_ =	strace s17  }
0x93: {  	s2 =	sld [smem:$0x3FFC];
	_ =	sdelay $0x3  }
0x94: {  	_ =	strace s2  }
0x95: {  	s2 =	sld [smem:$0x3FFD];
	_ =	sdelay $0x3  }
0x96: {  	_ =	strace s2  }
0x97: {  	_ =	strace $0x8FFFFFFF  }
0x98: {  	s18 =	sld [smem:$0x3FDB];
	_ =	sdelay $0x1  }
0x99: {  	s19 =	simm.s32 $_scs_section_size  }
0x9a: {  	s4 =	simm.s32 $_size__tile_overlayer_lowered;
	s5 =	simm.s32 $_tile_overlayer_lowered  }
0x9b: {  	s22 =	simm.s32 $0x1BFF;
	s21 =	sshll.u32 s5, $0x1;
	s2 =	sadd.s32 s19, s18  }
0x9c: {  	s6 =	simm.s32 $0x0;
	s20 =	sshll.u32 s4, $0x1;
	s4 =	sadd.s32 s21, s2  }
0x9d: {  	[timem:s6], [sflag:s22] =	dma.local [hbm:s4], s20  }
0x9e: {  	_ =	swait.ge [sflag:s22], s20  }
0x9f: {  	s3 =	ssub.s32 $0x0, s20;
	[sflag:s22] =	ssyncset.done $0x0  }
0xa0: {  	[sflag:s22] =	ssyncadd.s32 s3;
	_ =	sdelay $0x1  }
0xa1: {  	s23 =	simm.s32 $0x1B8B  }
0xa2: {  	_ =	swait.ge [sflag:s23], $0x1  }
0xa3: {  	[sflag:s23] =	ssyncset.done $0x0  }
0xa4: {  	s25 =	simm.s32 $0x1B8E;
	s24 =	sld [smem:$0x3FFE];
	[sflag:s23] =	ssyncadd.s32 $0xFFFFFFFF  }
0xa5: {  	s26 =	simm.s32 $execute0_lowered;
	[smem:$0x3FD2] =	sst s25  }
0xa6: {  	s4 =	sshll.u32 s26, $0x1;
	_ =	strace $0x8000004C;
	[dreg:$0x1] =	wrdreg $0xFFFFFFFF  }
0xa7: {  	s28 =	simm.s32 $_size_execute0_lowered;
	s2 =	sadd.s32 s2, s4;
	[dreg:$0x0] =	wrdreg $0x0  }
0xa8: {  	s4 =	sshll.u32 s28, $0x1;
	[dreg:$0x2] =	wrdreg s2  }
0xa9: {  	[dreg:$0x3] =	wrdreg s4  }
0xaa: {  	[dreg:$0x4] =	wrdreg $0xC0  }
0xab: {  	_ =	task [dreg:s6], $0x5FFFF  }
0xac: {  	[dreg:$0x1] =	wrdreg $0xFFFFFFFF  }
0xad: {  	[dreg:$0x0] =	wrdreg $0x60  }
0xae: {  	[dreg:$0x2] =	wrdreg s24  }
0xaf: {  	[dreg:$0x3] =	wrdreg $0xBE200  }
0xb0: {  	[dreg:$0x4] =	wrdreg $0x9  }
0xb1: {  	_ =	task.clear_ibuf [dreg:s6], $0x5FFFF;
	_ =	strace $0x9000004C  }
0xb2: {  	s29 =	simm.s32 $0x9;
	_ =	strace $0x8000004E  }
0xb3: {  	_ =	swait.ge [sflag:s29], $0x1  }
0xb4: {  	[sflag:s29] =	ssyncadd.s32 $0xFFFFFFFF  }
0xb5: {  	_ =	strace $0x9000004E  }
0xb6: {  	_ =	sfence  }
0xb7: {  	s30 =	sld [smem:$0x0];
	_ =	sdelay $0x2  }
0xb8: {  	s31 =	sshll.u32 s1, $0xD;
	s1 =	sshrl.u32 s1, $0x2  }
0xb9: {  	s3 =	sand.u32 $0x4000, s31;
	s1 =	sadd.s32 s1, s30  }
0xba: {  	s0 =	sor.u32 s3, s0;
	s1 =	sshll.u32 s1, $0x11  }
0xbb: {  	s0 =	sor.u32 s1, s0  }
0xbc: {  	s0 =	sadd.s32 $0x8F2B, s0  }
0xbd: {  	[sflag:s0] =	ssyncadd.remote.s32 $0x1  }
0xbe: {  	_ =	sfence.sel $0xFFFF  }
0xbf: {  	[dreg:$0x0] =	wrdreg $0xFFFFFFFF;
	(pc) =	sbr.abs _section_cstart, $3  }
0xc0: {  	[dreg:$0x1] =	wrdreg $0xFFFFFFFF  }
0xc1: {  	_ =	task.clear_ibuf [dreg:s6], $0x2FFFF;
	_ =	strace $0x9FFFFFFF  }
0xc2: {  	(tm) =	ssettm $0x7FFFFFFF  }
0xc3: {  	_ =	shalt  }
tec
execute0_lowered:
.L_overlay_start_1:
0x0: {  	(tag) =	ssettag $0x1  }
0x1: {  	s0 =	rddreg [dreg:$0x0]  }
0x2: {  	s1 =	rddreg [dreg:$0x1];
	s2 =	srdreg.scid  }
0x3: {  	s3 =	simm.s32 $0x0;
	s17 =	stileid.u32;
	s16 =	simm.s32 $0x3  }
0x4: {  	s22 =	simm.s32 $0x68;
	s23 =	simm.s32 $0x4E20;
	s30 =	simm.s32 $0x4DA8  }
0x5: {  	s31 =	simm.s32 $0x10;
	s2 =	sand.u32 $0x1, s2;
	[smem:$0x7FF] =	sst s3  }
0x6: {  	s8 =	smul.u32 $0x14000, s17;
	s14 =	sadd.s32 $0x79E00, s0;
	p0 =	seq.s32 s17, $0xF  }
0x7: {  	p3 =	sne.s32 s17, $0xF;
	s24 =	sadd.s32 $0x51200, s0;
	s11 =	sadd.s32 $0x78400, s0  }
0x8: {  	s28 =	sshll.u32 s17, $0x6;
	s4 =	sshll.u32 s2, $0x4;
	_ =	strace $0x8000004D  }
0x9: {  	s6 =	ssub.s32 $0x2, s2;
	p1 =	seq.s32 s2, $0x0;
	p6 =	seq.s32 s2, $0x1  }
0xa: {  	s2 =	smul.u32 $0x138800, s2;
	[dreg:$0x3] =	wrdreg s24;
	s24 =	simm.s32 $0x8220  }
0xb: {  	s4 =	sor.u32 s17, s4;
	s10 =	sshrl.u32 s8, $0x3;
	s7 =	sshrl.u32 s6, $0x1  }
0xc: {  	p2 =	por !p1, !p3;
	p4 =	por !p1, !p0;
	p3 =	por !p3, !p6  }
0xd: {  	s5 =	smul.u32 $0x2710, s4;
	s4 =	sadd.s32 $0x2BA00, s0;
	s12 =	sadd.s32 s10, s0  }
0xe: {  	s15 =	ssub.s32 s6, s7;
	p1 =	por !p2, !p2;
	p2 =	por !p4, !p4  }
0xf: {  	s7 =	sadd.s32 $0x12C000, s1;
	p3 =	por !p3, !p3;
	p4 =	por !p0, !p6  }
0x10: {  	s10 =	sadd.s32 s4, s10;
	s12 =	sadd.s32 $0x52C00, s12;
	s15 =	smax.u32 s15, $0x1  }
0x11: {  	p4 =	por !p4, !p4;
	s5 =	sshrl.u32 s5, $0x3;
	[dreg:$0x4] =	wrdreg s10  }
0x12: {  	p4 =	por !p4, p3;
	s10 =	simm.s32 $0x4E10;
	s9 =	sadd.s32 s5, s0  }
0x13: {  	s0 =	sor.u32 $0x1C03, s28;
	s20 =	sshrl.u32 @!p4 s7, $0x3;
	s5 =	sadd.s32 $0x18000, s9  }
0x14: {  	s6 =	sadd.s32 $0x21C40, s9;
	s9 =	sadd.s32 s8, s1;
	s8 =	sadd.s32 s8, s2  }
0x15: {  	s2 =	sshrl.u32 s2, $0x3;
	[dreg:$0x5] =	wrdreg s0;
	s0 =	sshll.u32 @p3 s17, $0x6  }
0x16: {  	s25 =	sshrl.u32 s8, $0x3;
	s26 =	sadd.s32 s14, s2;
	s29 =	sshrl.u32 s9, $0x3  }
0x17: {  	s21 =	sor.u32 @p3 $0x1C03, s0;
	s0 =	simm.s32 $0x2700;
	s8 =	simm.s32 $0xB620  }
0x18: {  	s2 =	simm.s32 $0x0;
	s13 =	sadd.s32 s14, s25;
	s14 =	sadd.s32 $0x25800, s26  }
0x19: {  	[dreg:$0x6] =	wrdreg s29;
	s25 =	simm.s32 $0x1;
	s26 =	simm.s32 $0x2  }
.LBB2_1:
0x1a: {  	[tilespmem:s3], [sflag:$0x3] =	stream.linear.gather [hbm4b:s5+s3], $0x2710, $0x38;
	[tilespmem:$0x1F6A0] =	vst v63  }
0x1b: {  	_ =	swait.ge [sflag:s16], $0x2710  }
0x1c: {  	[sflag:s16] =	ssyncset.done $0x0  }
.Ltmp0:
0x1d: {  	s17 =	simm.s32 $0x2710;
	[sflag:s16] =	ssyncadd.s32 $0xFFFFD8F0;
	(pc) =	sbr.rel @!p1 .LBB2_4-.Ltmp0, $4  }
0x1e: {  	[tilespmem:s17], [sflag:$0x3] =	stream.linear.gather [hbm4b:s6+s3], $0x2710, $0x38;
	[tilespmem:$0x1F6A0] =	vst v63  }
0x1f: {  	_ =	swait.ge [sflag:s16], $0x2710  }
0x20: {  	[sflag:s16] =	ssyncset.done $0x0  }
0x21: {  	[sflag:s16] =	ssyncadd.s32 $0xFFFFD8F0  }
0x22: {  	s17 =	rddreg [dreg:$0x4]  }
0x23: {  	s18 =	rddreg [dreg:$0x5]  }
.Ltmp1:
0x24: {  	s19 =	rddreg [dreg:$0x6];
	(pc) =	sbr.rel .LBB2_3-.Ltmp1, $4  }
0x25: {  	[spmem:s19], [sflag:s18] =	dma.local [hbm:s17], $0x2800  }
0x26: {  	_ =	swait.ge [sflag:s16], $0x2800  }
0x27: {  	[sflag:s16] =	ssyncset.done $0x0  }
0x28: {  	[sflag:s16] =	ssyncadd.s32 $0xFFFFD800  }
.LBB2_4:
.Ltmp2:
0x29: {  	(pc) =	sbr.rel @!p2 .LBB2_3-.Ltmp2, $1  }
0x2a: {  	_ =	sdelay $0x3  }
0x2b: {  	s17 =	sshrl.u32 s7, $0x3  }
.Ltmp3:
0x2c: {  	s18 =	rddreg [dreg:$0x3];
	s19 =	simm.s32 $0x1FC3;
	(pc) =	sbr.rel .LBB2_6-.Ltmp3, $4  }
0x2d: {  	[spmem:s17], [sflag:s19] =	dma.local [hbm:s18], $0x1900  }
0x2e: {  	_ =	swait.ge [sflag:s16], $0x1900  }
0x2f: {  	[sflag:s16] =	ssyncset.done $0x0  }
0x30: {  	[sflag:s16] =	ssyncadd.s32 $0xFFFFE700  }
.LBB2_3:
0x31: {  	s17 =	simm.s32 @!p4 $0x1FC3  }
0x32: {  	[spmem:s20], [sflag:s17] =	dma.local @!p4 [hbm:s11], $0x1900  }
0x33: {  	s17 =	simm.s32 @!p4 $0x3  }
0x34: {  	_ =	swait.ge @!p4 [sflag:s17], $0x1900  }
0x35: {  	[sflag:s17] =	ssyncset.done @!p4 $0x0  }
0x36: {  	[sflag:s17] =	ssyncadd.s32 @!p4 $0xFFFFE700;
	s17 =	sshrl.u32 @p3 s9, $0x3  }
0x37: {  	[spmem:s17], [sflag:s21] =	dma.local @p3 [hbm:s12], $0x2800  }
0x38: {  	s17 =	simm.s32 @p3 $0x3  }
0x39: {  	_ =	swait.ge @p3 [sflag:s17], $0x2800  }
0x3a: {  	[sflag:s17] =	ssyncset.done @p3 $0x0  }
0x3b: {  	[sflag:s17] =	ssyncadd.s32 @p3 $0xFFFFD800  }
.LBB2_6:
0x3c: {  	[bflag:$0x0] =	sbarrier.arrive $0xFFFF;
	s17 =	simm.s32 $0x0  }
0x3d: {  	[tilespmem:s23], [sflag:$0x1] =	stream.indirect.gather [hbm4b:s4+s22], $0x80, s17, s22, $0xb8;
	[tilespmem:$0x1F6A0] =	vst v63  }
0x3e: {  	s18 =	simm.s32 $0x68  }
0x3f: {  	[tilespmem:s24], [sflag:$0x2] =	stream.indirect.gather [hbm4b:s4+s22], $0x80, s18, s22, $0xb8;
	[tilespmem:$0x1F6A0] =	vst v63  }
0x40: {  	_ =	swait.ge [sflag:s25], $0x3400  }
0x41: {  	[sflag:s25] =	ssyncset.done $0x0  }
0x42: {  	s19 =	simm.s32 $0x2710;
	[sflag:s25] =	ssyncadd.s32 $0xFFFFCC00  }
0x43: {  	[spmem:s1] =	stream.indirect.scatter.add.f32 [tilespmem:s23], [sflag:$0x3], $0x80, s19, s22, $0xb8;
	[tilespmem:$0x1F6A0] =	vst v63  }
0x44: {  	_ =	swait.ge [sflag:s16], $0x3400  }
0x45: {  	[sflag:s16] =	ssyncset.done $0x0  }
0x46: {  	s28 =	simm.s32 $0xD0;
	[sflag:s16] =	ssyncadd.s32 $0xFFFFCC00  }
0x47: {  	[tilespmem:s23], [sflag:$0x1] =	stream.indirect.gather [hbm4b:s4+s22], $0x80, s28, s22, $0xb8;
	[tilespmem:$0x1F6A0] =	vst v63  }
0x48: {  	_ =	swait.ge [sflag:s26], $0x3400  }
0x49: {  	[sflag:s26] =	ssyncset.done $0x0  }
0x4a: {  	s29 =	simm.s32 $0x2778;
	[sflag:s26] =	ssyncadd.s32 $0xFFFFCC00  }
0x4b: {  	[spmem:s1] =	stream.indirect.scatter.add.f32 [tilespmem:s24], [sflag:$0x3], $0x80, s29, s22, $0xb8;
	[tilespmem:$0x1F6A0] =	vst v63  }
0x4c: {  	_ =	swait.ge [sflag:s16], $0x3400  }
0x4d: {  	s17 =	simm.s32 $0xD0;
	s18 =	simm.s32 $0x680;
	[sflag:s16] =	ssyncset.done $0x0  }
.LBB2_7:
0x4e: {  	s19 =	sadd.s32 $0x68, s17  }
0x4f: {  	[sflag:s16] =	ssyncadd.s32 $0xFFFFCC00;
	s28 =	smov.u32 s18;
	s29 =	sadd.s32 $0x340, s18  }
0x50: {  	[tilespmem:s24], [sflag:$0x2] =	stream.indirect.gather [hbm4b:s4+s22], $0x80, s19, s22, $0xb8;
	[tilespmem:$0x1F6A0] =	vst v63  }
0x51: {  	p5 =	sne.s32 s18, $0x9580;
	_ =	swait.ge [sflag:s25], $0x3400  }
0x52: {  	[sflag:s25] =	ssyncset.done $0x0  }
0x53: {  	s18 =	sadd.s32 $0x2710, s17;
	[sflag:s25] =	ssyncadd.s32 $0xFFFFCC00  }
0x54: {  	[spmem:s1] =	stream.indirect.scatter.add.f32 [tilespmem:s23], [sflag:$0x3], $0x80, s18, s22, $0xb8;
	[tilespmem:$0x1F6A0] =	vst v63  }
0x55: {  	_ =	swait.ge [sflag:s16], $0x3400  }
0x56: {  	[sflag:s16] =	ssyncset.done $0x0  }
0x57: {  	s18 =	sadd.s32 $0xD0, s17;
	[sflag:s16] =	ssyncadd.s32 $0xFFFFCC00  }
0x58: {  	[tilespmem:s23], [sflag:$0x1] =	stream.indirect.gather [hbm4b:s4+s22], $0x80, s18, s22, $0xb8;
	[tilespmem:$0x1F6A0] =	vst v63  }
0x59: {  	_ =	swait.ge [sflag:s26], $0x3400  }
.Ltmp4:
0x5a: {  	[sflag:s26] =	ssyncset.done $0x0;
	(pc) =	sbr.rel @p5 .LBB2_7-.Ltmp4, $4  }
0x5b: {  	s17 =	sadd.s32 $0x2778, s17;
	[sflag:s26] =	ssyncadd.s32 $0xFFFFCC00  }
0x5c: {  	[spmem:s1] =	stream.indirect.scatter.add.f32 [tilespmem:s24], [sflag:$0x3], $0x80, s17, s22, $0xb8;
	[tilespmem:$0x1F6A0] =	vst v63  }
0x5d: {  	_ =	swait.ge [sflag:s16], $0x3400  }
0x5e: {  	s18 =	smov.u32 s29;
	s17 =	sshra.s32 s28, $0x2;
	[sflag:s16] =	ssyncset.done $0x0  }
0x5f: {  	s18 =	sadd.s32 $0x68, s17;
	[sflag:s16] =	ssyncadd.s32 $0xFFFFCC00  }
0x60: {  	[tilespmem:s24], [sflag:$0x2] =	stream.indirect.gather [hbm4b:s4+s22], $0x80, s18, s22, $0xb8;
	[tilespmem:$0x1F6A0] =	vst v63  }
0x61: {  	_ =	swait.ge [sflag:s25], $0x3400  }
0x62: {  	[sflag:s25] =	ssyncset.done $0x0  }
0x63: {  	s28 =	sadd.s32 $0x2710, s17;
	[sflag:s25] =	ssyncadd.s32 $0xFFFFCC00  }
0x64: {  	[spmem:s1] =	stream.indirect.scatter.add.f32 [tilespmem:s23], [sflag:$0x3], $0x80, s28, s22, $0xb8;
	[tilespmem:$0x1F6A0] =	vst v63  }
0x65: {  	_ =	swait.ge [sflag:s16], $0x3400  }
0x66: {  	[sflag:s16] =	ssyncset.done $0x0  }
0x67: {  	s29 =	sadd.s32 $0xD0, s17;
	[sflag:s16] =	ssyncadd.s32 $0xFFFFCC00  }
0x68: {  	[tilespmem:s23], [sflag:$0x1] =	stream.indirect.gather [hbm4b:s4+s22], $0x80, s29, s22, $0xb8;
	[tilespmem:$0x1F6A0] =	vst v63  }
0x69: {  	_ =	swait.ge [sflag:s26], $0x3400  }
0x6a: {  	[sflag:s26] =	ssyncset.done $0x0  }
0x6b: {  	s19 =	sadd.s32 $0x2778, s17;
	[sflag:s26] =	ssyncadd.s32 $0xFFFFCC00  }
0x6c: {  	[spmem:s1] =	stream.indirect.scatter.add.f32 [tilespmem:s24], [sflag:$0x3], $0x80, s19, s22, $0xb8;
	[tilespmem:$0x1F6A0] =	vst v63  }
0x6d: {  	_ =	swait.ge [sflag:s16], $0x3400  }
0x6e: {  	[sflag:s16] =	ssyncset.done $0x0  }
0x6f: {  	s28 =	simm.s32 $0x2698;
	[sflag:s16] =	ssyncadd.s32 $0xFFFFCC00  }
0x70: {  	[tilespmem:s24], [sflag:$0x2] =	stream.indirect.gather [hbm4b:s4+s22], $0x80, s28, s22, $0xb8;
	[tilespmem:$0x1F6A0] =	vst v63  }
0x71: {  	_ =	swait.ge [sflag:s25], $0x3400  }
0x72: {  	[sflag:s25] =	ssyncset.done $0x0  }
0x73: {  	s29 =	simm.s32 $0x4D40;
	[sflag:s25] =	ssyncadd.s32 $0xFFFFCC00  }
0x74: {  	[spmem:s1] =	stream.indirect.scatter.add.f32 [tilespmem:s23], [sflag:$0x3], $0x80, s29, s22, $0xb8;
	[tilespmem:$0x1F6A0] =	vst v63  }
0x75: {  	_ =	swait.ge [sflag:s16], $0x3400  }
0x76: {  	[sflag:s16] =	ssyncset.done $0x0  }
0x77: {  	[sflag:s16] =	ssyncadd.s32 $0xFFFFCC00  }
0x78: {  	_ =	swait.ge [sflag:s26], $0x3400  }
0x79: {  	[sflag:s26] =	ssyncset.done $0x0  }
0x7a: {  	[sflag:s26] =	ssyncadd.s32 $0xFFFFCC00  }
0x7b: {  	[spmem:s1] =	stream.indirect.scatter.add.f32 [tilespmem:s24], [sflag:$0x3], $0x80, s30, s22, $0xb8;
	[tilespmem:$0x1F6A0] =	vst v63  }
0x7c: {  	_ =	swait.ge [sflag:s16], $0x3400  }
0x7d: {  	[sflag:s16] =	ssyncset.done $0x0  }
0x7e: {  	[sflag:s16] =	ssyncadd.s32 $0xFFFFCC00  }
0x7f: {  	[tilespmem:s8], [sflag:$0x3] =	stream.indirect.gather [hbm4b:s4+s31], $0x80, s0, s31, $0xb8;
	[tilespmem:$0x1F6A0] =	vst v63  }
0x80: {  	_ =	swait.ge [sflag:s16], $0x800  }
0x81: {  	[sflag:s16] =	ssyncset.done $0x0  }
0x82: {  	[sflag:s16] =	ssyncadd.s32 $0xFFFFF800  }
0x83: {  	[spmem:s1] =	stream.indirect.scatter.add.f32 [tilespmem:s8], [sflag:$0x3], $0x80, s10, s31, $0xb8;
	[tilespmem:$0x1F6A0] =	vst v63  }
0x84: {  	_ =	swait.ge [sflag:s16], $0x800  }
0x85: {  	[sflag:s16] =	ssyncset.done $0x0  }
0x86: {  	[sflag:s16] =	ssyncadd.s32 $0xFFFFF800  }
0x87: {  	s17 =	sshrl.u32 @p0 s7, $0x3;
	s18 =	simm.s32 @p0 $0x1FC3;
	[bflag:$0x0] =	sbarrier.arrive $0xFFFF  }
0x88: {  	[hbm:s14], [sflag:s18] =	dma.local @p0 [spmem:s17], $0x1900  }
0x89: {  	s17 =	simm.s32 @p0 $0x3  }
0x8a: {  	s2 =	sadd.s32 $0x1, s2;
	s18 =	stileid.u32;
	_ =	swait.ge @p0 [sflag:s17], $0x1900  }
0x8b: {  	p5 =	sne.s32 s2, s15;
	s18 =	sshll.u32 @!p0 s18, $0x6;
	[sflag:s17] =	ssyncset.done @p0 $0x0  }
0x8c: {  	[sflag:s17] =	ssyncadd.s32 @p0 $0xFFFFE700;
	s17 =	sor.u32 @!p0 $0x1C03, s18;
	s18 =	sshrl.u32 @!p0 s9, $0x3  }
0x8d: {  	[hbm:s13], [sflag:s17] =	dma.local @!p0 [spmem:s18], $0x2800  }
.Ltmp5:
0x8e: {  	_ = 	snop;
	(pc) =	sbr.rel @p5 .LBB2_1-.Ltmp5, $4  }
0x8f: {  	s17 =	simm.s32 @!p0 $0x3  }
0x90: {  	_ =	swait.ge @!p0 [sflag:s17], $0x2800  }
0x91: {  	[sflag:s17] =	ssyncset.done @!p0 $0x0  }
0x92: {  	[sflag:s17] =	ssyncadd.s32 @!p0 $0xFFFFD800  }
0x93: {  	_ =	sfence.sel $0x180000  }
0x94: {  	[bflag:$0x0] =	sbarrier.arrive $0xFFFF  }
0x95: {  	_ =	strace $0x9000004D  }
0x96: {  	s0 =	stileid.u32;
	[bflag:$0x2] =	sbarrier.arrive $0xFFFF  }
0x97: {  	p0 =	sne.s32 s0, $0x0;
	s0 =	rddreg [dreg:$0x2]  }
0x98: {  	s0 =	sadd.s32 @!p0 $0x100000, s0  }
0x99: {  	[sflag:s0] =	ssyncadd.tile.s32 @!p0 $0x1;
	_ =	shalt  }
.Lfunc_end2:
_tile_overlayer_lowered:
.L_overlay_start_2:
0x9a: {  	(tag) =	ssettag $0x2  }
0x9b: {  	s0 =	rddreg [dreg:$0x0];
	s2 =	stileid.u32  }
0x9c: {  	s1 =	rddreg [dreg:$0x1];
	p0 =	sne.s32 s2, $0x0  }
0x9d: {  	s3 =	rddreg [dreg:$0x2];
	[bflag:$0x3] =	sbarrier.arrive $0xFFFF;
	s2 =	simm.s32 @!p0 $0x1C03  }
0x9e: {  	[timem:s3], [sflag:s2] =	dma.local @!p0 [hbm:s0], s1  }
0x9f: {  	s0 =	simm.s32 @!p0 $0x3  }
0xa0: {  	_ =	swait.ge @!p0 [sflag:s0], s1  }
0xa1: {  	s1 =	ssub.s32 @!p0 $0x0, s1;
	[sflag:s0] =	ssyncset.done @!p0 $0x0  }
0xa2: {  	[sflag:s0] =	ssyncadd.s32 @!p0 s1  }
0xa3: {  	[bflag:$0x3] =	sbarrier.arrive $0xFFFF  }
0xa4: {  	_ =	shalt  }

// kernel: kernel.19.cloned.1.call-start
scs
__scs_entry_jumppad:
0x0: {  	(pc) =	sbr.rel $0x88, $3  }
0x1: {  	(tag) =	ssettag $0x0;
	lr =	simm.s32 $0x1  }
0x2: {  	[smem:$0x3F96] =	sst lr;
	_ =	strace $0xD0000000  }
0x3: {  	_ = 	snop  }
0x4: {  	_ = 	snop  }
0x5: {  	_ = 	snop  }
0x6: {  	_ = 	snop  }
0x7: {  	_ = 	snop  }
__scs_overlays_trampoline_lowered:
0x8: {  	[smem:$0x3FA5] =	sst s0  }
0x9: {  	[smem:$0x3FA6] =	sst s1  }
0xa: {  	[smem:$0x3FA7] =	sst s2  }
0xb: {  	[smem:$0x3FA8] =	sst s3  }
0xc: {  	[smem:$0x3FA9] =	sst s4  }
0xd: {  	[smem:$0x3FAA] =	sst s5  }
0xe: {  	[smem:$0x3FAB] =	sst s6  }
0xf: {  	[smem:$0x3FAC] =	sst s7  }
0x10: {  	[smem:$0x3FAD] =	sst s8  }
0x11: {  	[smem:$0x3FAE] =	sst s9;
	s0 =	simm.s32 @!p0 $0x0  }
0x12: {  	s1 =	sld [smem:$0x3F94];
	s0 =	simm.s32 @p0 $0x1  }
0x13: {  	[smem:$0x3FAF] =	sst s0;
	s0 =	simm.s32 @!p1 $0x0  }
0x14: {  	s2 =	sld [smem:$0x3F93];
	s0 =	simm.s32 @p1 $0x1  }
0x15: {  	[smem:$0x3FB0] =	sst s0;
	s0 =	simm.s32 @!p2 $0x0  }
0x16: {  	s3 =	sld [smem:$0x3FDB];
	s0 =	simm.s32 @p2 $0x1  }
0x17: {  	s4 =	simm.s32 $0x1BF5;
	[smem:$0x3FB2] =	sst s0  }
0x18: {  	s0 =	sld [smem:$0x3F95];
	_ =	swait.ge [sflag:s4], $0x0  }
0x19: {  	s7 =	sld [smem:$0x3F96]  }
0x1a: {  	s8 =	sadd.s32 $0xFFFFE003, lr  }
0x1b: {  	s9 =	sadd.s32 $0xFFFFFEF7, lr;
	s5 =	simm.s32 $0xFFFFFFFF;
	p2 =	slt.u32 s8, $0xFFFFF086  }
0x1c: {  	p1 =	slt.u32 s9, $0xF7A;
	s5 =	simm.s32 @!p2 $0x0  }
0x1d: {  	s5 =	simm.s32 @p1 $0x1;
	p0 =	seq.s32 s7, s2  }
0x1e: {  	s7 =	smul.u32 @!p0 $0xF7A, s2;
	p2 =	seq.s32 @!p0 s5, $0x0  }
0x1f: {  	s9 =	smul.u32 $0xF7A, s1;
	s8 =	simm.s32 @!p0 $0x1BF5;
	p2 =	por !p2, p0  }
0x20: {  	[sflag:s8] =	ssyncset.s32 @!p0 $0xFFFFF086;
	s6 =	sadd.s32 @!p0 s3, s7;
	s7 =	simm.s32 @!p0 $0x108  }
0x21: {  	s3 =	sadd.s32 s3, s9;
	s6 =	sadd.s32 @!p0 $0x88, s6;
	s7 =	simm.s32 @p2 $0x1082  }
0x22: {  	[simem:s7], [sflag:s8] =	dma.local @!p0 [hbm:s6], $0xF7A  }
0x23: {  	s9 =	sor.u32 $0xD0000000, s2;
	s6 =	simm.s32 $0x108;
	_ =	swait.ge @!p0 [sflag:s8], $0x0  }
0x24: {  	s3 =	sadd.s32 $0x88, s3;
	s6 =	simm.s32 @!p1 $0x1082;
	[sflag:s4] =	ssyncset.s32 $0xFFFFF086  }
0x25: {  	[simem:s6], [sflag:s4] =	dma.local [hbm:s3], $0xF7A  }
0x26: {  	[smem:$0x3F96] =	sst s1;
	(tag) =	ssettag s2;
	_ =	strace s9  }
0x27: {  	s1 =	sld [smem:$0x3FA6]  }
0x28: {  	s2 =	sld [smem:$0x3FA7]  }
0x29: {  	s4 =	sld [smem:$0x3FA9]  }
0x2a: {  	p0 =	seq.s32 s5, $0x0;
	s5 =	sld [smem:$0x3FAA]  }
0x2b: {  	s6 =	sld [smem:$0x3FAB]  }
0x2c: {  	s7 =	sld [smem:$0x3FAC]  }
0x2d: {  	s3 =	simm.s32 $0x108;
	s8 =	sld [smem:$0x3FAD]  }
0x2e: {  	s3 =	simm.s32 @!p0 $0x1082;
	s9 =	sld [smem:$0x3FAE]  }
0x2f: {  	lr =	sadd.s32 s0, s3;
	s0 =	sld [smem:$0x3FA5]  }
0x30: {  	s3 =	sld [smem:$0x3FA8]  }
0x31: {  	[smem:$0x3FB1] =	sst s10  }
0x32: {  	s10 =	sld [smem:$0x3FAF];
	_ =	sdelay $0x3  }
0x33: {  	p0 =	seq.s32 s10, $0x1;
	s10 =	sld [smem:$0x3FB1];
	_ =	sdelay $0x3  }
0x34: {  	[smem:$0x3FB1] =	sst s10  }
0x35: {  	s10 =	sld [smem:$0x3FB0];
	_ =	sdelay $0x3  }
0x36: {  	p1 =	seq.s32 s10, $0x1;
	s10 =	sld [smem:$0x3FB1];
	_ =	sdelay $0x3  }
0x37: {  	[smem:$0x3FB1] =	sst s10  }
0x38: {  	s10 =	sld [smem:$0x3FB2]  }
0x39: {  	_ = 	snop;
	(pc) =	sbr.ind lr, $3  }
0x3a: {  	_ = 	snop  }
0x3b: {  	_ = 	snop  }
0x3c: {  	p2 =	seq.s32 s10, $0x1;
	s10 =	sld [smem:$0x3FB1]  }
0x3d: {  	_ =	shalt  }
0x3e: {  	_ =	shalt  }
0x3f: {  	_ =	shalt  }
0x40: {  	_ =	shalt  }
0x41: {  	_ =	shalt  }
0x42: {  	_ =	shalt  }
0x43: {  	_ =	shalt  }
0x44: {  	_ =	shalt  }
0x45: {  	_ =	shalt  }
0x46: {  	_ =	shalt  }
0x47: {  	_ =	shalt  }
0x48: {  	_ =	shalt  }
0x49: {  	_ =	shalt  }
0x4a: {  	_ =	shalt  }
0x4b: {  	_ =	shalt  }
0x4c: {  	_ =	shalt  }
0x4d: {  	_ =	shalt  }
0x4e: {  	_ =	shalt  }
0x4f: {  	_ =	shalt  }
0x50: {  	_ =	shalt  }
0x51: {  	_ =	shalt  }
0x52: {  	_ =	shalt  }
0x53: {  	_ =	shalt  }
0x54: {  	_ =	shalt  }
0x55: {  	_ =	shalt  }
0x56: {  	_ =	shalt  }
0x57: {  	_ =	shalt  }
0x58: {  	_ =	shalt  }
0x59: {  	_ =	shalt  }
0x5a: {  	_ =	shalt  }
0x5b: {  	_ =	shalt  }
0x5c: {  	_ =	shalt  }
0x5d: {  	_ =	shalt  }
0x5e: {  	_ =	shalt  }
0x5f: {  	_ =	shalt  }
0x60: {  	_ =	shalt  }
0x61: {  	_ =	shalt  }
0x62: {  	_ =	shalt  }
0x63: {  	_ =	shalt  }
0x64: {  	_ =	shalt  }
0x65: {  	_ =	shalt  }
0x66: {  	_ =	shalt  }
0x67: {  	_ =	shalt  }
0x68: {  	_ =	shalt  }
0x69: {  	_ =	shalt  }
0x6a: {  	_ =	shalt  }
0x6b: {  	_ =	shalt  }
0x6c: {  	_ =	shalt  }
0x6d: {  	_ =	shalt  }
0x6e: {  	_ =	shalt  }
0x6f: {  	_ =	shalt  }
0x70: {  	_ =	shalt  }
0x71: {  	_ =	shalt  }
0x72: {  	_ =	shalt  }
0x73: {  	_ =	shalt  }
0x74: {  	_ =	shalt  }
0x75: {  	_ =	shalt  }
0x76: {  	_ =	shalt  }
0x77: {  	_ =	shalt  }
0x78: {  	_ =	shalt  }
0x79: {  	_ =	shalt  }
0x7a: {  	_ =	shalt  }
0x7b: {  	_ =	shalt  }
0x7c: {  	_ =	shalt  }
0x7d: {  	_ =	shalt  }
0x7e: {  	_ =	shalt  }
0x7f: {  	_ =	shalt  }
0x80: {  	_ =	shalt  }
0x81: {  	_ =	shalt  }
0x82: {  	_ =	shalt  }
0x83: {  	_ =	shalt  }
0x84: {  	_ =	shalt  }
0x85: {  	_ =	shalt  }
0x86: {  	_ =	shalt  }
0x87: {  	_ =	shalt  }
.Lfunc_end0:
.L_simem_size_0:
called_computation.3_lowered:
.L_overlay_start_0:
0x88: {  	s2 =	sld [smem:$0x3FD9]  }
0x89: {  	s3 =	sld [smem:$0x3FFE];
	_ =	sdelay $0x1  }
0x8a: {  	s1 =	srdreg.scid  }
0x8b: {  	s0 =	sand.u32 $0x1, s1  }
0x8c: {  	s16 =	sshll.u32 s0, $0xA;
	s2 =	sadd.s32 s3, s2  }
0x8d: {  	s2 =	sadd.s32 s2, s16  }
0x8e: {  	[smem:$0x3FBD] =	sst s2  }
0x8f: {  	_ = 	snop  }
0x90: {  	(tm) =	ssettm $0x1  }
0x91: {  	s17 =	sld [smem:$0x3FFB];
	_ =	sdelay $0x3  }
0x92: {  	_ =	strace s17  }
0x93: {  	s2 =	sld [smem:$0x3FFC];
	_ =	sdelay $0x3  }
0x94: {  	_ =	strace s2  }
0x95: {  	s2 =	sld [smem:$0x3FFD];
	_ =	sdelay $0x3  }
0x96: {  	_ =	strace s2  }
0x97: {  	_ =	strace $0x8FFFFFFF  }
0x98: {  	s18 =	sld [smem:$0x3FDB];
	_ =	sdelay $0x1  }
0x99: {  	s19 =	simm.s32 $_scs_section_size  }
0x9a: {  	s4 =	simm.s32 $_size__tile_overlayer_lowered;
	s5 =	simm.s32 $_tile_overlayer_lowered  }
0x9b: {  	s22 =	simm.s32 $0x1BFF;
	s21 =	sshll.u32 s5, $0x1;
	s2 =	sadd.s32 s19, s18  }
0x9c: {  	s6 =	simm.s32 $0x0;
	s20 =	sshll.u32 s4, $0x1;
	s4 =	sadd.s32 s21, s2  }
0x9d: {  	[timem:s6], [sflag:s22] =	dma.local [hbm:s4], s20  }
0x9e: {  	_ =	swait.ge [sflag:s22], s20  }
0x9f: {  	s3 =	ssub.s32 $0x0, s20;
	[sflag:s22] =	ssyncset.done $0x0  }
0xa0: {  	[sflag:s22] =	ssyncadd.s32 s3;
	_ =	sdelay $0x1  }
0xa1: {  	s23 =	simm.s32 $0x1B8B  }
0xa2: {  	_ =	swait.ge [sflag:s23], $0x1  }
0xa3: {  	[sflag:s23] =	ssyncset.done $0x0  }
0xa4: {  	s25 =	simm.s32 $0x1B8E;
	s24 =	sld [smem:$0x3FFE];
	[sflag:s23] =	ssyncadd.s32 $0xFFFFFFFF  }
0xa5: {  	s26 =	simm.s32 $execute0_lowered;
	[smem:$0x3FD2] =	sst s25  }
0xa6: {  	s4 =	sshll.u32 s26, $0x1;
	_ =	strace $0x8000004F;
	[dreg:$0x1] =	wrdreg $0xFFFFFFFF  }
0xa7: {  	s28 =	simm.s32 $_size_execute0_lowered;
	s2 =	sadd.s32 s2, s4;
	[dreg:$0x0] =	wrdreg $0x0  }
0xa8: {  	s4 =	sshll.u32 s28, $0x1;
	[dreg:$0x2] =	wrdreg s2  }
0xa9: {  	[dreg:$0x3] =	wrdreg s4  }
0xaa: {  	[dreg:$0x4] =	wrdreg $0xC0  }
0xab: {  	_ =	task [dreg:s6], $0x5FFFF  }
0xac: {  	[dreg:$0x1] =	wrdreg $0xFFFFFFFF  }
0xad: {  	[dreg:$0x0] =	wrdreg $0x60  }
0xae: {  	[dreg:$0x2] =	wrdreg s24  }
0xaf: {  	[dreg:$0x3] =	wrdreg $0xBE200  }
0xb0: {  	[dreg:$0x4] =	wrdreg $0x9  }
0xb1: {  	_ =	task.clear_ibuf [dreg:s6], $0x5FFFF;
	_ =	strace $0x9000004F  }
0xb2: {  	s29 =	simm.s32 $0x9;
	_ =	strace $0x80000051  }
0xb3: {  	_ =	swait.ge [sflag:s29], $0x1  }
0xb4: {  	[sflag:s29] =	ssyncadd.s32 $0xFFFFFFFF  }
0xb5: {  	_ =	strace $0x90000051  }
0xb6: {  	_ =	sfence  }
0xb7: {  	s30 =	sld [smem:$0x0];
	_ =	sdelay $0x2  }
0xb8: {  	s31 =	sshll.u32 s1, $0xD;
	s1 =	sshrl.u32 s1, $0x2  }
0xb9: {  	s3 =	sand.u32 $0x4000, s31;
	s1 =	sadd.s32 s1, s30  }
0xba: {  	s0 =	sor.u32 s3, s0;
	s1 =	sshll.u32 s1, $0x11  }
0xbb: {  	s0 =	sor.u32 s1, s0  }
0xbc: {  	s0 =	sadd.s32 $0x8F2B, s0  }
0xbd: {  	[sflag:s0] =	ssyncadd.remote.s32 $0x1  }
0xbe: {  	_ =	sfence.sel $0xFFFF  }
0xbf: {  	[dreg:$0x0] =	wrdreg $0xFFFFFFFF;
	(pc) =	sbr.abs _section_cstart, $3  }
0xc0: {  	[dreg:$0x1] =	wrdreg $0xFFFFFFFF  }
0xc1: {  	_ =	task.clear_ibuf [dreg:s6], $0x2FFFF;
	_ =	strace $0x9FFFFFFF  }
0xc2: {  	(tm) =	ssettm $0x7FFFFFFF  }
0xc3: {  	_ =	shalt  }
tec
execute0_lowered:
.L_overlay_start_1:
0x0: {  	(tag) =	ssettag $0x1  }
0x1: {  	s0 =	rddreg [dreg:$0x0]  }
0x2: {  	s1 =	rddreg [dreg:$0x1];
	s2 =	srdreg.scid  }
0x3: {  	s3 =	simm.s32 $0x0;
	s17 =	stileid.u32;
	s16 =	simm.s32 $0x3  }
0x4: {  	s22 =	simm.s32 $0x68;
	s23 =	simm.s32 $0x4E20;
	s30 =	simm.s32 $0x4DA8  }
0x5: {  	s31 =	simm.s32 $0x10;
	s2 =	sand.u32 $0x1, s2;
	[smem:$0x7FF] =	sst s3  }
0x6: {  	s8 =	smul.u32 $0x14000, s17;
	s14 =	sadd.s32 $0x79E00, s0;
	p0 =	seq.s32 s17, $0xF  }
0x7: {  	p3 =	sne.s32 s17, $0xF;
	s24 =	sadd.s32 $0x51200, s0;
	s11 =	sadd.s32 $0x78400, s0  }
0x8: {  	s28 =	sshll.u32 s17, $0x6;
	s4 =	sshll.u32 s2, $0x4;
	_ =	strace $0x80000050  }
0x9: {  	s6 =	ssub.s32 $0x2, s2;
	p1 =	seq.s32 s2, $0x0;
	p6 =	seq.s32 s2, $0x1  }
0xa: {  	s2 =	smul.u32 $0x138800, s2;
	[dreg:$0x3] =	wrdreg s24;
	s24 =	simm.s32 $0x8220  }
0xb: {  	s4 =	sor.u32 s17, s4;
	s10 =	sshrl.u32 s8, $0x3;
	s7 =	sshrl.u32 s6, $0x1  }
0xc: {  	p2 =	por !p1, !p3;
	p4 =	por !p1, !p0;
	p3 =	por !p3, !p6  }
0xd: {  	s5 =	smul.u32 $0x2710, s4;
	s4 =	sadd.s32 $0x2BA00, s0;
	s12 =	sadd.s32 s10, s0  }
0xe: {  	s15 =	ssub.s32 s6, s7;
	p1 =	por !p2, !p2;
	p2 =	por !p4, !p4  }
0xf: {  	s7 =	sadd.s32 $0x12C000, s1;
	p3 =	por !p3, !p3;
	p4 =	por !p0, !p6  }
0x10: {  	s10 =	sadd.s32 s4, s10;
	s12 =	sadd.s32 $0x52C00, s12;
	s15 =	smax.u32 s15, $0x1  }
0x11: {  	p4 =	por !p4, !p4;
	s5 =	sshrl.u32 s5, $0x3;
	[dreg:$0x4] =	wrdreg s10  }
0x12: {  	p4 =	por !p4, p3;
	s10 =	simm.s32 $0x4E10;
	s9 =	sadd.s32 s5, s0  }
0x13: {  	s0 =	sor.u32 $0x1C03, s28;
	s20 =	sshrl.u32 @!p4 s7, $0x3;
	s5 =	sadd.s32 $0x18000, s9  }
0x14: {  	s6 =	sadd.s32 $0x21C40, s9;
	s9 =	sadd.s32 s8, s1;
	s8 =	sadd.s32 s8, s2  }
0x15: {  	s2 =	sshrl.u32 s2, $0x3;
	[dreg:$0x5] =	wrdreg s0;
	s0 =	sshll.u32 @p3 s17, $0x6  }
0x16: {  	s25 =	sshrl.u32 s8, $0x3;
	s26 =	sadd.s32 s14, s2;
	s29 =	sshrl.u32 s9, $0x3  }
0x17: {  	s21 =	sor.u32 @p3 $0x1C03, s0;
	s0 =	simm.s32 $0x2700;
	s8 =	simm.s32 $0xB620  }
0x18: {  	s2 =	simm.s32 $0x0;
	s13 =	sadd.s32 s14, s25;
	s14 =	sadd.s32 $0x25800, s26  }
0x19: {  	[dreg:$0x6] =	wrdreg s29;
	s25 =	simm.s32 $0x1;
	s26 =	simm.s32 $0x2  }
.LBB2_1:
0x1a: {  	[tilespmem:s3], [sflag:$0x3] =	stream.linear.gather [hbm4b:s5+s3], $0x2710, $0x38;
	[tilespmem:$0x1F6A0] =	vst v63  }
0x1b: {  	_ =	swait.ge [sflag:s16], $0x2710  }
0x1c: {  	[sflag:s16] =	ssyncset.done $0x0  }
.Ltmp0:
0x1d: {  	s17 =	simm.s32 $0x2710;
	[sflag:s16] =	ssyncadd.s32 $0xFFFFD8F0;
	(pc) =	sbr.rel @!p1 .LBB2_4-.Ltmp0, $4  }
0x1e: {  	[tilespmem:s17], [sflag:$0x3] =	stream.linear.gather [hbm4b:s6+s3], $0x2710, $0x38;
	[tilespmem:$0x1F6A0] =	vst v63  }
0x1f: {  	_ =	swait.ge [sflag:s16], $0x2710  }
0x20: {  	[sflag:s16] =	ssyncset.done $0x0  }
0x21: {  	[sflag:s16] =	ssyncadd.s32 $0xFFFFD8F0  }
0x22: {  	s17 =	rddreg [dreg:$0x4]  }
0x23: {  	s18 =	rddreg [dreg:$0x5]  }
.Ltmp1:
0x24: {  	s19 =	rddreg [dreg:$0x6];
	(pc) =	sbr.rel .LBB2_3-.Ltmp1, $4  }
0x25: {  	[spmem:s19], [sflag:s18] =	dma.local [hbm:s17], $0x2800  }
0x26: {  	_ =	swait.ge [sflag:s16], $0x2800  }
0x27: {  	[sflag:s16] =	ssyncset.done $0x0  }
0x28: {  	[sflag:s16] =	ssyncadd.s32 $0xFFFFD800  }
.LBB2_4:
.Ltmp2:
0x29: {  	(pc) =	sbr.rel @!p2 .LBB2_3-.Ltmp2, $1  }
0x2a: {  	_ =	sdelay $0x3  }
0x2b: {  	s17 =	sshrl.u32 s7, $0x3  }
.Ltmp3:
0x2c: {  	s18 =	rddreg [dreg:$0x3];
	s19 =	simm.s32 $0x1FC3;
	(pc) =	sbr.rel .LBB2_6-.Ltmp3, $4  }
0x2d: {  	[spmem:s17], [sflag:s19] =	dma.local [hbm:s18], $0x1900  }
0x2e: {  	_ =	swait.ge [sflag:s16], $0x1900  }
0x2f: {  	[sflag:s16] =	ssyncset.done $0x0  }
0x30: {  	[sflag:s16] =	ssyncadd.s32 $0xFFFFE700  }
.LBB2_3:
0x31: {  	s17 =	simm.s32 @!p4 $0x1FC3  }
0x32: {  	[spmem:s20], [sflag:s17] =	dma.local @!p4 [hbm:s11], $0x1900  }
0x33: {  	s17 =	simm.s32 @!p4 $0x3  }
0x34: {  	_ =	swait.ge @!p4 [sflag:s17], $0x1900  }
0x35: {  	[sflag:s17] =	ssyncset.done @!p4 $0x0  }
0x36: {  	[sflag:s17] =	ssyncadd.s32 @!p4 $0xFFFFE700;
	s17 =	sshrl.u32 @p3 s9, $0x3  }
0x37: {  	[spmem:s17], [sflag:s21] =	dma.local @p3 [hbm:s12], $0x2800  }
0x38: {  	s17 =	simm.s32 @p3 $0x3  }
0x39: {  	_ =	swait.ge @p3 [sflag:s17], $0x2800  }
0x3a: {  	[sflag:s17] =	ssyncset.done @p3 $0x0  }
0x3b: {  	[sflag:s17] =	ssyncadd.s32 @p3 $0xFFFFD800  }
.LBB2_6:
0x3c: {  	[bflag:$0x0] =	sbarrier.arrive $0xFFFF;
	s17 =	simm.s32 $0x0  }
0x3d: {  	[tilespmem:s23], [sflag:$0x1] =	stream.indirect.gather [hbm4b:s4+s22], $0x80, s17, s22, $0xb8;
	[tilespmem:$0x1F6A0] =	vst v63  }
0x3e: {  	s18 =	simm.s32 $0x68  }
0x3f: {  	[tilespmem:s24], [sflag:$0x2] =	stream.indirect.gather [hbm4b:s4+s22], $0x80, s18, s22, $0xb8;
	[tilespmem:$0x1F6A0] =	vst v63  }
0x40: {  	_ =	swait.ge [sflag:s25], $0x3400  }
0x41: {  	[sflag:s25] =	ssyncset.done $0x0  }
0x42: {  	s19 =	simm.s32 $0x2710;
	[sflag:s25] =	ssyncadd.s32 $0xFFFFCC00  }
0x43: {  	[spmem:s1] =	stream.indirect.scatter.add.f32 [tilespmem:s23], [sflag:$0x3], $0x80, s19, s22, $0xb8;
	[tilespmem:$0x1F6A0] =	vst v63  }
0x44: {  	_ =	swait.ge [sflag:s16], $0x3400  }
0x45: {  	[sflag:s16] =	ssyncset.done $0x0  }
0x46: {  	s28 =	simm.s32 $0xD0;
	[sflag:s16] =	ssyncadd.s32 $0xFFFFCC00  }
0x47: {  	[tilespmem:s23], [sflag:$0x1] =	stream.indirect.gather [hbm4b:s4+s22], $0x80, s28, s22, $0xb8;
	[tilespmem:$0x1F6A0] =	vst v63  }
0x48: {  	_ =	swait.ge [sflag:s26], $0x3400  }
0x49: {  	[sflag:s26] =	ssyncset.done $0x0  }
0x4a: {  	s29 =	simm.s32 $0x2778;
	[sflag:s26] =	ssyncadd.s32 $0xFFFFCC00  }
0x4b: {  	[spmem:s1] =	stream.indirect.scatter.add.f32 [tilespmem:s24], [sflag:$0x3], $0x80, s29, s22, $0xb8;
	[tilespmem:$0x1F6A0] =	vst v63  }
0x4c: {  	_ =	swait.ge [sflag:s16], $0x3400  }
0x4d: {  	s17 =	simm.s32 $0xD0;
	s18 =	simm.s32 $0x680;
	[sflag:s16] =	ssyncset.done $0x0  }
.LBB2_7:
0x4e: {  	s19 =	sadd.s32 $0x68, s17  }
0x4f: {  	[sflag:s16] =	ssyncadd.s32 $0xFFFFCC00;
	s28 =	smov.u32 s18;
	s29 =	sadd.s32 $0x340, s18  }
0x50: {  	[tilespmem:s24], [sflag:$0x2] =	stream.indirect.gather [hbm4b:s4+s22], $0x80, s19, s22, $0xb8;
	[tilespmem:$0x1F6A0] =	vst v63  }
0x51: {  	p5 =	sne.s32 s18, $0x9580;
	_ =	swait.ge [sflag:s25], $0x3400  }
0x52: {  	[sflag:s25] =	ssyncset.done $0x0  }
0x53: {  	s18 =	sadd.s32 $0x2710, s17;
	[sflag:s25] =	ssyncadd.s32 $0xFFFFCC00  }
0x54: {  	[spmem:s1] =	stream.indirect.scatter.add.f32 [tilespmem:s23], [sflag:$0x3], $0x80, s18, s22, $0xb8;
	[tilespmem:$0x1F6A0] =	vst v63  }
0x55: {  	_ =	swait.ge [sflag:s16], $0x3400  }
0x56: {  	[sflag:s16] =	ssyncset.done $0x0  }
0x57: {  	s18 =	sadd.s32 $0xD0, s17;
	[sflag:s16] =	ssyncadd.s32 $0xFFFFCC00  }
0x58: {  	[tilespmem:s23], [sflag:$0x1] =	stream.indirect.gather [hbm4b:s4+s22], $0x80, s18, s22, $0xb8;
	[tilespmem:$0x1F6A0] =	vst v63  }
0x59: {  	_ =	swait.ge [sflag:s26], $0x3400  }
.Ltmp4:
0x5a: {  	[sflag:s26] =	ssyncset.done $0x0;
	(pc) =	sbr.rel @p5 .LBB2_7-.Ltmp4, $4  }
0x5b: {  	s17 =	sadd.s32 $0x2778, s17;
	[sflag:s26] =	ssyncadd.s32 $0xFFFFCC00  }
0x5c: {  	[spmem:s1] =	stream.indirect.scatter.add.f32 [tilespmem:s24], [sflag:$0x3], $0x80, s17, s22, $0xb8;
	[tilespmem:$0x1F6A0] =	vst v63  }
0x5d: {  	_ =	swait.ge [sflag:s16], $0x3400  }
0x5e: {  	s18 =	smov.u32 s29;
	s17 =	sshra.s32 s28, $0x2;
	[sflag:s16] =	ssyncset.done $0x0  }
0x5f: {  	s18 =	sadd.s32 $0x68, s17;
	[sflag:s16] =	ssyncadd.s32 $0xFFFFCC00  }
0x60: {  	[tilespmem:s24], [sflag:$0x2] =	stream.indirect.gather [hbm4b:s4+s22], $0x80, s18, s22, $0xb8;
	[tilespmem:$0x1F6A0] =	vst v63  }
0x61: {  	_ =	swait.ge [sflag:s25], $0x3400  }
0x62: {  	[sflag:s25] =	ssyncset.done $0x0  }
0x63: {  	s28 =	sadd.s32 $0x2710, s17;
	[sflag:s25] =	ssyncadd.s32 $0xFFFFCC00  }
0x64: {  	[spmem:s1] =	stream.indirect.scatter.add.f32 [tilespmem:s23], [sflag:$0x3], $0x80, s28, s22, $0xb8;
	[tilespmem:$0x1F6A0] =	vst v63  }
0x65: {  	_ =	swait.ge [sflag:s16], $0x3400  }
0x66: {  	[sflag:s16] =	ssyncset.done $0x0  }
0x67: {  	s29 =	sadd.s32 $0xD0, s17;
	[sflag:s16] =	ssyncadd.s32 $0xFFFFCC00  }
0x68: {  	[tilespmem:s23], [sflag:$0x1] =	stream.indirect.gather [hbm4b:s4+s22], $0x80, s29, s22, $0xb8;
	[tilespmem:$0x1F6A0] =	vst v63  }
0x69: {  	_ =	swait.ge [sflag:s26], $0x3400  }
0x6a: {  	[sflag:s26] =	ssyncset.done $0x0  }
0x6b: {  	s19 =	sadd.s32 $0x2778, s17;
	[sflag:s26] =	ssyncadd.s32 $0xFFFFCC00  }
0x6c: {  	[spmem:s1] =	stream.indirect.scatter.add.f32 [tilespmem:s24], [sflag:$0x3], $0x80, s19, s22, $0xb8;
	[tilespmem:$0x1F6A0] =	vst v63  }
0x6d: {  	_ =	swait.ge [sflag:s16], $0x3400  }
0x6e: {  	[sflag:s16] =	ssyncset.done $0x0  }
0x6f: {  	s28 =	simm.s32 $0x2698;
	[sflag:s16] =	ssyncadd.s32 $0xFFFFCC00  }
0x70: {  	[tilespmem:s24], [sflag:$0x2] =	stream.indirect.gather [hbm4b:s4+s22], $0x80, s28, s22, $0xb8;
	[tilespmem:$0x1F6A0] =	vst v63  }
0x71: {  	_ =	swait.ge [sflag:s25], $0x3400  }
0x72: {  	[sflag:s25] =	ssyncset.done $0x0  }
0x73: {  	s29 =	simm.s32 $0x4D40;
	[sflag:s25] =	ssyncadd.s32 $0xFFFFCC00  }
0x74: {  	[spmem:s1] =	stream.indirect.scatter.add.f32 [tilespmem:s23], [sflag:$0x3], $0x80, s29, s22, $0xb8;
	[tilespmem:$0x1F6A0] =	vst v63  }
0x75: {  	_ =	swait.ge [sflag:s16], $0x3400  }
0x76: {  	[sflag:s16] =	ssyncset.done $0x0  }
0x77: {  	[sflag:s16] =	ssyncadd.s32 $0xFFFFCC00  }
0x78: {  	_ =	swait.ge [sflag:s26], $0x3400  }
0x79: {  	[sflag:s26] =	ssyncset.done $0x0  }
0x7a: {  	[sflag:s26] =	ssyncadd.s32 $0xFFFFCC00  }
0x7b: {  	[spmem:s1] =	stream.indirect.scatter.add.f32 [tilespmem:s24], [sflag:$0x3], $0x80, s30, s22, $0xb8;
	[tilespmem:$0x1F6A0] =	vst v63  }
0x7c: {  	_ =	swait.ge [sflag:s16], $0x3400  }
0x7d: {  	[sflag:s16] =	ssyncset.done $0x0  }
0x7e: {  	[sflag:s16] =	ssyncadd.s32 $0xFFFFCC00  }
0x7f: {  	[tilespmem:s8], [sflag:$0x3] =	stream.indirect.gather [hbm4b:s4+s31], $0x80, s0, s31, $0xb8;
	[tilespmem:$0x1F6A0] =	vst v63  }
0x80: {  	_ =	swait.ge [sflag:s16], $0x800  }
0x81: {  	[sflag:s16] =	ssyncset.done $0x0  }
0x82: {  	[sflag:s16] =	ssyncadd.s32 $0xFFFFF800  }
0x83: {  	[spmem:s1] =	stream.indirect.scatter.add.f32 [tilespmem:s8], [sflag:$0x3], $0x80, s10, s31, $0xb8;
	[tilespmem:$0x1F6A0] =	vst v63  }
0x84: {  	_ =	swait.ge [sflag:s16], $0x800  }
0x85: {  	[sflag:s16] =	ssyncset.done $0x0  }
0x86: {  	[sflag:s16] =	ssyncadd.s32 $0xFFFFF800  }
0x87: {  	s17 =	sshrl.u32 @p0 s7, $0x3;
	s18 =	simm.s32 @p0 $0x1FC3;
	[bflag:$0x0] =	sbarrier.arrive $0xFFFF  }
0x88: {  	[hbm:s14], [sflag:s18] =	dma.local @p0 [spmem:s17], $0x1900  }
0x89: {  	s17 =	simm.s32 @p0 $0x3  }
0x8a: {  	s2 =	sadd.s32 $0x1, s2;
	s18 =	stileid.u32;
	_ =	swait.ge @p0 [sflag:s17], $0x1900  }
0x8b: {  	p5 =	sne.s32 s2, s15;
	s18 =	sshll.u32 @!p0 s18, $0x6;
	[sflag:s17] =	ssyncset.done @p0 $0x0  }
0x8c: {  	[sflag:s17] =	ssyncadd.s32 @p0 $0xFFFFE700;
	s17 =	sor.u32 @!p0 $0x1C03, s18;
	s18 =	sshrl.u32 @!p0 s9, $0x3  }
0x8d: {  	[hbm:s13], [sflag:s17] =	dma.local @!p0 [spmem:s18], $0x2800  }
.Ltmp5:
0x8e: {  	_ = 	snop;
	(pc) =	sbr.rel @p5 .LBB2_1-.Ltmp5, $4  }
0x8f: {  	s17 =	simm.s32 @!p0 $0x3  }
0x90: {  	_ =	swait.ge @!p0 [sflag:s17], $0x2800  }
0x91: {  	[sflag:s17] =	ssyncset.done @!p0 $0x0  }
0x92: {  	[sflag:s17] =	ssyncadd.s32 @!p0 $0xFFFFD800  }
0x93: {  	_ =	sfence.sel $0x180000  }
0x94: {  	[bflag:$0x0] =	sbarrier.arrive $0xFFFF  }
0x95: {  	_ =	strace $0x90000050  }
0x96: {  	s0 =	stileid.u32;
	[bflag:$0x2] =	sbarrier.arrive $0xFFFF  }
0x97: {  	p0 =	sne.s32 s0, $0x0;
	s0 =	rddreg [dreg:$0x2]  }
0x98: {  	s0 =	sadd.s32 @!p0 $0x100000, s0  }
0x99: {  	[sflag:s0] =	ssyncadd.tile.s32 @!p0 $0x1;
	_ =	shalt  }
.Lfunc_end2:
_tile_overlayer_lowered:
.L_overlay_start_2:
0x9a: {  	(tag) =	ssettag $0x2  }
0x9b: {  	s0 =	rddreg [dreg:$0x0];
	s2 =	stileid.u32  }
0x9c: {  	s1 =	rddreg [dreg:$0x1];
	p0 =	sne.s32 s2, $0x0  }
0x9d: {  	s3 =	rddreg [dreg:$0x2];
	[bflag:$0x3] =	sbarrier.arrive $0xFFFF;
	s2 =	simm.s32 @!p0 $0x1C03  }
0x9e: {  	[timem:s3], [sflag:s2] =	dma.local @!p0 [hbm:s0], s1  }
0x9f: {  	s0 =	simm.s32 @!p0 $0x3  }
0xa0: {  	_ =	swait.ge @!p0 [sflag:s0], s1  }
0xa1: {  	s1 =	ssub.s32 @!p0 $0x0, s1;
	[sflag:s0] =	ssyncset.done @!p0 $0x0  }
0xa2: {  	[sflag:s0] =	ssyncadd.s32 @!p0 s1  }
0xa3: {  	[bflag:$0x3] =	sbarrier.arrive $0xFFFF  }
0xa4: {  	_ =	shalt  }

</sc_bundles>
